<compile_context>
chip_gen: v7x
topology: tpu7x:2x2x1
jax: 0.10.2.dev20260603
libtpu: 0.0.44.dev20260713+nightly
codegen_flags: <defaults>
</compile_context>

<pallas_src>
import functools

import jax
import jax.numpy as jnp
from jax import lax
from jax.experimental import pallas as pl
from jax.experimental.pallas import tpu as pltpu
from jax.experimental.pallas import tpu_sc as plsc

_DIM = 128
_NBATCH = 2
_V = _DIM * _DIM * _DIM
_N = _NBATCH * _V
_NS = 16
_PER_W = _V // _NS
_CH = 2048
_NG = _CH // 16
_GCH = _PER_W // _CH
_HALO = 16513
_PAD = 16544
_OFFS = (0, 1, 128, 129, 16384, 16385, 16512, 16513)
_W2 = _CH + 160
_TAIL0 = 18432

_mesh = plsc.VectorSubcoreMesh(
    core_axis_name="c", subcore_axis_name="s", num_cores=2, num_subcores=16
)
_params = pltpu.CompilerParams(
    needs_layout_passes=False, use_tc_tiling_on_sc=False)


@functools.partial(
    pl.kernel,
    out_type=(
        jax.ShapeDtypeStruct((_N, 8), jnp.float32),
        jax.ShapeDtypeStruct((_N,), jnp.float32),
    ),
    mesh=_mesh,
    scratch_types=[
        pltpu.VMEM((2, _W2), jnp.float32),
        pltpu.VMEM((2, _W2), jnp.float32),
        pltpu.VMEM((_CH, 8), jnp.float32),
        pltpu.VMEM((_CH, 8), jnp.float32),
        pltpu.SemaphoreType.DMA,
        pltpu.SemaphoreType.DMA,
        pltpu.SemaphoreType.DMA,
        pltpu.SemaphoreType.DMA,
        pltpu.VMEM((3 * _CH,), jnp.float32),
        pltpu.VMEM((3 * _CH,), jnp.float32),
        pltpu.VMEM((_CH,), jnp.int32),
        pltpu.VMEM((_CH,), jnp.int32),
        pltpu.VMEM((3, _CH), jnp.float32),
        pltpu.VMEM((3, _CH), jnp.float32),
        pltpu.VMEM((_CH, 8), jnp.float32),
        pltpu.VMEM((_CH, 8), jnp.float32),
        pltpu.VMEM((_CH,), jnp.float32),
        pltpu.SemaphoreType.DMA,
        pltpu.SemaphoreType.DMA,
        pltpu.SemaphoreType.DMA,
        pltpu.SemaphoreType.DMA,
    ],
    compiler_params=_params,
)
def _warp(ddf_hbm, img_hbm, tail_hbm, tab_hbm, out_hbm,
          img_a, img_b, tab_a, tab_b, sem_ia, sem_ib, sem_ta, sem_tb,
          ddf_a, ddf_b, idx_a, idx_b, w_a, w_b, gat_a, gat_b,
          out_v, sem_da, sem_db, sem_ga, sem_gb):
    core = lax.axis_index("c")
    sub = lax.axis_index("s")
    tile_base = core * _V + sub * _PER_W
    iota = lax.iota(jnp.int32, 16)

    build_bufs = ((img_a, tab_a, sem_ia, sem_ta),
                  (img_b, tab_b, sem_ib, sem_tb))

    def img_start(g, par):
        img_v, _, sem_i, _ = build_bufs[par]
        for w in (0, 1):
            s = tile_base + g * _CH + w * 16384

            @pl.when(s <= _N - _W2)
            def _():
                pltpu.async_copy(
                    img_hbm.at[pl.ds(s, _W2)], img_v.at[w], sem_i)

            @pl.when(s > _N - _W2)
            def _():
                pltpu.async_copy(
                    tail_hbm.at[pl.ds(s - (_N - _TAIL0), _W2)],
                    img_v.at[w], sem_i)

    def img_wait(par):
        img_v, _, sem_i, _ = build_bufs[par]
        for w in (0, 1):
            pltpu.make_async_copy(
                img_hbm.at[pl.ds(0, _W2)], img_v.at[w], sem_i).wait()

    def tab_slice(g):
        return tab_hbm.at[pl.ds(tile_base + g * _CH, _CH), :]

    def build_half(g, par):
        img_v, tab_v, _, sem_t = build_bufs[par]
        img_wait(par)

        @pl.when(g >= 2)
        def _():
            pltpu.make_async_copy(tab_v, tab_slice(g - 2), sem_t).wait()

        @plsc.parallel_loop(0, _NG, unroll=1)
        def group_body(i):
            o = i * 16
            rows = o + iota
            for c, off in enumerate(_OFFS):
                w, off2 = (0, off) if off < 16384 else (1, off - 16384)
                v = img_v[w, pl.ds(o + off2, 16)]
                plsc.store_scatter(
                    tab_v, [rows, jnp.full((16,), c, jnp.int32)], v)

        plsc.subcore_barrier()
        pltpu.async_copy(tab_v, tab_slice(g), sem_t)
        img_start(jnp.minimum(g + 2, _GCH - 1), par)

    img_start(0, 0)
    img_start(1, 1)

    def build_pair(k, _):
        build_half(2 * k, 0)
        build_half(2 * k + 1, 1)
        return _

    lax.fori_loop(0, _GCH // 2, build_pair, None)
    pltpu.make_async_copy(tab_a, tab_slice(_GCH - 2), sem_ta).wait()
    pltpu.make_async_copy(tab_b, tab_slice(_GCH - 1), sem_tb).wait()
    img_wait(0)
    img_wait(1)

    plsc.subcore_barrier()

    def axis_split(coord_i, d, hi):
        loc = coord_i.astype(jnp.float32) + d
        loc = jnp.minimum(jnp.maximum(loc, 0.0), float(hi))
        f_i = jnp.minimum(loc.astype(jnp.int32), hi - 1)
        w = loc - f_i.astype(jnp.float32)
        return f_i, w

    batch_base = core << 21
    bufs = ((ddf_a, idx_a, w_a, gat_a, sem_da, sem_ga),
            (ddf_b, idx_b, w_b, gat_b, sem_db, sem_gb))

    def ddf_slice(g):
        return ddf_hbm.at[pl.ds((tile_base + g * _CH) * 3, 3 * _CH)]

    def ddf_start(g, par):
        pltpu.async_copy(ddf_slice(g), bufs[par][0], bufs[par][4])

    def ddf_wait(g, par):
        pltpu.make_async_copy(ddf_slice(g), bufs[par][0], bufs[par][4]).wait()

    def idx_phase(g, par):
        ddf_v, idx_v, w_v = bufs[par][0], bufs[par][1], bufs[par][2]
        base = tile_base + g * _CH

        def idx_group(o):
            sl = pl.ds(o, 16)
            dbase = (o >> 7) * 384 + (o & 127)
            dx = ddf_v[pl.ds(dbase, 16)]
            dy = ddf_v[pl.ds(dbase + 128, 16)]
            dz = ddf_v[pl.ds(dbase + 256, 16)]
            row = base + o
            ix, wx = axis_split((row >> 14) & 127, dx, 127)
            iy, wy = axis_split((row >> 7) & 127, dy, 127)
            iz, wz = axis_split((o & 127) + iota, dz, 127)
            idx_v[sl] = (batch_base + (ix << 14)) + ((iy << 7) + iz)
            w_v[0, sl] = wx
            w_v[1, sl] = wy
            w_v[2, sl] = wz

        @plsc.parallel_loop(0, _NG, unroll=1)
        def idx_body(i):
            idx_group(i * 16)

    def gather_start(par):
        pltpu.async_copy(
            tab_hbm.at[bufs[par][1]], bufs[par][3], bufs[par][5])

    def gather_wait(par):
        pltpu.make_async_copy(
            tab_hbm.at[bufs[par][1]], bufs[par][3], bufs[par][5]).wait()

    def blend_phase(g, par):
        w_v, gat_v = bufs[par][2], bufs[par][3]
        base = tile_base + g * _CH

        def blend_group(o):
            sl = pl.ds(o, 16)
            wx = w_v[0, sl]
            wy = w_v[1, sl]
            wz = w_v[2, sl]
            row = o + iota

            def corner(c):
                return plsc.load_gather(
                    gat_v, [row, jnp.full((16,), c, jnp.int32)])

            c00 = corner(0)
            c00 += wz * (corner(1) - c00)
            c01 = corner(2)
            c01 += wz * (corner(3) - c01)
            c10 = corner(4)
            c10 += wz * (corner(5) - c10)
            c11 = corner(6)
            c11 += wz * (corner(7) - c11)
            c0 = c00 + wy * (c01 - c00)
            c1 = c10 + wy * (c11 - c10)
            out_v[sl] = c0 + wx * (c1 - c0)

        @plsc.parallel_loop(0, _NG, unroll=1)
        def blend_body(i):
            blend_group(i * 16)

        plsc.subcore_barrier()
        pltpu.sync_copy(out_v, out_hbm.at[pl.ds(base, _CH)])

    ddf_start(0, 0)
    ddf_start(1, 1)

    def pipe_pair(k, _):
        g0 = 2 * k
        g1 = g0 + 1
        ddf_wait(g0, 0)
        idx_phase(g0, 0)
        plsc.subcore_barrier()
        gather_start(0)
        ddf_start(jnp.minimum(g0 + 2, _GCH - 1), 0)
        ddf_wait(g1, 1)
        idx_phase(g1, 1)
        plsc.subcore_barrier()
        gather_start(1)
        ddf_start(jnp.minimum(g1 + 2, _GCH - 1), 1)
        gather_wait(0)
        blend_phase(g0, 0)
        gather_wait(1)
        blend_phase(g1, 1)
        return _

    lax.fori_loop(0, _GCH // 2, pipe_pair, None)
    ddf_wait(_GCH - 1, 0)
    ddf_wait(_GCH - 1, 1)


def kernel(ddf, image):
    img_flat = image.reshape(-1)
    tail = jnp.concatenate(
        [img_flat[_N - _TAIL0:], jnp.zeros((_PAD,), dtype=img_flat.dtype)])
    ddf_t = jnp.transpose(ddf, (0, 1, 2, 4, 3)).reshape(-1)
    _, out_flat = _warp(ddf_t, img_flat, tail)
    return out_flat.reshape(image.shape)

# --- scband reference (transcript-rebuilt; emitter-appended) ---
"""Pipeline reference for scband-warping-77988016161140 (READ-ONLY COPY).

The authoritative reference and input builder live on the scoring server;
editing this copy changes nothing except your own understanding.
"""

import jax, jax.numpy as jnp
import numpy as np

FIXED_IMAGE_SIZE = (128, 128, 128)

def get_reference_grid(grid_size):
    gs = [jnp.arange(s, dtype=jnp.float32) for s in grid_size]
    return jnp.stack(jnp.meshgrid(gs[0], gs[1], gs[2], indexing='ij'), axis=-1)

def _batched_gather(vol, i, j, k):
    # vol: [b, d1, d2, d3]; i/j/k: [b, f1, f2, f3] int32
    return jax.vmap(lambda v, a, b, c: v[a, b, c])(vol, i, j, k)

def resample(vol, loc):
    # vol: [b, m1, m2, m3]; loc: [b, f1, f2, f3, 3] -> [b, f1, f2, f3]
    dims = vol.shape[1:4]
    coords = []
    i0s, i1s, ws = [], [], []
    for axis in range(3):
        x = jnp.clip(loc[..., axis], 0.0, float(dims[axis] - 1))
        f = jnp.floor(x)
        f = jnp.clip(f, 0.0, float(dims[axis] - 2)) if dims[axis] > 1 else f * 0.0
        i0 = f.astype(jnp.int32)
        i1 = jnp.clip(i0 + 1, 0, dims[axis] - 1)
        w = x - f
        i0s.append(i0); i1s.append(i1); ws.append(w)
    wx, wy, wz = ws
    def corner(ix, iy, iz):
        return _batched_gather(vol, ix, iy, iz)
    c000 = corner(i0s[0], i0s[1], i0s[2])
    c001 = corner(i0s[0], i0s[1], i1s[2])
    c010 = corner(i0s[0], i1s[1], i0s[2])
    c011 = corner(i0s[0], i1s[1], i1s[2])
    c100 = corner(i1s[0], i0s[1], i0s[2])
    c101 = corner(i1s[0], i0s[1], i1s[2])
    c110 = corner(i1s[0], i1s[1], i0s[2])
    c111 = corner(i1s[0], i1s[1], i1s[2])
    c00 = c000 * (1 - wz) + c001 * wz
    c01 = c010 * (1 - wz) + c011 * wz
    c10 = c100 * (1 - wz) + c101 * wz
    c11 = c110 * (1 - wz) + c111 * wz
    c0 = c00 * (1 - wy) + c01 * wy
    c1 = c10 * (1 - wy) + c11 * wy
    return c0 * (1 - wx) + c1 * wx

def setup_inputs(seed: int = 0) -> dict:
    key = jax.random.key(seed)
    k1, k2 = jax.random.split(key)
    ddf = jax.random.normal(k1, (2, 128, 128, 128, 3), dtype=jnp.float32)
    image = jax.random.uniform(k2, (2, 128, 128, 128), dtype=jnp.float32)
    return {"ddf": ddf, "image": image}

def reference(ddf, image):
    grid_ref = get_reference_grid(FIXED_IMAGE_SIZE)[None]  # [1, f1, f2, f3, 3]
    grid_warped = grid_ref + ddf
    return resample(image, grid_warped)

if __name__ == "__main__":
    import jax
    _d = setup_inputs()
    print(jax.jit(kernel)(*tuple(_d.values())))

</pallas_src>

<mosaic_0001>
#map = affine_map<(d0, d1) -> (0)>
#map1 = affine_map<(d0, d1) -> (0, 0)>
module attributes {stable_mosaic.version = 14 : i64} {
  func.func @_warp(%arg0: i32, %arg1: i32, %arg2: memref<12582912xf32, #tpu.memory_space<hbm>>, %arg3: memref<4194304xf32, #tpu.memory_space<hbm>>, %arg4: memref<34976xf32, #tpu.memory_space<hbm>>, %arg5: memref<4194304x8xf32, #tpu.memory_space<hbm>>, %arg6: memref<4194304xf32, #tpu.memory_space<hbm>>, %arg7: memref<2x2208xf32, #tpu.memory_space<vmem>>, %arg8: memref<2x2208xf32, #tpu.memory_space<vmem>>, %arg9: memref<2048x8xf32, #tpu.memory_space<vmem>>, %arg10: memref<2048x8xf32, #tpu.memory_space<vmem>>, %arg11: memref<!tpu.dma_semaphore, #tpu.memory_space<semaphore_mem>>, %arg12: memref<!tpu.dma_semaphore, #tpu.memory_space<semaphore_mem>>, %arg13: memref<!tpu.dma_semaphore, #tpu.memory_space<semaphore_mem>>, %arg14: memref<!tpu.dma_semaphore, #tpu.memory_space<semaphore_mem>>, %arg15: memref<6144xf32, #tpu.memory_space<vmem>>, %arg16: memref<6144xf32, #tpu.memory_space<vmem>>, %arg17: memref<2048xi32, #tpu.memory_space<vmem>>, %arg18: memref<2048xi32, #tpu.memory_space<vmem>>, %arg19: memref<3x2048xf32, #tpu.memory_space<vmem>>, %arg20: memref<3x2048xf32, #tpu.memory_space<vmem>>, %arg21: memref<2048x8xf32, #tpu.memory_space<vmem>>, %arg22: memref<2048x8xf32, #tpu.memory_space<vmem>>, %arg23: memref<2048xf32, #tpu.memory_space<vmem>>, %arg24: memref<!tpu.dma_semaphore, #tpu.memory_space<semaphore_mem>>, %arg25: memref<!tpu.dma_semaphore, #tpu.memory_space<semaphore_mem>>, %arg26: memref<!tpu.dma_semaphore, #tpu.memory_space<semaphore_mem>>, %arg27: memref<!tpu.dma_semaphore, #tpu.memory_space<semaphore_mem>>) attributes {dimension_semantics = [#tpu.dimension_semantics<core_parallel>, #tpu.dimension_semantics<subcore_parallel>], iteration_bounds = array<i64: 2, 16>, scalar_prefetch = 0 : i64, scratch_operands = 21 : i64, tpu.core_type = #tpu.core_type<sc_vector_subcore>, window_params = [{transform_indices = #map}, {transform_indices = #map}, {transform_indices = #map}, {transform_indices = #map1}, {transform_indices = #map}]} {
    %mul3A = arith.constant 2097152 : i32
    %mul3A_0 = arith.muli %arg0, %mul3A : i32
    %mul3A_1 = arith.constant 131072 : i32
    %mul3A_2 = arith.muli %arg1, %mul3A_1 : i32
    %add3A = arith.addi %mul3A_0, %mul3A_2 : i32
    %iota3A = tpu.iota {dimensions = array<i32: 0>} : vector<16xi32>
    %add3A_3 = arith.constant 0 : i32
    %add3A_4 = arith.addi %add3A, %add3A_3 : i32
    %add3A_5 = arith.constant 0 : i32
    %add3A_6 = arith.addi %add3A_4, %add3A_5 : i32
    %le3A = arith.constant 4192096 : i32
    %le3A_7 = arith.cmpi sle, %add3A_6, %le3A : i32
    %convert_element_type3A = arith.extui %le3A_7 : i1 to i32
    %cond3A = arith.constant 0 : i32
    %cond3A_8 = arith.cmpi ne, %convert_element_type3A, %cond3A : i32
    scf.if %cond3A_8 {
      %dma_start3A_143 = arith.constant 0 : i32
      %dma_start3A_144 = arith.constant 0 : i32
      %dma_start3A_145 = tpu.memref_slice %arg7[%dma_start3A_143, %dma_start3A_144] : memref<2x2208xf32, #tpu.memory_space<vmem>> -> memref<1x2208xf32, #tpu.memory_space<vmem>>
      %dma_start3A_146 = tpu.memref_squeeze %dma_start3A_145 : memref<1x2208xf32, #tpu.memory_space<vmem>> -> memref<2208xf32, #tpu.memory_space<vmem>>
      %dma_start3A_147 = tpu.memref_slice %arg3[%add3A_6] : memref<4194304xf32, #tpu.memory_space<hbm>> -> memref<2208xf32, #tpu.memory_space<hbm>>
      %dma_start3A_148 = arith.constant 0 : i32
      %dma_start3A_149 = tpu.memref_slice %arg7[%dma_start3A_143, %dma_start3A_148] : memref<2x2208xf32, #tpu.memory_space<vmem>> -> memref<1x2208xf32, #tpu.memory_space<vmem>>
      %dma_start3A_150 = tpu.memref_squeeze %dma_start3A_149 : memref<1x2208xf32, #tpu.memory_space<vmem>> -> memref<2208xf32, #tpu.memory_space<vmem>>
      %dma_start3A_151 = tpu.memref_slice %arg3[%add3A_6] : memref<4194304xf32, #tpu.memory_space<hbm>> -> memref<2208xf32, #tpu.memory_space<hbm>>
      tpu.enqueue_dma source(%dma_start3A_151 : memref<2208xf32, #tpu.memory_space<hbm>>) target(%dma_start3A_150 : memref<2208xf32, #tpu.memory_space<vmem>>) target_semaphore(%arg11 : memref<!tpu.dma_semaphore, #tpu.memory_space<semaphore_mem>>)
    } else {
    }
    %gt3A = arith.constant 4192096 : i32
    %gt3A_9 = arith.cmpi sgt, %add3A_6, %gt3A : i32
    %convert_element_type3A_10 = arith.extui %gt3A_9 : i1 to i32
    %cond3A_11 = arith.constant 0 : i32
    %cond3A_12 = arith.cmpi ne, %convert_element_type3A_10, %cond3A_11 : i32
    scf.if %cond3A_12 {
      %sub3A = arith.constant 4175872 : i32
      %sub3A_143 = arith.subi %add3A_6, %sub3A : i32
      %dma_start3A_144 = arith.constant 0 : i32
      %dma_start3A_145 = arith.constant 0 : i32
      %dma_start3A_146 = tpu.memref_slice %arg7[%dma_start3A_144, %dma_start3A_145] : memref<2x2208xf32, #tpu.memory_space<vmem>> -> memref<1x2208xf32, #tpu.memory_space<vmem>>
      %dma_start3A_147 = tpu.memref_squeeze %dma_start3A_146 : memref<1x2208xf32, #tpu.memory_space<vmem>> -> memref<2208xf32, #tpu.memory_space<vmem>>
      %dma_start3A_148 = tpu.memref_slice %arg4[%sub3A_143] : memref<34976xf32, #tpu.memory_space<hbm>> -> memref<2208xf32, #tpu.memory_space<hbm>>
      %dma_start3A_149 = arith.constant 0 : i32
      %dma_start3A_150 = tpu.memref_slice %arg7[%dma_start3A_144, %dma_start3A_149] : memref<2x2208xf32, #tpu.memory_space<vmem>> -> memref<1x2208xf32, #tpu.memory_space<vmem>>
      %dma_start3A_151 = tpu.memref_squeeze %dma_start3A_150 : memref<1x2208xf32, #tpu.memory_space<vmem>> -> memref<2208xf32, #tpu.memory_space<vmem>>
      %dma_start3A_152 = tpu.memref_slice %arg4[%sub3A_143] : memref<34976xf32, #tpu.memory_space<hbm>> -> memref<2208xf32, #tpu.memory_space<hbm>>
      tpu.enqueue_dma source(%dma_start3A_152 : memref<2208xf32, #tpu.memory_space<hbm>>) target(%dma_start3A_151 : memref<2208xf32, #tpu.memory_space<vmem>>) target_semaphore(%arg11 : memref<!tpu.dma_semaphore, #tpu.memory_space<semaphore_mem>>)
    } else {
    }
    %add3A_13 = arith.constant 0 : i32
    %add3A_14 = arith.addi %add3A, %add3A_13 : i32
    %add3A_15 = arith.constant 16384 : i32
    %add3A_16 = arith.addi %add3A_14, %add3A_15 : i32
    %le3A_17 = arith.constant 4192096 : i32
    %le3A_18 = arith.cmpi sle, %add3A_16, %le3A_17 : i32
    %convert_element_type3A_19 = arith.extui %le3A_18 : i1 to i32
    %cond3A_20 = arith.constant 0 : i32
    %cond3A_21 = arith.cmpi ne, %convert_element_type3A_19, %cond3A_20 : i32
    scf.if %cond3A_21 {
      %dma_start3A_143 = arith.constant 1 : i32
      %dma_start3A_144 = arith.constant 0 : i32
      %dma_start3A_145 = tpu.memref_slice %arg7[%dma_start3A_143, %dma_start3A_144] : memref<2x2208xf32, #tpu.memory_space<vmem>> -> memref<1x2208xf32, #tpu.memory_space<vmem>>
      %dma_start3A_146 = tpu.memref_squeeze %dma_start3A_145 : memref<1x2208xf32, #tpu.memory_space<vmem>> -> memref<2208xf32, #tpu.memory_space<vmem>>
      %dma_start3A_147 = tpu.memref_slice %arg3[%add3A_16] : memref<4194304xf32, #tpu.memory_space<hbm>> -> memref<2208xf32, #tpu.memory_space<hbm>>
      %dma_start3A_148 = arith.constant 0 : i32
      %dma_start3A_149 = tpu.memref_slice %arg7[%dma_start3A_143, %dma_start3A_148] : memref<2x2208xf32, #tpu.memory_space<vmem>> -> memref<1x2208xf32, #tpu.memory_space<vmem>>
      %dma_start3A_150 = tpu.memref_squeeze %dma_start3A_149 : memref<1x2208xf32, #tpu.memory_space<vmem>> -> memref<2208xf32, #tpu.memory_space<vmem>>
      %dma_start3A_151 = tpu.memref_slice %arg3[%add3A_16] : memref<4194304xf32, #tpu.memory_space<hbm>> -> memref<2208xf32, #tpu.memory_space<hbm>>
      tpu.enqueue_dma source(%dma_start3A_151 : memref<2208xf32, #tpu.memory_space<hbm>>) target(%dma_start3A_150 : memref<2208xf32, #tpu.memory_space<vmem>>) target_semaphore(%arg11 : memref<!tpu.dma_semaphore, #tpu.memory_space<semaphore_mem>>)
    } else {
    }
    %gt3A_22 = arith.constant 4192096 : i32
    %gt3A_23 = arith.cmpi sgt, %add3A_16, %gt3A_22 : i32
    %convert_element_type3A_24 = arith.extui %gt3A_23 : i1 to i32
    %cond3A_25 = arith.constant 0 : i32
    %cond3A_26 = arith.cmpi ne, %convert_element_type3A_24, %cond3A_25 : i32
    scf.if %cond3A_26 {
      %sub3A = arith.constant 4175872 : i32
      %sub3A_143 = arith.subi %add3A_16, %sub3A : i32
      %dma_start3A_144 = arith.constant 1 : i32
      %dma_start3A_145 = arith.constant 0 : i32
      %dma_start3A_146 = tpu.memref_slice %arg7[%dma_start3A_144, %dma_start3A_145] : memref<2x2208xf32, #tpu.memory_space<vmem>> -> memref<1x2208xf32, #tpu.memory_space<vmem>>
      %dma_start3A_147 = tpu.memref_squeeze %dma_start3A_146 : memref<1x2208xf32, #tpu.memory_space<vmem>> -> memref<2208xf32, #tpu.memory_space<vmem>>
      %dma_start3A_148 = tpu.memref_slice %arg4[%sub3A_143] : memref<34976xf32, #tpu.memory_space<hbm>> -> memref<2208xf32, #tpu.memory_space<hbm>>
      %dma_start3A_149 = arith.constant 0 : i32
      %dma_start3A_150 = tpu.memref_slice %arg7[%dma_start3A_144, %dma_start3A_149] : memref<2x2208xf32, #tpu.memory_space<vmem>> -> memref<1x2208xf32, #tpu.memory_space<vmem>>
      %dma_start3A_151 = tpu.memref_squeeze %dma_start3A_150 : memref<1x2208xf32, #tpu.memory_space<vmem>> -> memref<2208xf32, #tpu.memory_space<vmem>>
      %dma_start3A_152 = tpu.memref_slice %arg4[%sub3A_143] : memref<34976xf32, #tpu.memory_space<hbm>> -> memref<2208xf32, #tpu.memory_space<hbm>>
      tpu.enqueue_dma source(%dma_start3A_152 : memref<2208xf32, #tpu.memory_space<hbm>>) target(%dma_start3A_151 : memref<2208xf32, #tpu.memory_space<vmem>>) target_semaphore(%arg11 : memref<!tpu.dma_semaphore, #tpu.memory_space<semaphore_mem>>)
    } else {
    }
    %add3A_27 = arith.constant 2048 : i32
    %add3A_28 = arith.addi %add3A, %add3A_27 : i32
    %add3A_29 = arith.constant 0 : i32
    %add3A_30 = arith.addi %add3A_28, %add3A_29 : i32
    %le3A_31 = arith.constant 4192096 : i32
    %le3A_32 = arith.cmpi sle, %add3A_30, %le3A_31 : i32
    %convert_element_type3A_33 = arith.extui %le3A_32 : i1 to i32
    %cond3A_34 = arith.constant 0 : i32
    %cond3A_35 = arith.cmpi ne, %convert_element_type3A_33, %cond3A_34 : i32
    scf.if %cond3A_35 {
      %dma_start3A_143 = arith.constant 0 : i32
      %dma_start3A_144 = arith.constant 0 : i32
      %dma_start3A_145 = tpu.memref_slice %arg8[%dma_start3A_143, %dma_start3A_144] : memref<2x2208xf32, #tpu.memory_space<vmem>> -> memref<1x2208xf32, #tpu.memory_space<vmem>>
      %dma_start3A_146 = tpu.memref_squeeze %dma_start3A_145 : memref<1x2208xf32, #tpu.memory_space<vmem>> -> memref<2208xf32, #tpu.memory_space<vmem>>
      %dma_start3A_147 = tpu.memref_slice %arg3[%add3A_30] : memref<4194304xf32, #tpu.memory_space<hbm>> -> memref<2208xf32, #tpu.memory_space<hbm>>
      %dma_start3A_148 = arith.constant 0 : i32
      %dma_start3A_149 = tpu.memref_slice %arg8[%dma_start3A_143, %dma_start3A_148] : memref<2x2208xf32, #tpu.memory_space<vmem>> -> memref<1x2208xf32, #tpu.memory_space<vmem>>
      %dma_start3A_150 = tpu.memref_squeeze %dma_start3A_149 : memref<1x2208xf32, #tpu.memory_space<vmem>> -> memref<2208xf32, #tpu.memory_space<vmem>>
      %dma_start3A_151 = tpu.memref_slice %arg3[%add3A_30] : memref<4194304xf32, #tpu.memory_space<hbm>> -> memref<2208xf32, #tpu.memory_space<hbm>>
      tpu.enqueue_dma source(%dma_start3A_151 : memref<2208xf32, #tpu.memory_space<hbm>>) target(%dma_start3A_150 : memref<2208xf32, #tpu.memory_space<vmem>>) target_semaphore(%arg12 : memref<!tpu.dma_semaphore, #tpu.memory_space<semaphore_mem>>)
    } else {
    }
    %gt3A_36 = arith.constant 4192096 : i32
    %gt3A_37 = arith.cmpi sgt, %add3A_30, %gt3A_36 : i32
    %convert_element_type3A_38 = arith.extui %gt3A_37 : i1 to i32
    %cond3A_39 = arith.constant 0 : i32
    %cond3A_40 = arith.cmpi ne, %convert_element_type3A_38, %cond3A_39 : i32
    scf.if %cond3A_40 {
      %sub3A = arith.constant 4175872 : i32
      %sub3A_143 = arith.subi %add3A_30, %sub3A : i32
      %dma_start3A_144 = arith.constant 0 : i32
      %dma_start3A_145 = arith.constant 0 : i32
      %dma_start3A_146 = tpu.memref_slice %arg8[%dma_start3A_144, %dma_start3A_145] : memref<2x2208xf32, #tpu.memory_space<vmem>> -> memref<1x2208xf32, #tpu.memory_space<vmem>>
      %dma_start3A_147 = tpu.memref_squeeze %dma_start3A_146 : memref<1x2208xf32, #tpu.memory_space<vmem>> -> memref<2208xf32, #tpu.memory_space<vmem>>
      %dma_start3A_148 = tpu.memref_slice %arg4[%sub3A_143] : memref<34976xf32, #tpu.memory_space<hbm>> -> memref<2208xf32, #tpu.memory_space<hbm>>
      %dma_start3A_149 = arith.constant 0 : i32
      %dma_start3A_150 = tpu.memref_slice %arg8[%dma_start3A_144, %dma_start3A_149] : memref<2x2208xf32, #tpu.memory_space<vmem>> -> memref<1x2208xf32, #tpu.memory_space<vmem>>
      %dma_start3A_151 = tpu.memref_squeeze %dma_start3A_150 : memref<1x2208xf32, #tpu.memory_space<vmem>> -> memref<2208xf32, #tpu.memory_space<vmem>>
      %dma_start3A_152 = tpu.memref_slice %arg4[%sub3A_143] : memref<34976xf32, #tpu.memory_space<hbm>> -> memref<2208xf32, #tpu.memory_space<hbm>>
      tpu.enqueue_dma source(%dma_start3A_152 : memref<2208xf32, #tpu.memory_space<hbm>>) target(%dma_start3A_151 : memref<2208xf32, #tpu.memory_space<vmem>>) target_semaphore(%arg12 : memref<!tpu.dma_semaphore, #tpu.memory_space<semaphore_mem>>)
    } else {
    }
    %add3A_41 = arith.constant 2048 : i32
    %add3A_42 = arith.addi %add3A, %add3A_41 : i32
    %add3A_43 = arith.constant 16384 : i32
    %add3A_44 = arith.addi %add3A_42, %add3A_43 : i32
    %le3A_45 = arith.constant 4192096 : i32
    %le3A_46 = arith.cmpi sle, %add3A_44, %le3A_45 : i32
    %convert_element_type3A_47 = arith.extui %le3A_46 : i1 to i32
    %cond3A_48 = arith.constant 0 : i32
    %cond3A_49 = arith.cmpi ne, %convert_element_type3A_47, %cond3A_48 : i32
    scf.if %cond3A_49 {
      %dma_start3A_143 = arith.constant 1 : i32
      %dma_start3A_144 = arith.constant 0 : i32
      %dma_start3A_145 = tpu.memref_slice %arg8[%dma_start3A_143, %dma_start3A_144] : memref<2x2208xf32, #tpu.memory_space<vmem>> -> memref<1x2208xf32, #tpu.memory_space<vmem>>
      %dma_start3A_146 = tpu.memref_squeeze %dma_start3A_145 : memref<1x2208xf32, #tpu.memory_space<vmem>> -> memref<2208xf32, #tpu.memory_space<vmem>>
      %dma_start3A_147 = tpu.memref_slice %arg3[%add3A_44] : memref<4194304xf32, #tpu.memory_space<hbm>> -> memref<2208xf32, #tpu.memory_space<hbm>>
      %dma_start3A_148 = arith.constant 0 : i32
      %dma_start3A_149 = tpu.memref_slice %arg8[%dma_start3A_143, %dma_start3A_148] : memref<2x2208xf32, #tpu.memory_space<vmem>> -> memref<1x2208xf32, #tpu.memory_space<vmem>>
      %dma_start3A_150 = tpu.memref_squeeze %dma_start3A_149 : memref<1x2208xf32, #tpu.memory_space<vmem>> -> memref<2208xf32, #tpu.memory_space<vmem>>
      %dma_start3A_151 = tpu.memref_slice %arg3[%add3A_44] : memref<4194304xf32, #tpu.memory_space<hbm>> -> memref<2208xf32, #tpu.memory_space<hbm>>
      tpu.enqueue_dma source(%dma_start3A_151 : memref<2208xf32, #tpu.memory_space<hbm>>) target(%dma_start3A_150 : memref<2208xf32, #tpu.memory_space<vmem>>) target_semaphore(%arg12 : memref<!tpu.dma_semaphore, #tpu.memory_space<semaphore_mem>>)
    } else {
    }
    %gt3A_50 = arith.constant 4192096 : i32
    %gt3A_51 = arith.cmpi sgt, %add3A_44, %gt3A_50 : i32
    %convert_element_type3A_52 = arith.extui %gt3A_51 : i1 to i32
    %cond3A_53 = arith.constant 0 : i32
    %cond3A_54 = arith.cmpi ne, %convert_element_type3A_52, %cond3A_53 : i32
    scf.if %cond3A_54 {
      %sub3A = arith.constant 4175872 : i32
      %sub3A_143 = arith.subi %add3A_44, %sub3A : i32
      %dma_start3A_144 = arith.constant 1 : i32
      %dma_start3A_145 = arith.constant 0 : i32
      %dma_start3A_146 = tpu.memref_slice %arg8[%dma_start3A_144, %dma_start3A_145] : memref<2x2208xf32, #tpu.memory_space<vmem>> -> memref<1x2208xf32, #tpu.memory_space<vmem>>
      %dma_start3A_147 = tpu.memref_squeeze %dma_start3A_146 : memref<1x2208xf32, #tpu.memory_space<vmem>> -> memref<2208xf32, #tpu.memory_space<vmem>>
      %dma_start3A_148 = tpu.memref_slice %arg4[%sub3A_143] : memref<34976xf32, #tpu.memory_space<hbm>> -> memref<2208xf32, #tpu.memory_space<hbm>>
      %dma_start3A_149 = arith.constant 0 : i32
      %dma_start3A_150 = tpu.memref_slice %arg8[%dma_start3A_144, %dma_start3A_149] : memref<2x2208xf32, #tpu.memory_space<vmem>> -> memref<1x2208xf32, #tpu.memory_space<vmem>>
      %dma_start3A_151 = tpu.memref_squeeze %dma_start3A_150 : memref<1x2208xf32, #tpu.memory_space<vmem>> -> memref<2208xf32, #tpu.memory_space<vmem>>
      %dma_start3A_152 = tpu.memref_slice %arg4[%sub3A_143] : memref<34976xf32, #tpu.memory_space<hbm>> -> memref<2208xf32, #tpu.memory_space<hbm>>
      tpu.enqueue_dma source(%dma_start3A_152 : memref<2208xf32, #tpu.memory_space<hbm>>) target(%dma_start3A_151 : memref<2208xf32, #tpu.memory_space<vmem>>) target_semaphore(%arg12 : memref<!tpu.dma_semaphore, #tpu.memory_space<semaphore_mem>>)
    } else {
    }
    %scan3A = arith.constant 0 : i32
    %scan3A_55 = arith.constant 32 : i32
    %scan3A_56 = arith.addi %scan3A, %scan3A_55 : i32
    %scan3A_57 = arith.constant 1 : i32
    scf.for %scan3A_143 = %scan3A to %scan3A_56 step %scan3A_57  : i32 {
      %mul3A_144 = arith.constant 2 : i32
      %mul3A_145 = arith.muli %mul3A_144, %scan3A_143 : i32
      %dma_wait3A_146 = arith.constant 0 : i32
      %dma_wait3A_147 = arith.constant 0 : i32
      %dma_wait3A_148 = tpu.memref_slice %arg7[%dma_wait3A_146, %dma_wait3A_147] : memref<2x2208xf32, #tpu.memory_space<vmem>> -> memref<1x2208xf32, #tpu.memory_space<vmem>>
      %dma_wait3A_149 = tpu.memref_squeeze %dma_wait3A_148 : memref<1x2208xf32, #tpu.memory_space<vmem>> -> memref<2208xf32, #tpu.memory_space<vmem>>
      %dma_wait3A_150 = arith.constant 0 : i32
      %dma_wait3A_151 = tpu.memref_slice %arg3[%dma_wait3A_150] : memref<4194304xf32, #tpu.memory_space<hbm>> -> memref<2208xf32, #tpu.memory_space<hbm>>
      %dma_wait3A_152 = arith.constant 0 : i32
      %dma_wait3A_153 = tpu.memref_slice %arg7[%dma_wait3A_146, %dma_wait3A_152] : memref<2x2208xf32, #tpu.memory_space<vmem>> -> memref<1x2208xf32, #tpu.memory_space<vmem>>
      %dma_wait3A_154 = tpu.memref_squeeze %dma_wait3A_153 : memref<1x2208xf32, #tpu.memory_space<vmem>> -> memref<2208xf32, #tpu.memory_space<vmem>>
      %dma_wait3A_155 = arith.constant 0 : i32
      %dma_wait3A_156 = tpu.memref_slice %arg3[%dma_wait3A_155] : memref<4194304xf32, #tpu.memory_space<hbm>> -> memref<2208xf32, #tpu.memory_space<hbm>>
      tpu.wait_dma2 semaphore(%arg11 : memref<!tpu.dma_semaphore, #tpu.memory_space<semaphore_mem>>) src(%dma_wait3A_156 : memref<2208xf32, #tpu.memory_space<hbm>>) dst(%dma_wait3A_154 : memref<2208xf32, #tpu.memory_space<vmem>>)
      %dma_wait3A_157 = arith.constant 1 : i32
      %dma_wait3A_158 = arith.constant 0 : i32
      %dma_wait3A_159 = tpu.memref_slice %arg7[%dma_wait3A_157, %dma_wait3A_158] : memref<2x2208xf32, #tpu.memory_space<vmem>> -> memref<1x2208xf32, #tpu.memory_space<vmem>>
      %dma_wait3A_160 = tpu.memref_squeeze %dma_wait3A_159 : memref<1x2208xf32, #tpu.memory_space<vmem>> -> memref<2208xf32, #tpu.memory_space<vmem>>
      %dma_wait3A_161 = arith.constant 0 : i32
      %dma_wait3A_162 = tpu.memref_slice %arg3[%dma_wait3A_161] : memref<4194304xf32, #tpu.memory_space<hbm>> -> memref<2208xf32, #tpu.memory_space<hbm>>
      %dma_wait3A_163 = arith.constant 0 : i32
      %dma_wait3A_164 = tpu.memref_slice %arg7[%dma_wait3A_157, %dma_wait3A_163] : memref<2x2208xf32, #tpu.memory_space<vmem>> -> memref<1x2208xf32, #tpu.memory_space<vmem>>
      %dma_wait3A_165 = tpu.memref_squeeze %dma_wait3A_164 : memref<1x2208xf32, #tpu.memory_space<vmem>> -> memref<2208xf32, #tpu.memory_space<vmem>>
      %dma_wait3A_166 = arith.constant 0 : i32
      %dma_wait3A_167 = tpu.memref_slice %arg3[%dma_wait3A_166] : memref<4194304xf32, #tpu.memory_space<hbm>> -> memref<2208xf32, #tpu.memory_space<hbm>>
      tpu.wait_dma2 semaphore(%arg11 : memref<!tpu.dma_semaphore, #tpu.memory_space<semaphore_mem>>) src(%dma_wait3A_167 : memref<2208xf32, #tpu.memory_space<hbm>>) dst(%dma_wait3A_165 : memref<2208xf32, #tpu.memory_space<vmem>>)
      %ge3A = arith.constant 2 : i32
      %ge3A_168 = arith.cmpi sge, %mul3A_145, %ge3A : i32
      %convert_element_type3A_169 = arith.extui %ge3A_168 : i1 to i32
      %cond3A_170 = arith.constant 0 : i32
      %cond3A_171 = arith.cmpi ne, %convert_element_type3A_169, %cond3A_170 : i32
      scf.if %cond3A_171 {
        %sub3A = arith.constant 2 : i32
        %sub3A_291 = arith.subi %mul3A_145, %sub3A : i32
        %mul3A_292 = arith.constant 2048 : i32
        %mul3A_293 = arith.muli %sub3A_291, %mul3A_292 : i32
        %add3A_294 = arith.addi %add3A, %mul3A_293 : i32
        %dma_wait3A_295 = arith.constant 0 : i32
        %dma_wait3A_296 = tpu.memref_slice %arg5[%add3A_294, %dma_wait3A_295] : memref<4194304x8xf32, #tpu.memory_space<hbm>> -> memref<2048x8xf32, #tpu.memory_space<hbm>>
        %dma_wait3A_297 = arith.constant 0 : i32
        %dma_wait3A_298 = tpu.memref_slice %arg5[%add3A_294, %dma_wait3A_297] : memref<4194304x8xf32, #tpu.memory_space<hbm>> -> memref<2048x8xf32, #tpu.memory_space<hbm>>
        tpu.wait_dma2 semaphore(%arg13 : memref<!tpu.dma_semaphore, #tpu.memory_space<semaphore_mem>>) src(%arg9 : memref<2048x8xf32, #tpu.memory_space<vmem>>) dst(%dma_wait3A_298 : memref<2048x8xf32, #tpu.memory_space<hbm>>)
      } else {
      }
      %parallel_loop3A = arith.constant 0 : i32
      %parallel_loop3A_172 = arith.constant 128 : i32
      %parallel_loop3A_173 = arith.constant 1 : i32
      scf.for %parallel_loop3A_291 = %parallel_loop3A to %parallel_loop3A_172 step %parallel_loop3A_173  : i32 {
        %parallel_loop3A_292 = arith.constant 16 : i32
        %parallel_loop3A_293 = arith.muli %parallel_loop3A_291, %parallel_loop3A_292 : i32
        %parallel_loop3A_294 = vector.broadcast %parallel_loop3A_293 : i32 to vector<16xi32>
        %parallel_loop3A_295 = arith.addi %parallel_loop3A_294, %iota3A : vector<16xi32>
        %parallel_loop3A_296 = arith.constant 0 : i32
        %parallel_loop3A_297 = arith.addi %parallel_loop3A_293, %parallel_loop3A_296 : i32
        %parallel_loop3A_298 = arith.constant 0 : i32
        %parallel_loop3A_299 = arith.index_cast %parallel_loop3A_298 : i32 to index
        %parallel_loop3A_300 = arith.index_cast %parallel_loop3A_297 : i32 to index
        %parallel_loop3A_301 = tpu.vector_load %arg7[%parallel_loop3A_299, %parallel_loop3A_300] {strides = array<i32>} : memref<2x2208xf32, #tpu.memory_space<vmem>>, vector<16xf32>,
        %parallel_loop3A_302 = arith.constant 0 : i32
        %parallel_loop3A_303 = vector.broadcast %parallel_loop3A_302 : i32 to vector<16xi32>
        tpu.vector_store_idx %arg9[%parallel_loop3A_295, %parallel_loop3A_303], %parallel_loop3A_301 : memref<2048x8xf32, #tpu.memory_space<vmem>>[vector<16xi32>, vector<16xi32>], vector<16xf32>,
        %parallel_loop3A_304 = arith.constant 1 : i32
        %parallel_loop3A_305 = arith.addi %parallel_loop3A_293, %parallel_loop3A_304 : i32
        %parallel_loop3A_306 = arith.constant 0 : i32
        %parallel_loop3A_307 = arith.index_cast %parallel_loop3A_306 : i32 to index
        %parallel_loop3A_308 = arith.index_cast %parallel_loop3A_305 : i32 to index
        %parallel_loop3A_309 = tpu.vector_load %arg7[%parallel_loop3A_307, %parallel_loop3A_308] {strides = array<i32>} : memref<2x2208xf32, #tpu.memory_space<vmem>>, vector<16xf32>,
        %parallel_loop3A_310 = arith.constant 1 : i32
        %parallel_loop3A_311 = vector.broadcast %parallel_loop3A_310 : i32 to vector<16xi32>
        tpu.vector_store_idx %arg9[%parallel_loop3A_295, %parallel_loop3A_311], %parallel_loop3A_309 : memref<2048x8xf32, #tpu.memory_space<vmem>>[vector<16xi32>, vector<16xi32>], vector<16xf32>,
        %parallel_loop3A_312 = arith.constant 128 : i32
        %parallel_loop3A_313 = arith.addi %parallel_loop3A_293, %parallel_loop3A_312 : i32
        %parallel_loop3A_314 = arith.constant 0 : i32
        %parallel_loop3A_315 = arith.index_cast %parallel_loop3A_314 : i32 to index
        %parallel_loop3A_316 = arith.index_cast %parallel_loop3A_313 : i32 to index
        %parallel_loop3A_317 = tpu.vector_load %arg7[%parallel_loop3A_315, %parallel_loop3A_316] {strides = array<i32>} : memref<2x2208xf32, #tpu.memory_space<vmem>>, vector<16xf32>,
        %parallel_loop3A_318 = arith.constant 2 : i32
        %parallel_loop3A_319 = vector.broadcast %parallel_loop3A_318 : i32 to vector<16xi32>
        tpu.vector_store_idx %arg9[%parallel_loop3A_295, %parallel_loop3A_319], %parallel_loop3A_317 : memref<2048x8xf32, #tpu.memory_space<vmem>>[vector<16xi32>, vector<16xi32>], vector<16xf32>,
        %parallel_loop3A_320 = arith.constant 129 : i32
        %parallel_loop3A_321 = arith.addi %parallel_loop3A_293, %parallel_loop3A_320 : i32
        %parallel_loop3A_322 = arith.constant 0 : i32
        %parallel_loop3A_323 = arith.index_cast %parallel_loop3A_322 : i32 to index
        %parallel_loop3A_324 = arith.index_cast %parallel_loop3A_321 : i32 to index
        %parallel_loop3A_325 = tpu.vector_load %arg7[%parallel_loop3A_323, %parallel_loop3A_324] {strides = array<i32>} : memref<2x2208xf32, #tpu.memory_space<vmem>>, vector<16xf32>,
        %parallel_loop3A_326 = arith.constant 3 : i32
        %parallel_loop3A_327 = vector.broadcast %parallel_loop3A_326 : i32 to vector<16xi32>
        tpu.vector_store_idx %arg9[%parallel_loop3A_295, %parallel_loop3A_327], %parallel_loop3A_325 : memref<2048x8xf32, #tpu.memory_space<vmem>>[vector<16xi32>, vector<16xi32>], vector<16xf32>,
        %parallel_loop3A_328 = arith.constant 0 : i32
        %parallel_loop3A_329 = arith.addi %parallel_loop3A_293, %parallel_loop3A_328 : i32
        %parallel_loop3A_330 = arith.constant 1 : i32
        %parallel_loop3A_331 = arith.index_cast %parallel_loop3A_330 : i32 to index
        %parallel_loop3A_332 = arith.index_cast %parallel_loop3A_329 : i32 to index
        %parallel_loop3A_333 = tpu.vector_load %arg7[%parallel_loop3A_331, %parallel_loop3A_332] {strides = array<i32>} : memref<2x2208xf32, #tpu.memory_space<vmem>>, vector<16xf32>,
        %parallel_loop3A_334 = arith.constant 4 : i32
        %parallel_loop3A_335 = vector.broadcast %parallel_loop3A_334 : i32 to vector<16xi32>
        tpu.vector_store_idx %arg9[%parallel_loop3A_295, %parallel_loop3A_335], %parallel_loop3A_333 : memref<2048x8xf32, #tpu.memory_space<vmem>>[vector<16xi32>, vector<16xi32>], vector<16xf32>,
        %parallel_loop3A_336 = arith.constant 1 : i32
        %parallel_loop3A_337 = arith.addi %parallel_loop3A_293, %parallel_loop3A_336 : i32
        %parallel_loop3A_338 = arith.constant 1 : i32
        %parallel_loop3A_339 = arith.index_cast %parallel_loop3A_338 : i32 to index
        %parallel_loop3A_340 = arith.index_cast %parallel_loop3A_337 : i32 to index
        %parallel_loop3A_341 = tpu.vector_load %arg7[%parallel_loop3A_339, %parallel_loop3A_340] {strides = array<i32>} : memref<2x2208xf32, #tpu.memory_space<vmem>>, vector<16xf32>,
        %parallel_loop3A_342 = arith.constant 5 : i32
        %parallel_loop3A_343 = vector.broadcast %parallel_loop3A_342 : i32 to vector<16xi32>
        tpu.vector_store_idx %arg9[%parallel_loop3A_295, %parallel_loop3A_343], %parallel_loop3A_341 : memref<2048x8xf32, #tpu.memory_space<vmem>>[vector<16xi32>, vector<16xi32>], vector<16xf32>,
        %parallel_loop3A_344 = arith.constant 128 : i32
        %parallel_loop3A_345 = arith.addi %parallel_loop3A_293, %parallel_loop3A_344 : i32
        %parallel_loop3A_346 = arith.constant 1 : i32
        %parallel_loop3A_347 = arith.index_cast %parallel_loop3A_346 : i32 to index
        %parallel_loop3A_348 = arith.index_cast %parallel_loop3A_345 : i32 to index
        %parallel_loop3A_349 = tpu.vector_load %arg7[%parallel_loop3A_347, %parallel_loop3A_348] {strides = array<i32>} : memref<2x2208xf32, #tpu.memory_space<vmem>>, vector<16xf32>,
        %parallel_loop3A_350 = arith.constant 6 : i32
        %parallel_loop3A_351 = vector.broadcast %parallel_loop3A_350 : i32 to vector<16xi32>
        tpu.vector_store_idx %arg9[%parallel_loop3A_295, %parallel_loop3A_351], %parallel_loop3A_349 : memref<2048x8xf32, #tpu.memory_space<vmem>>[vector<16xi32>, vector<16xi32>], vector<16xf32>,
        %parallel_loop3A_352 = arith.constant 129 : i32
        %parallel_loop3A_353 = arith.addi %parallel_loop3A_293, %parallel_loop3A_352 : i32
        %parallel_loop3A_354 = arith.constant 1 : i32
        %parallel_loop3A_355 = arith.index_cast %parallel_loop3A_354 : i32 to index
        %parallel_loop3A_356 = arith.index_cast %parallel_loop3A_353 : i32 to index
        %parallel_loop3A_357 = tpu.vector_load %arg7[%parallel_loop3A_355, %parallel_loop3A_356] {strides = array<i32>} : memref<2x2208xf32, #tpu.memory_space<vmem>>, vector<16xf32>,
        %parallel_loop3A_358 = arith.constant 7 : i32
        %parallel_loop3A_359 = vector.broadcast %parallel_loop3A_358 : i32 to vector<16xi32>
        tpu.vector_store_idx %arg9[%parallel_loop3A_295, %parallel_loop3A_359], %parallel_loop3A_357 : memref<2048x8xf32, #tpu.memory_space<vmem>>[vector<16xi32>, vector<16xi32>], vector<16xf32>,
      } {sc.loop_unroll_factor = 1 : i64, sc.parallel_access}
      %barrier3A_174 = arith.constant 0 : index
      tpu.barrier barrier_id(%barrier3A_174)
      %mul3A_175 = arith.constant 2048 : i32
      %mul3A_176 = arith.muli %mul3A_145, %mul3A_175 : i32
      %add3A_177 = arith.addi %add3A, %mul3A_176 : i32
      %dma_start3A_178 = arith.constant 0 : i32
      %dma_start3A_179 = tpu.memref_slice %arg5[%add3A_177, %dma_start3A_178] : memref<4194304x8xf32, #tpu.memory_space<hbm>> -> memref<2048x8xf32, #tpu.memory_space<hbm>>
      %dma_start3A_180 = arith.constant 0 : i32
      %dma_start3A_181 = tpu.memref_slice %arg5[%add3A_177, %dma_start3A_180] : memref<4194304x8xf32, #tpu.memory_space<hbm>> -> memref<2048x8xf32, #tpu.memory_space<hbm>>
      tpu.enqueue_dma source(%arg9 : memref<2048x8xf32, #tpu.memory_space<vmem>>) target(%dma_start3A_181 : memref<2048x8xf32, #tpu.memory_space<hbm>>) target_semaphore(%arg13 : memref<!tpu.dma_semaphore, #tpu.memory_space<semaphore_mem>>)
      %add3A_182 = arith.constant 2 : i32
      %add3A_183 = arith.addi %mul3A_145, %add3A_182 : i32
      %min3A = arith.constant 63 : i32
      %min3A_184 = arith.minsi %add3A_183, %min3A : i32
      %mul3A_185 = arith.constant 2048 : i32
      %mul3A_186 = arith.muli %min3A_184, %mul3A_185 : i32
      %add3A_187 = arith.addi %add3A, %mul3A_186 : i32
      %add3A_188 = arith.constant 0 : i32
      %add3A_189 = arith.addi %add3A_187, %add3A_188 : i32
      %le3A_190 = arith.constant 4192096 : i32
      %le3A_191 = arith.cmpi sle, %add3A_189, %le3A_190 : i32
      %convert_element_type3A_192 = arith.extui %le3A_191 : i1 to i32
      %cond3A_193 = arith.constant 0 : i32
      %cond3A_194 = arith.cmpi ne, %convert_element_type3A_192, %cond3A_193 : i32
      scf.if %cond3A_194 {
        %dma_start3A_291 = arith.constant 0 : i32
        %dma_start3A_292 = arith.constant 0 : i32
        %dma_start3A_293 = tpu.memref_slice %arg7[%dma_start3A_291, %dma_start3A_292] : memref<2x2208xf32, #tpu.memory_space<vmem>> -> memref<1x2208xf32, #tpu.memory_space<vmem>>
        %dma_start3A_294 = tpu.memref_squeeze %dma_start3A_293 : memref<1x2208xf32, #tpu.memory_space<vmem>> -> memref<2208xf32, #tpu.memory_space<vmem>>
        %dma_start3A_295 = tpu.memref_slice %arg3[%add3A_189] : memref<4194304xf32, #tpu.memory_space<hbm>> -> memref<2208xf32, #tpu.memory_space<hbm>>
        %dma_start3A_296 = arith.constant 0 : i32
        %dma_start3A_297 = tpu.memref_slice %arg7[%dma_start3A_291, %dma_start3A_296] : memref<2x2208xf32, #tpu.memory_space<vmem>> -> memref<1x2208xf32, #tpu.memory_space<vmem>>
        %dma_start3A_298 = tpu.memref_squeeze %dma_start3A_297 : memref<1x2208xf32, #tpu.memory_space<vmem>> -> memref<2208xf32, #tpu.memory_space<vmem>>
        %dma_start3A_299 = tpu.memref_slice %arg3[%add3A_189] : memref<4194304xf32, #tpu.memory_space<hbm>> -> memref<2208xf32, #tpu.memory_space<hbm>>
        tpu.enqueue_dma source(%dma_start3A_299 : memref<2208xf32, #tpu.memory_space<hbm>>) target(%dma_start3A_298 : memref<2208xf32, #tpu.memory_space<vmem>>) target_semaphore(%arg11 : memref<!tpu.dma_semaphore, #tpu.memory_space<semaphore_mem>>)
      } else {
      }
      %gt3A_195 = arith.constant 4192096 : i32
      %gt3A_196 = arith.cmpi sgt, %add3A_189, %gt3A_195 : i32
      %convert_element_type3A_197 = arith.extui %gt3A_196 : i1 to i32
      %cond3A_198 = arith.constant 0 : i32
      %cond3A_199 = arith.cmpi ne, %convert_element_type3A_197, %cond3A_198 : i32
      scf.if %cond3A_199 {
        %sub3A = arith.constant 4175872 : i32
        %sub3A_291 = arith.subi %add3A_189, %sub3A : i32
        %dma_start3A_292 = arith.constant 0 : i32
        %dma_start3A_293 = arith.constant 0 : i32
        %dma_start3A_294 = tpu.memref_slice %arg7[%dma_start3A_292, %dma_start3A_293] : memref<2x2208xf32, #tpu.memory_space<vmem>> -> memref<1x2208xf32, #tpu.memory_space<vmem>>
        %dma_start3A_295 = tpu.memref_squeeze %dma_start3A_294 : memref<1x2208xf32, #tpu.memory_space<vmem>> -> memref<2208xf32, #tpu.memory_space<vmem>>
        %dma_start3A_296 = tpu.memref_slice %arg4[%sub3A_291] : memref<34976xf32, #tpu.memory_space<hbm>> -> memref<2208xf32, #tpu.memory_space<hbm>>
        %dma_start3A_297 = arith.constant 0 : i32
        %dma_start3A_298 = tpu.memref_slice %arg7[%dma_start3A_292, %dma_start3A_297] : memref<2x2208xf32, #tpu.memory_space<vmem>> -> memref<1x2208xf32, #tpu.memory_space<vmem>>
        %dma_start3A_299 = tpu.memref_squeeze %dma_start3A_298 : memref<1x2208xf32, #tpu.memory_space<vmem>> -> memref<2208xf32, #tpu.memory_space<vmem>>
        %dma_start3A_300 = tpu.memref_slice %arg4[%sub3A_291] : memref<34976xf32, #tpu.memory_space<hbm>> -> memref<2208xf32, #tpu.memory_space<hbm>>
        tpu.enqueue_dma source(%dma_start3A_300 : memref<2208xf32, #tpu.memory_space<hbm>>) target(%dma_start3A_299 : memref<2208xf32, #tpu.memory_space<vmem>>) target_semaphore(%arg11 : memref<!tpu.dma_semaphore, #tpu.memory_space<semaphore_mem>>)
      } else {
      }
      %mul3A_200 = arith.constant 2048 : i32
      %mul3A_201 = arith.muli %min3A_184, %mul3A_200 : i32
      %add3A_202 = arith.addi %add3A, %mul3A_201 : i32
      %add3A_203 = arith.constant 16384 : i32
      %add3A_204 = arith.addi %add3A_202, %add3A_203 : i32
      %le3A_205 = arith.constant 4192096 : i32
      %le3A_206 = arith.cmpi sle, %add3A_204, %le3A_205 : i32
      %convert_element_type3A_207 = arith.extui %le3A_206 : i1 to i32
      %cond3A_208 = arith.constant 0 : i32
      %cond3A_209 = arith.cmpi ne, %convert_element_type3A_207, %cond3A_208 : i32
      scf.if %cond3A_209 {
        %dma_start3A_291 = arith.constant 1 : i32
        %dma_start3A_292 = arith.constant 0 : i32
        %dma_start3A_293 = tpu.memref_slice %arg7[%dma_start3A_291, %dma_start3A_292] : memref<2x2208xf32, #tpu.memory_space<vmem>> -> memref<1x2208xf32, #tpu.memory_space<vmem>>
        %dma_start3A_294 = tpu.memref_squeeze %dma_start3A_293 : memref<1x2208xf32, #tpu.memory_space<vmem>> -> memref<2208xf32, #tpu.memory_space<vmem>>
        %dma_start3A_295 = tpu.memref_slice %arg3[%add3A_204] : memref<4194304xf32, #tpu.memory_space<hbm>> -> memref<2208xf32, #tpu.memory_space<hbm>>
        %dma_start3A_296 = arith.constant 0 : i32
        %dma_start3A_297 = tpu.memref_slice %arg7[%dma_start3A_291, %dma_start3A_296] : memref<2x2208xf32, #tpu.memory_space<vmem>> -> memref<1x2208xf32, #tpu.memory_space<vmem>>
        %dma_start3A_298 = tpu.memref_squeeze %dma_start3A_297 : memref<1x2208xf32, #tpu.memory_space<vmem>> -> memref<2208xf32, #tpu.memory_space<vmem>>
        %dma_start3A_299 = tpu.memref_slice %arg3[%add3A_204] : memref<4194304xf32, #tpu.memory_space<hbm>> -> memref<2208xf32, #tpu.memory_space<hbm>>
        tpu.enqueue_dma source(%dma_start3A_299 : memref<2208xf32, #tpu.memory_space<hbm>>) target(%dma_start3A_298 : memref<2208xf32, #tpu.memory_space<vmem>>) target_semaphore(%arg11 : memref<!tpu.dma_semaphore, #tpu.memory_space<semaphore_mem>>)
      } else {
      }
      %gt3A_210 = arith.constant 4192096 : i32
      %gt3A_211 = arith.cmpi sgt, %add3A_204, %gt3A_210 : i32
      %convert_element_type3A_212 = arith.extui %gt3A_211 : i1 to i32
      %cond3A_213 = arith.constant 0 : i32
      %cond3A_214 = arith.cmpi ne, %convert_element_type3A_212, %cond3A_213 : i32
      scf.if %cond3A_214 {
        %sub3A = arith.constant 4175872 : i32
        %sub3A_291 = arith.subi %add3A_204, %sub3A : i32
        %dma_start3A_292 = arith.constant 1 : i32
        %dma_start3A_293 = arith.constant 0 : i32
        %dma_start3A_294 = tpu.memref_slice %arg7[%dma_start3A_292, %dma_start3A_293] : memref<2x2208xf32, #tpu.memory_space<vmem>> -> memref<1x2208xf32, #tpu.memory_space<vmem>>
        %dma_start3A_295 = tpu.memref_squeeze %dma_start3A_294 : memref<1x2208xf32, #tpu.memory_space<vmem>> -> memref<2208xf32, #tpu.memory_space<vmem>>
        %dma_start3A_296 = tpu.memref_slice %arg4[%sub3A_291] : memref<34976xf32, #tpu.memory_space<hbm>> -> memref<2208xf32, #tpu.memory_space<hbm>>
        %dma_start3A_297 = arith.constant 0 : i32
        %dma_start3A_298 = tpu.memref_slice %arg7[%dma_start3A_292, %dma_start3A_297] : memref<2x2208xf32, #tpu.memory_space<vmem>> -> memref<1x2208xf32, #tpu.memory_space<vmem>>
        %dma_start3A_299 = tpu.memref_squeeze %dma_start3A_298 : memref<1x2208xf32, #tpu.memory_space<vmem>> -> memref<2208xf32, #tpu.memory_space<vmem>>
        %dma_start3A_300 = tpu.memref_slice %arg4[%sub3A_291] : memref<34976xf32, #tpu.memory_space<hbm>> -> memref<2208xf32, #tpu.memory_space<hbm>>
        tpu.enqueue_dma source(%dma_start3A_300 : memref<2208xf32, #tpu.memory_space<hbm>>) target(%dma_start3A_299 : memref<2208xf32, #tpu.memory_space<vmem>>) target_semaphore(%arg11 : memref<!tpu.dma_semaphore, #tpu.memory_space<semaphore_mem>>)
      } else {
      }
      %mul3A_215 = arith.constant 2 : i32
      %mul3A_216 = arith.muli %mul3A_215, %scan3A_143 : i32
      %add3A_217 = arith.constant 1 : i32
      %add3A_218 = arith.addi %mul3A_216, %add3A_217 : i32
      %dma_wait3A_219 = arith.constant 0 : i32
      %dma_wait3A_220 = arith.constant 0 : i32
      %dma_wait3A_221 = tpu.memref_slice %arg8[%dma_wait3A_219, %dma_wait3A_220] : memref<2x2208xf32, #tpu.memory_space<vmem>> -> memref<1x2208xf32, #tpu.memory_space<vmem>>
      %dma_wait3A_222 = tpu.memref_squeeze %dma_wait3A_221 : memref<1x2208xf32, #tpu.memory_space<vmem>> -> memref<2208xf32, #tpu.memory_space<vmem>>
      %dma_wait3A_223 = arith.constant 0 : i32
      %dma_wait3A_224 = tpu.memref_slice %arg3[%dma_wait3A_223] : memref<4194304xf32, #tpu.memory_space<hbm>> -> memref<2208xf32, #tpu.memory_space<hbm>>
      %dma_wait3A_225 = arith.constant 0 : i32
      %dma_wait3A_226 = tpu.memref_slice %arg8[%dma_wait3A_219, %dma_wait3A_225] : memref<2x2208xf32, #tpu.memory_space<vmem>> -> memref<1x2208xf32, #tpu.memory_space<vmem>>
      %dma_wait3A_227 = tpu.memref_squeeze %dma_wait3A_226 : memref<1x2208xf32, #tpu.memory_space<vmem>> -> memref<2208xf32, #tpu.memory_space<vmem>>
      %dma_wait3A_228 = arith.constant 0 : i32
      %dma_wait3A_229 = tpu.memref_slice %arg3[%dma_wait3A_228] : memref<4194304xf32, #tpu.memory_space<hbm>> -> memref<2208xf32, #tpu.memory_space<hbm>>
      tpu.wait_dma2 semaphore(%arg12 : memref<!tpu.dma_semaphore, #tpu.memory_space<semaphore_mem>>) src(%dma_wait3A_229 : memref<2208xf32, #tpu.memory_space<hbm>>) dst(%dma_wait3A_227 : memref<2208xf32, #tpu.memory_space<vmem>>)
      %dma_wait3A_230 = arith.constant 1 : i32
      %dma_wait3A_231 = arith.constant 0 : i32
      %dma_wait3A_232 = tpu.memref_slice %arg8[%dma_wait3A_230, %dma_wait3A_231] : memref<2x2208xf32, #tpu.memory_space<vmem>> -> memref<1x2208xf32, #tpu.memory_space<vmem>>
      %dma_wait3A_233 = tpu.memref_squeeze %dma_wait3A_232 : memref<1x2208xf32, #tpu.memory_space<vmem>> -> memref<2208xf32, #tpu.memory_space<vmem>>
      %dma_wait3A_234 = arith.constant 0 : i32
      %dma_wait3A_235 = tpu.memref_slice %arg3[%dma_wait3A_234] : memref<4194304xf32, #tpu.memory_space<hbm>> -> memref<2208xf32, #tpu.memory_space<hbm>>
      %dma_wait3A_236 = arith.constant 0 : i32
      %dma_wait3A_237 = tpu.memref_slice %arg8[%dma_wait3A_230, %dma_wait3A_236] : memref<2x2208xf32, #tpu.memory_space<vmem>> -> memref<1x2208xf32, #tpu.memory_space<vmem>>
      %dma_wait3A_238 = tpu.memref_squeeze %dma_wait3A_237 : memref<1x2208xf32, #tpu.memory_space<vmem>> -> memref<2208xf32, #tpu.memory_space<vmem>>
      %dma_wait3A_239 = arith.constant 0 : i32
      %dma_wait3A_240 = tpu.memref_slice %arg3[%dma_wait3A_239] : memref<4194304xf32, #tpu.memory_space<hbm>> -> memref<2208xf32, #tpu.memory_space<hbm>>
      tpu.wait_dma2 semaphore(%arg12 : memref<!tpu.dma_semaphore, #tpu.memory_space<semaphore_mem>>) src(%dma_wait3A_240 : memref<2208xf32, #tpu.memory_space<hbm>>) dst(%dma_wait3A_238 : memref<2208xf32, #tpu.memory_space<vmem>>)
      %ge3A_241 = arith.constant 2 : i32
      %ge3A_242 = arith.cmpi sge, %add3A_218, %ge3A_241 : i32
      %convert_element_type3A_243 = arith.extui %ge3A_242 : i1 to i32
      %cond3A_244 = arith.constant 0 : i32
      %cond3A_245 = arith.cmpi ne, %convert_element_type3A_243, %cond3A_244 : i32
      scf.if %cond3A_245 {
        %sub3A = arith.constant 2 : i32
        %sub3A_291 = arith.subi %add3A_218, %sub3A : i32
        %mul3A_292 = arith.constant 2048 : i32
        %mul3A_293 = arith.muli %sub3A_291, %mul3A_292 : i32
        %add3A_294 = arith.addi %add3A, %mul3A_293 : i32
        %dma_wait3A_295 = arith.constant 0 : i32
        %dma_wait3A_296 = tpu.memref_slice %arg5[%add3A_294, %dma_wait3A_295] : memref<4194304x8xf32, #tpu.memory_space<hbm>> -> memref<2048x8xf32, #tpu.memory_space<hbm>>
        %dma_wait3A_297 = arith.constant 0 : i32
        %dma_wait3A_298 = tpu.memref_slice %arg5[%add3A_294, %dma_wait3A_297] : memref<4194304x8xf32, #tpu.memory_space<hbm>> -> memref<2048x8xf32, #tpu.memory_space<hbm>>
        tpu.wait_dma2 semaphore(%arg14 : memref<!tpu.dma_semaphore, #tpu.memory_space<semaphore_mem>>) src(%arg10 : memref<2048x8xf32, #tpu.memory_space<vmem>>) dst(%dma_wait3A_298 : memref<2048x8xf32, #tpu.memory_space<hbm>>)
      } else {
      }
      %parallel_loop3A_246 = arith.constant 0 : i32
      %parallel_loop3A_247 = arith.constant 128 : i32
      %parallel_loop3A_248 = arith.constant 1 : i32
      scf.for %parallel_loop3A_291 = %parallel_loop3A_246 to %parallel_loop3A_247 step %parallel_loop3A_248  : i32 {
        %parallel_loop3A_292 = arith.constant 16 : i32
        %parallel_loop3A_293 = arith.muli %parallel_loop3A_291, %parallel_loop3A_292 : i32
        %parallel_loop3A_294 = vector.broadcast %parallel_loop3A_293 : i32 to vector<16xi32>
        %parallel_loop3A_295 = arith.addi %parallel_loop3A_294, %iota3A : vector<16xi32>
        %parallel_loop3A_296 = arith.constant 0 : i32
        %parallel_loop3A_297 = arith.addi %parallel_loop3A_293, %parallel_loop3A_296 : i32
        %parallel_loop3A_298 = arith.constant 0 : i32
        %parallel_loop3A_299 = arith.index_cast %parallel_loop3A_298 : i32 to index
        %parallel_loop3A_300 = arith.index_cast %parallel_loop3A_297 : i32 to index
        %parallel_loop3A_301 = tpu.vector_load %arg8[%parallel_loop3A_299, %parallel_loop3A_300] {strides = array<i32>} : memref<2x2208xf32, #tpu.memory_space<vmem>>, vector<16xf32>,
        %parallel_loop3A_302 = arith.constant 0 : i32
        %parallel_loop3A_303 = vector.broadcast %parallel_loop3A_302 : i32 to vector<16xi32>
        tpu.vector_store_idx %arg10[%parallel_loop3A_295, %parallel_loop3A_303], %parallel_loop3A_301 : memref<2048x8xf32, #tpu.memory_space<vmem>>[vector<16xi32>, vector<16xi32>], vector<16xf32>,
        %parallel_loop3A_304 = arith.constant 1 : i32
        %parallel_loop3A_305 = arith.addi %parallel_loop3A_293, %parallel_loop3A_304 : i32
        %parallel_loop3A_306 = arith.constant 0 : i32
        %parallel_loop3A_307 = arith.index_cast %parallel_loop3A_306 : i32 to index
        %parallel_loop3A_308 = arith.index_cast %parallel_loop3A_305 : i32 to index
        %parallel_loop3A_309 = tpu.vector_load %arg8[%parallel_loop3A_307, %parallel_loop3A_308] {strides = array<i32>} : memref<2x2208xf32, #tpu.memory_space<vmem>>, vector<16xf32>,
        %parallel_loop3A_310 = arith.constant 1 : i32
        %parallel_loop3A_311 = vector.broadcast %parallel_loop3A_310 : i32 to vector<16xi32>
        tpu.vector_store_idx %arg10[%parallel_loop3A_295, %parallel_loop3A_311], %parallel_loop3A_309 : memref<2048x8xf32, #tpu.memory_space<vmem>>[vector<16xi32>, vector<16xi32>], vector<16xf32>,
        %parallel_loop3A_312 = arith.constant 128 : i32
        %parallel_loop3A_313 = arith.addi %parallel_loop3A_293, %parallel_loop3A_312 : i32
        %parallel_loop3A_314 = arith.constant 0 : i32
        %parallel_loop3A_315 = arith.index_cast %parallel_loop3A_314 : i32 to index
        %parallel_loop3A_316 = arith.index_cast %parallel_loop3A_313 : i32 to index
        %parallel_loop3A_317 = tpu.vector_load %arg8[%parallel_loop3A_315, %parallel_loop3A_316] {strides = array<i32>} : memref<2x2208xf32, #tpu.memory_space<vmem>>, vector<16xf32>,
        %parallel_loop3A_318 = arith.constant 2 : i32
        %parallel_loop3A_319 = vector.broadcast %parallel_loop3A_318 : i32 to vector<16xi32>
        tpu.vector_store_idx %arg10[%parallel_loop3A_295, %parallel_loop3A_319], %parallel_loop3A_317 : memref<2048x8xf32, #tpu.memory_space<vmem>>[vector<16xi32>, vector<16xi32>], vector<16xf32>,
        %parallel_loop3A_320 = arith.constant 129 : i32
        %parallel_loop3A_321 = arith.addi %parallel_loop3A_293, %parallel_loop3A_320 : i32
        %parallel_loop3A_322 = arith.constant 0 : i32
        %parallel_loop3A_323 = arith.index_cast %parallel_loop3A_322 : i32 to index
        %parallel_loop3A_324 = arith.index_cast %parallel_loop3A_321 : i32 to index
        %parallel_loop3A_325 = tpu.vector_load %arg8[%parallel_loop3A_323, %parallel_loop3A_324] {strides = array<i32>} : memref<2x2208xf32, #tpu.memory_space<vmem>>, vector<16xf32>,
        %parallel_loop3A_326 = arith.constant 3 : i32
        %parallel_loop3A_327 = vector.broadcast %parallel_loop3A_326 : i32 to vector<16xi32>
        tpu.vector_store_idx %arg10[%parallel_loop3A_295, %parallel_loop3A_327], %parallel_loop3A_325 : memref<2048x8xf32, #tpu.memory_space<vmem>>[vector<16xi32>, vector<16xi32>], vector<16xf32>,
        %parallel_loop3A_328 = arith.constant 0 : i32
        %parallel_loop3A_329 = arith.addi %parallel_loop3A_293, %parallel_loop3A_328 : i32
        %parallel_loop3A_330 = arith.constant 1 : i32
        %parallel_loop3A_331 = arith.index_cast %parallel_loop3A_330 : i32 to index
        %parallel_loop3A_332 = arith.index_cast %parallel_loop3A_329 : i32 to index
        %parallel_loop3A_333 = tpu.vector_load %arg8[%parallel_loop3A_331, %parallel_loop3A_332] {strides = array<i32>} : memref<2x2208xf32, #tpu.memory_space<vmem>>, vector<16xf32>,
        %parallel_loop3A_334 = arith.constant 4 : i32
        %parallel_loop3A_335 = vector.broadcast %parallel_loop3A_334 : i32 to vector<16xi32>
        tpu.vector_store_idx %arg10[%parallel_loop3A_295, %parallel_loop3A_335], %parallel_loop3A_333 : memref<2048x8xf32, #tpu.memory_space<vmem>>[vector<16xi32>, vector<16xi32>], vector<16xf32>,
        %parallel_loop3A_336 = arith.constant 1 : i32
        %parallel_loop3A_337 = arith.addi %parallel_loop3A_293, %parallel_loop3A_336 : i32
        %parallel_loop3A_338 = arith.constant 1 : i32
        %parallel_loop3A_339 = arith.index_cast %parallel_loop3A_338 : i32 to index
        %parallel_loop3A_340 = arith.index_cast %parallel_loop3A_337 : i32 to index
        %parallel_loop3A_341 = tpu.vector_load %arg8[%parallel_loop3A_339, %parallel_loop3A_340] {strides = array<i32>} : memref<2x2208xf32, #tpu.memory_space<vmem>>, vector<16xf32>,
        %parallel_loop3A_342 = arith.constant 5 : i32
        %parallel_loop3A_343 = vector.broadcast %parallel_loop3A_342 : i32 to vector<16xi32>
        tpu.vector_store_idx %arg10[%parallel_loop3A_295, %parallel_loop3A_343], %parallel_loop3A_341 : memref<2048x8xf32, #tpu.memory_space<vmem>>[vector<16xi32>, vector<16xi32>], vector<16xf32>,
        %parallel_loop3A_344 = arith.constant 128 : i32
        %parallel_loop3A_345 = arith.addi %parallel_loop3A_293, %parallel_loop3A_344 : i32
        %parallel_loop3A_346 = arith.constant 1 : i32
        %parallel_loop3A_347 = arith.index_cast %parallel_loop3A_346 : i32 to index
        %parallel_loop3A_348 = arith.index_cast %parallel_loop3A_345 : i32 to index
        %parallel_loop3A_349 = tpu.vector_load %arg8[%parallel_loop3A_347, %parallel_loop3A_348] {strides = array<i32>} : memref<2x2208xf32, #tpu.memory_space<vmem>>, vector<16xf32>,
        %parallel_loop3A_350 = arith.constant 6 : i32
        %parallel_loop3A_351 = vector.broadcast %parallel_loop3A_350 : i32 to vector<16xi32>
        tpu.vector_store_idx %arg10[%parallel_loop3A_295, %parallel_loop3A_351], %parallel_loop3A_349 : memref<2048x8xf32, #tpu.memory_space<vmem>>[vector<16xi32>, vector<16xi32>], vector<16xf32>,
        %parallel_loop3A_352 = arith.constant 129 : i32
        %parallel_loop3A_353 = arith.addi %parallel_loop3A_293, %parallel_loop3A_352 : i32
        %parallel_loop3A_354 = arith.constant 1 : i32
        %parallel_loop3A_355 = arith.index_cast %parallel_loop3A_354 : i32 to index
        %parallel_loop3A_356 = arith.index_cast %parallel_loop3A_353 : i32 to index
        %parallel_loop3A_357 = tpu.vector_load %arg8[%parallel_loop3A_355, %parallel_loop3A_356] {strides = array<i32>} : memref<2x2208xf32, #tpu.memory_space<vmem>>, vector<16xf32>,
        %parallel_loop3A_358 = arith.constant 7 : i32
        %parallel_loop3A_359 = vector.broadcast %parallel_loop3A_358 : i32 to vector<16xi32>
        tpu.vector_store_idx %arg10[%parallel_loop3A_295, %parallel_loop3A_359], %parallel_loop3A_357 : memref<2048x8xf32, #tpu.memory_space<vmem>>[vector<16xi32>, vector<16xi32>], vector<16xf32>,
      } {sc.loop_unroll_factor = 1 : i64, sc.parallel_access}
      %barrier3A_249 = arith.constant 0 : index
      tpu.barrier barrier_id(%barrier3A_249)
      %mul3A_250 = arith.constant 2048 : i32
      %mul3A_251 = arith.muli %add3A_218, %mul3A_250 : i32
      %add3A_252 = arith.addi %add3A, %mul3A_251 : i32
      %dma_start3A_253 = arith.constant 0 : i32
      %dma_start3A_254 = tpu.memref_slice %arg5[%add3A_252, %dma_start3A_253] : memref<4194304x8xf32, #tpu.memory_space<hbm>> -> memref<2048x8xf32, #tpu.memory_space<hbm>>
      %dma_start3A_255 = arith.constant 0 : i32
      %dma_start3A_256 = tpu.memref_slice %arg5[%add3A_252, %dma_start3A_255] : memref<4194304x8xf32, #tpu.memory_space<hbm>> -> memref<2048x8xf32, #tpu.memory_space<hbm>>
      tpu.enqueue_dma source(%arg10 : memref<2048x8xf32, #tpu.memory_space<vmem>>) target(%dma_start3A_256 : memref<2048x8xf32, #tpu.memory_space<hbm>>) target_semaphore(%arg14 : memref<!tpu.dma_semaphore, #tpu.memory_space<semaphore_mem>>)
      %add3A_257 = arith.constant 2 : i32
      %add3A_258 = arith.addi %add3A_218, %add3A_257 : i32
      %min3A_259 = arith.constant 63 : i32
      %min3A_260 = arith.minsi %add3A_258, %min3A_259 : i32
      %mul3A_261 = arith.constant 2048 : i32
      %mul3A_262 = arith.muli %min3A_260, %mul3A_261 : i32
      %add3A_263 = arith.addi %add3A, %mul3A_262 : i32
      %add3A_264 = arith.constant 0 : i32
      %add3A_265 = arith.addi %add3A_263, %add3A_264 : i32
      %le3A_266 = arith.constant 4192096 : i32
      %le3A_267 = arith.cmpi sle, %add3A_265, %le3A_266 : i32
      %convert_element_type3A_268 = arith.extui %le3A_267 : i1 to i32
      %cond3A_269 = arith.constant 0 : i32
      %cond3A_270 = arith.cmpi ne, %convert_element_type3A_268, %cond3A_269 : i32
      scf.if %cond3A_270 {
        %dma_start3A_291 = arith.constant 0 : i32
        %dma_start3A_292 = arith.constant 0 : i32
        %dma_start3A_293 = tpu.memref_slice %arg8[%dma_start3A_291, %dma_start3A_292] : memref<2x2208xf32, #tpu.memory_space<vmem>> -> memref<1x2208xf32, #tpu.memory_space<vmem>>
        %dma_start3A_294 = tpu.memref_squeeze %dma_start3A_293 : memref<1x2208xf32, #tpu.memory_space<vmem>> -> memref<2208xf32, #tpu.memory_space<vmem>>
        %dma_start3A_295 = tpu.memref_slice %arg3[%add3A_265] : memref<4194304xf32, #tpu.memory_space<hbm>> -> memref<2208xf32, #tpu.memory_space<hbm>>
        %dma_start3A_296 = arith.constant 0 : i32
        %dma_start3A_297 = tpu.memref_slice %arg8[%dma_start3A_291, %dma_start3A_296] : memref<2x2208xf32, #tpu.memory_space<vmem>> -> memref<1x2208xf32, #tpu.memory_space<vmem>>
        %dma_start3A_298 = tpu.memref_squeeze %dma_start3A_297 : memref<1x2208xf32, #tpu.memory_space<vmem>> -> memref<2208xf32, #tpu.memory_space<vmem>>
        %dma_start3A_299 = tpu.memref_slice %arg3[%add3A_265] : memref<4194304xf32, #tpu.memory_space<hbm>> -> memref<2208xf32, #tpu.memory_space<hbm>>
        tpu.enqueue_dma source(%dma_start3A_299 : memref<2208xf32, #tpu.memory_space<hbm>>) target(%dma_start3A_298 : memref<2208xf32, #tpu.memory_space<vmem>>) target_semaphore(%arg12 : memref<!tpu.dma_semaphore, #tpu.memory_space<semaphore_mem>>)
      } else {
      }
      %gt3A_271 = arith.constant 4192096 : i32
      %gt3A_272 = arith.cmpi sgt, %add3A_265, %gt3A_271 : i32
      %convert_element_type3A_273 = arith.extui %gt3A_272 : i1 to i32
      %cond3A_274 = arith.constant 0 : i32
      %cond3A_275 = arith.cmpi ne, %convert_element_type3A_273, %cond3A_274 : i32
      scf.if %cond3A_275 {
        %sub3A = arith.constant 4175872 : i32
        %sub3A_291 = arith.subi %add3A_265, %sub3A : i32
        %dma_start3A_292 = arith.constant 0 : i32
        %dma_start3A_293 = arith.constant 0 : i32
        %dma_start3A_294 = tpu.memref_slice %arg8[%dma_start3A_292, %dma_start3A_293] : memref<2x2208xf32, #tpu.memory_space<vmem>> -> memref<1x2208xf32, #tpu.memory_space<vmem>>
        %dma_start3A_295 = tpu.memref_squeeze %dma_start3A_294 : memref<1x2208xf32, #tpu.memory_space<vmem>> -> memref<2208xf32, #tpu.memory_space<vmem>>
        %dma_start3A_296 = tpu.memref_slice %arg4[%sub3A_291] : memref<34976xf32, #tpu.memory_space<hbm>> -> memref<2208xf32, #tpu.memory_space<hbm>>
        %dma_start3A_297 = arith.constant 0 : i32
        %dma_start3A_298 = tpu.memref_slice %arg8[%dma_start3A_292, %dma_start3A_297] : memref<2x2208xf32, #tpu.memory_space<vmem>> -> memref<1x2208xf32, #tpu.memory_space<vmem>>
        %dma_start3A_299 = tpu.memref_squeeze %dma_start3A_298 : memref<1x2208xf32, #tpu.memory_space<vmem>> -> memref<2208xf32, #tpu.memory_space<vmem>>
        %dma_start3A_300 = tpu.memref_slice %arg4[%sub3A_291] : memref<34976xf32, #tpu.memory_space<hbm>> -> memref<2208xf32, #tpu.memory_space<hbm>>
        tpu.enqueue_dma source(%dma_start3A_300 : memref<2208xf32, #tpu.memory_space<hbm>>) target(%dma_start3A_299 : memref<2208xf32, #tpu.memory_space<vmem>>) target_semaphore(%arg12 : memref<!tpu.dma_semaphore, #tpu.memory_space<semaphore_mem>>)
      } else {
      }
      %mul3A_276 = arith.constant 2048 : i32
      %mul3A_277 = arith.muli %min3A_260, %mul3A_276 : i32
      %add3A_278 = arith.addi %add3A, %mul3A_277 : i32
      %add3A_279 = arith.constant 16384 : i32
      %add3A_280 = arith.addi %add3A_278, %add3A_279 : i32
      %le3A_281 = arith.constant 4192096 : i32
      %le3A_282 = arith.cmpi sle, %add3A_280, %le3A_281 : i32
      %convert_element_type3A_283 = arith.extui %le3A_282 : i1 to i32
      %cond3A_284 = arith.constant 0 : i32
      %cond3A_285 = arith.cmpi ne, %convert_element_type3A_283, %cond3A_284 : i32
      scf.if %cond3A_285 {
        %dma_start3A_291 = arith.constant 1 : i32
        %dma_start3A_292 = arith.constant 0 : i32
        %dma_start3A_293 = tpu.memref_slice %arg8[%dma_start3A_291, %dma_start3A_292] : memref<2x2208xf32, #tpu.memory_space<vmem>> -> memref<1x2208xf32, #tpu.memory_space<vmem>>
        %dma_start3A_294 = tpu.memref_squeeze %dma_start3A_293 : memref<1x2208xf32, #tpu.memory_space<vmem>> -> memref<2208xf32, #tpu.memory_space<vmem>>
        %dma_start3A_295 = tpu.memref_slice %arg3[%add3A_280] : memref<4194304xf32, #tpu.memory_space<hbm>> -> memref<2208xf32, #tpu.memory_space<hbm>>
        %dma_start3A_296 = arith.constant 0 : i32
        %dma_start3A_297 = tpu.memref_slice %arg8[%dma_start3A_291, %dma_start3A_296] : memref<2x2208xf32, #tpu.memory_space<vmem>> -> memref<1x2208xf32, #tpu.memory_space<vmem>>
        %dma_start3A_298 = tpu.memref_squeeze %dma_start3A_297 : memref<1x2208xf32, #tpu.memory_space<vmem>> -> memref<2208xf32, #tpu.memory_space<vmem>>
        %dma_start3A_299 = tpu.memref_slice %arg3[%add3A_280] : memref<4194304xf32, #tpu.memory_space<hbm>> -> memref<2208xf32, #tpu.memory_space<hbm>>
        tpu.enqueue_dma source(%dma_start3A_299 : memref<2208xf32, #tpu.memory_space<hbm>>) target(%dma_start3A_298 : memref<2208xf32, #tpu.memory_space<vmem>>) target_semaphore(%arg12 : memref<!tpu.dma_semaphore, #tpu.memory_space<semaphore_mem>>)
      } else {
      }
      %gt3A_286 = arith.constant 4192096 : i32
      %gt3A_287 = arith.cmpi sgt, %add3A_280, %gt3A_286 : i32
      %convert_element_type3A_288 = arith.extui %gt3A_287 : i1 to i32
      %cond3A_289 = arith.constant 0 : i32
      %cond3A_290 = arith.cmpi ne, %convert_element_type3A_288, %cond3A_289 : i32
      scf.if %cond3A_290 {
        %sub3A = arith.constant 4175872 : i32
        %sub3A_291 = arith.subi %add3A_280, %sub3A : i32
        %dma_start3A_292 = arith.constant 1 : i32
        %dma_start3A_293 = arith.constant 0 : i32
        %dma_start3A_294 = tpu.memref_slice %arg8[%dma_start3A_292, %dma_start3A_293] : memref<2x2208xf32, #tpu.memory_space<vmem>> -> memref<1x2208xf32, #tpu.memory_space<vmem>>
        %dma_start3A_295 = tpu.memref_squeeze %dma_start3A_294 : memref<1x2208xf32, #tpu.memory_space<vmem>> -> memref<2208xf32, #tpu.memory_space<vmem>>
        %dma_start3A_296 = tpu.memref_slice %arg4[%sub3A_291] : memref<34976xf32, #tpu.memory_space<hbm>> -> memref<2208xf32, #tpu.memory_space<hbm>>
        %dma_start3A_297 = arith.constant 0 : i32
        %dma_start3A_298 = tpu.memref_slice %arg8[%dma_start3A_292, %dma_start3A_297] : memref<2x2208xf32, #tpu.memory_space<vmem>> -> memref<1x2208xf32, #tpu.memory_space<vmem>>
        %dma_start3A_299 = tpu.memref_squeeze %dma_start3A_298 : memref<1x2208xf32, #tpu.memory_space<vmem>> -> memref<2208xf32, #tpu.memory_space<vmem>>
        %dma_start3A_300 = tpu.memref_slice %arg4[%sub3A_291] : memref<34976xf32, #tpu.memory_space<hbm>> -> memref<2208xf32, #tpu.memory_space<hbm>>
        tpu.enqueue_dma source(%dma_start3A_300 : memref<2208xf32, #tpu.memory_space<hbm>>) target(%dma_start3A_299 : memref<2208xf32, #tpu.memory_space<vmem>>) target_semaphore(%arg12 : memref<!tpu.dma_semaphore, #tpu.memory_space<semaphore_mem>>)
      } else {
      }
    }
    %scan3A_58 = arith.constant 32 : i32
    %add3A_59 = arith.constant 126976 : i32
    %add3A_60 = arith.addi %add3A, %add3A_59 : i32
    %dma_wait3A = arith.constant 0 : i32
    %dma_wait3A_61 = tpu.memref_slice %arg5[%add3A_60, %dma_wait3A] : memref<4194304x8xf32, #tpu.memory_space<hbm>> -> memref<2048x8xf32, #tpu.memory_space<hbm>>
    %dma_wait3A_62 = arith.constant 0 : i32
    %dma_wait3A_63 = tpu.memref_slice %arg5[%add3A_60, %dma_wait3A_62] : memref<4194304x8xf32, #tpu.memory_space<hbm>> -> memref<2048x8xf32, #tpu.memory_space<hbm>>
    tpu.wait_dma2 semaphore(%arg13 : memref<!tpu.dma_semaphore, #tpu.memory_space<semaphore_mem>>) src(%arg9 : memref<2048x8xf32, #tpu.memory_space<vmem>>) dst(%dma_wait3A_63 : memref<2048x8xf32, #tpu.memory_space<hbm>>)
    %add3A_64 = arith.constant 129024 : i32
    %add3A_65 = arith.addi %add3A, %add3A_64 : i32
    %dma_wait3A_66 = arith.constant 0 : i32
    %dma_wait3A_67 = tpu.memref_slice %arg5[%add3A_65, %dma_wait3A_66] : memref<4194304x8xf32, #tpu.memory_space<hbm>> -> memref<2048x8xf32, #tpu.memory_space<hbm>>
    %dma_wait3A_68 = arith.constant 0 : i32
    %dma_wait3A_69 = tpu.memref_slice %arg5[%add3A_65, %dma_wait3A_68] : memref<4194304x8xf32, #tpu.memory_space<hbm>> -> memref<2048x8xf32, #tpu.memory_space<hbm>>
    tpu.wait_dma2 semaphore(%arg14 : memref<!tpu.dma_semaphore, #tpu.memory_space<semaphore_mem>>) src(%arg10 : memref<2048x8xf32, #tpu.memory_space<vmem>>) dst(%dma_wait3A_69 : memref<2048x8xf32, #tpu.memory_space<hbm>>)
    %dma_wait3A_70 = arith.constant 0 : i32
    %dma_wait3A_71 = arith.constant 0 : i32
    %dma_wait3A_72 = tpu.memref_slice %arg7[%dma_wait3A_70, %dma_wait3A_71] : memref<2x2208xf32, #tpu.memory_space<vmem>> -> memref<1x2208xf32, #tpu.memory_space<vmem>>
    %dma_wait3A_73 = tpu.memref_squeeze %dma_wait3A_72 : memref<1x2208xf32, #tpu.memory_space<vmem>> -> memref<2208xf32, #tpu.memory_space<vmem>>
    %dma_wait3A_74 = arith.constant 0 : i32
    %dma_wait3A_75 = tpu.memref_slice %arg3[%dma_wait3A_74] : memref<4194304xf32, #tpu.memory_space<hbm>> -> memref<2208xf32, #tpu.memory_space<hbm>>
    %dma_wait3A_76 = arith.constant 0 : i32
    %dma_wait3A_77 = tpu.memref_slice %arg7[%dma_wait3A_70, %dma_wait3A_76] : memref<2x2208xf32, #tpu.memory_space<vmem>> -> memref<1x2208xf32, #tpu.memory_space<vmem>>
    %dma_wait3A_78 = tpu.memref_squeeze %dma_wait3A_77 : memref<1x2208xf32, #tpu.memory_space<vmem>> -> memref<2208xf32, #tpu.memory_space<vmem>>
    %dma_wait3A_79 = arith.constant 0 : i32
    %dma_wait3A_80 = tpu.memref_slice %arg3[%dma_wait3A_79] : memref<4194304xf32, #tpu.memory_space<hbm>> -> memref<2208xf32, #tpu.memory_space<hbm>>
    tpu.wait_dma2 semaphore(%arg11 : memref<!tpu.dma_semaphore, #tpu.memory_space<semaphore_mem>>) src(%dma_wait3A_80 : memref<2208xf32, #tpu.memory_space<hbm>>) dst(%dma_wait3A_78 : memref<2208xf32, #tpu.memory_space<vmem>>)
    %dma_wait3A_81 = arith.constant 1 : i32
    %dma_wait3A_82 = arith.constant 0 : i32
    %dma_wait3A_83 = tpu.memref_slice %arg7[%dma_wait3A_81, %dma_wait3A_82] : memref<2x2208xf32, #tpu.memory_space<vmem>> -> memref<1x2208xf32, #tpu.memory_space<vmem>>
    %dma_wait3A_84 = tpu.memref_squeeze %dma_wait3A_83 : memref<1x2208xf32, #tpu.memory_space<vmem>> -> memref<2208xf32, #tpu.memory_space<vmem>>
    %dma_wait3A_85 = arith.constant 0 : i32
    %dma_wait3A_86 = tpu.memref_slice %arg3[%dma_wait3A_85] : memref<4194304xf32, #tpu.memory_space<hbm>> -> memref<2208xf32, #tpu.memory_space<hbm>>
    %dma_wait3A_87 = arith.constant 0 : i32
    %dma_wait3A_88 = tpu.memref_slice %arg7[%dma_wait3A_81, %dma_wait3A_87] : memref<2x2208xf32, #tpu.memory_space<vmem>> -> memref<1x2208xf32, #tpu.memory_space<vmem>>
    %dma_wait3A_89 = tpu.memref_squeeze %dma_wait3A_88 : memref<1x2208xf32, #tpu.memory_space<vmem>> -> memref<2208xf32, #tpu.memory_space<vmem>>
    %dma_wait3A_90 = arith.constant 0 : i32
    %dma_wait3A_91 = tpu.memref_slice %arg3[%dma_wait3A_90] : memref<4194304xf32, #tpu.memory_space<hbm>> -> memref<2208xf32, #tpu.memory_space<hbm>>
    tpu.wait_dma2 semaphore(%arg11 : memref<!tpu.dma_semaphore, #tpu.memory_space<semaphore_mem>>) src(%dma_wait3A_91 : memref<2208xf32, #tpu.memory_space<hbm>>) dst(%dma_wait3A_89 : memref<2208xf32, #tpu.memory_space<vmem>>)
    %dma_wait3A_92 = arith.constant 0 : i32
    %dma_wait3A_93 = arith.constant 0 : i32
    %dma_wait3A_94 = tpu.memref_slice %arg8[%dma_wait3A_92, %dma_wait3A_93] : memref<2x2208xf32, #tpu.memory_space<vmem>> -> memref<1x2208xf32, #tpu.memory_space<vmem>>
    %dma_wait3A_95 = tpu.memref_squeeze %dma_wait3A_94 : memref<1x2208xf32, #tpu.memory_space<vmem>> -> memref<2208xf32, #tpu.memory_space<vmem>>
    %dma_wait3A_96 = arith.constant 0 : i32
    %dma_wait3A_97 = tpu.memref_slice %arg3[%dma_wait3A_96] : memref<4194304xf32, #tpu.memory_space<hbm>> -> memref<2208xf32, #tpu.memory_space<hbm>>
    %dma_wait3A_98 = arith.constant 0 : i32
    %dma_wait3A_99 = tpu.memref_slice %arg8[%dma_wait3A_92, %dma_wait3A_98] : memref<2x2208xf32, #tpu.memory_space<vmem>> -> memref<1x2208xf32, #tpu.memory_space<vmem>>
    %dma_wait3A_100 = tpu.memref_squeeze %dma_wait3A_99 : memref<1x2208xf32, #tpu.memory_space<vmem>> -> memref<2208xf32, #tpu.memory_space<vmem>>
    %dma_wait3A_101 = arith.constant 0 : i32
    %dma_wait3A_102 = tpu.memref_slice %arg3[%dma_wait3A_101] : memref<4194304xf32, #tpu.memory_space<hbm>> -> memref<2208xf32, #tpu.memory_space<hbm>>
    tpu.wait_dma2 semaphore(%arg12 : memref<!tpu.dma_semaphore, #tpu.memory_space<semaphore_mem>>) src(%dma_wait3A_102 : memref<2208xf32, #tpu.memory_space<hbm>>) dst(%dma_wait3A_100 : memref<2208xf32, #tpu.memory_space<vmem>>)
    %dma_wait3A_103 = arith.constant 1 : i32
    %dma_wait3A_104 = arith.constant 0 : i32
    %dma_wait3A_105 = tpu.memref_slice %arg8[%dma_wait3A_103, %dma_wait3A_104] : memref<2x2208xf32, #tpu.memory_space<vmem>> -> memref<1x2208xf32, #tpu.memory_space<vmem>>
    %dma_wait3A_106 = tpu.memref_squeeze %dma_wait3A_105 : memref<1x2208xf32, #tpu.memory_space<vmem>> -> memref<2208xf32, #tpu.memory_space<vmem>>
    %dma_wait3A_107 = arith.constant 0 : i32
    %dma_wait3A_108 = tpu.memref_slice %arg3[%dma_wait3A_107] : memref<4194304xf32, #tpu.memory_space<hbm>> -> memref<2208xf32, #tpu.memory_space<hbm>>
    %dma_wait3A_109 = arith.constant 0 : i32
    %dma_wait3A_110 = tpu.memref_slice %arg8[%dma_wait3A_103, %dma_wait3A_109] : memref<2x2208xf32, #tpu.memory_space<vmem>> -> memref<1x2208xf32, #tpu.memory_space<vmem>>
    %dma_wait3A_111 = tpu.memref_squeeze %dma_wait3A_110 : memref<1x2208xf32, #tpu.memory_space<vmem>> -> memref<2208xf32, #tpu.memory_space<vmem>>
    %dma_wait3A_112 = arith.constant 0 : i32
    %dma_wait3A_113 = tpu.memref_slice %arg3[%dma_wait3A_112] : memref<4194304xf32, #tpu.memory_space<hbm>> -> memref<2208xf32, #tpu.memory_space<hbm>>
    tpu.wait_dma2 semaphore(%arg12 : memref<!tpu.dma_semaphore, #tpu.memory_space<semaphore_mem>>) src(%dma_wait3A_113 : memref<2208xf32, #tpu.memory_space<hbm>>) dst(%dma_wait3A_111 : memref<2208xf32, #tpu.memory_space<vmem>>)
    %barrier3A = arith.constant 0 : index
    tpu.barrier barrier_id(%barrier3A)
    %shift_left3A = arith.constant 21 : i32
    %shift_left3A_114 = arith.shli %arg0, %shift_left3A : i32
    %add3A_115 = arith.constant 0 : i32
    %add3A_116 = arith.addi %add3A, %add3A_115 : i32
    %mul3A_117 = arith.constant 3 : i32
    %mul3A_118 = arith.muli %add3A_116, %mul3A_117 : i32
    %dma_start3A = tpu.memref_slice %arg2[%mul3A_118] : memref<12582912xf32, #tpu.memory_space<hbm>> -> memref<6144xf32, #tpu.memory_space<hbm>>
    %dma_start3A_119 = tpu.memref_slice %arg2[%mul3A_118] : memref<12582912xf32, #tpu.memory_space<hbm>> -> memref<6144xf32, #tpu.memory_space<hbm>>
    tpu.enqueue_dma source(%dma_start3A_119 : memref<6144xf32, #tpu.memory_space<hbm>>) target(%arg15 : memref<6144xf32, #tpu.memory_space<vmem>>) target_semaphore(%arg24 : memref<!tpu.dma_semaphore, #tpu.memory_space<semaphore_mem>>)
    %add3A_120 = arith.constant 2048 : i32
    %add3A_121 = arith.addi %add3A, %add3A_120 : i32
    %mul3A_122 = arith.constant 3 : i32
    %mul3A_123 = arith.muli %add3A_121, %mul3A_122 : i32
    %dma_start3A_124 = tpu.memref_slice %arg2[%mul3A_123] : memref<12582912xf32, #tpu.memory_space<hbm>> -> memref<6144xf32, #tpu.memory_space<hbm>>
    %dma_start3A_125 = tpu.memref_slice %arg2[%mul3A_123] : memref<12582912xf32, #tpu.memory_space<hbm>> -> memref<6144xf32, #tpu.memory_space<hbm>>
    tpu.enqueue_dma source(%dma_start3A_125 : memref<6144xf32, #tpu.memory_space<hbm>>) target(%arg16 : memref<6144xf32, #tpu.memory_space<vmem>>) target_semaphore(%arg25 : memref<!tpu.dma_semaphore, #tpu.memory_space<semaphore_mem>>)
    %scan3A_126 = arith.constant 0 : i32
    %scan3A_127 = arith.constant 32 : i32
    %scan3A_128 = arith.addi %scan3A_126, %scan3A_127 : i32
    %scan3A_129 = arith.constant 1 : i32
    scf.for %scan3A_143 = %scan3A_126 to %scan3A_128 step %scan3A_129  : i32 {
      %mul3A_144 = arith.constant 2 : i32
      %mul3A_145 = arith.muli %mul3A_144, %scan3A_143 : i32
      %add3A_146 = arith.constant 1 : i32
      %add3A_147 = arith.addi %mul3A_145, %add3A_146 : i32
      %mul3A_148 = arith.constant 2048 : i32
      %mul3A_149 = arith.muli %mul3A_145, %mul3A_148 : i32
      %add3A_150 = arith.addi %add3A, %mul3A_149 : i32
      %mul3A_151 = arith.constant 3 : i32
      %mul3A_152 = arith.muli %add3A_150, %mul3A_151 : i32
      %dma_wait3A_153 = tpu.memref_slice %arg2[%mul3A_152] : memref<12582912xf32, #tpu.memory_space<hbm>> -> memref<6144xf32, #tpu.memory_space<hbm>>
      %dma_wait3A_154 = tpu.memref_slice %arg2[%mul3A_152] : memref<12582912xf32, #tpu.memory_space<hbm>> -> memref<6144xf32, #tpu.memory_space<hbm>>
      tpu.wait_dma2 semaphore(%arg24 : memref<!tpu.dma_semaphore, #tpu.memory_space<semaphore_mem>>) src(%dma_wait3A_154 : memref<6144xf32, #tpu.memory_space<hbm>>) dst(%arg15 : memref<6144xf32, #tpu.memory_space<vmem>>)
      %mul3A_155 = arith.constant 2048 : i32
      %mul3A_156 = arith.muli %mul3A_145, %mul3A_155 : i32
      %add3A_157 = arith.addi %add3A, %mul3A_156 : i32
      %parallel_loop3A = arith.constant 0 : i32
      %parallel_loop3A_158 = arith.constant 128 : i32
      %parallel_loop3A_159 = arith.constant 1 : i32
      scf.for %parallel_loop3A_222 = %parallel_loop3A to %parallel_loop3A_158 step %parallel_loop3A_159  : i32 {
        %parallel_loop3A_223 = arith.constant 16 : i32
        %parallel_loop3A_224 = arith.muli %parallel_loop3A_222, %parallel_loop3A_223 : i32
        %parallel_loop3A_225 = arith.constant 7 : i32
        %parallel_loop3A_226 = arith.shrsi %parallel_loop3A_224, %parallel_loop3A_225 : i32
        %parallel_loop3A_227 = arith.constant 384 : i32
        %parallel_loop3A_228 = arith.muli %parallel_loop3A_226, %parallel_loop3A_227 : i32
        %parallel_loop3A_229 = arith.constant 127 : i32
        %parallel_loop3A_230 = arith.andi %parallel_loop3A_224, %parallel_loop3A_229 : i32
        %parallel_loop3A_231 = arith.addi %parallel_loop3A_228, %parallel_loop3A_230 : i32
        %parallel_loop3A_232 = arith.index_cast %parallel_loop3A_231 : i32 to index
        %parallel_loop3A_233 = tpu.vector_load %arg15[%parallel_loop3A_232] {strides = array<i32>} : memref<6144xf32, #tpu.memory_space<vmem>>, vector<16xf32>,
        %parallel_loop3A_234 = arith.constant 128 : i32
        %parallel_loop3A_235 = arith.addi %parallel_loop3A_231, %parallel_loop3A_234 : i32
        %parallel_loop3A_236 = arith.index_cast %parallel_loop3A_235 : i32 to index
        %parallel_loop3A_237 = tpu.vector_load %arg15[%parallel_loop3A_236] {strides = array<i32>} : memref<6144xf32, #tpu.memory_space<vmem>>, vector<16xf32>,
        %parallel_loop3A_238 = arith.constant 256 : i32
        %parallel_loop3A_239 = arith.addi %parallel_loop3A_231, %parallel_loop3A_238 : i32
        %parallel_loop3A_240 = arith.index_cast %parallel_loop3A_239 : i32 to index
        %parallel_loop3A_241 = tpu.vector_load %arg15[%parallel_loop3A_240] {strides = array<i32>} : memref<6144xf32, #tpu.memory_space<vmem>>, vector<16xf32>,
        %parallel_loop3A_242 = arith.addi %add3A_157, %parallel_loop3A_224 : i32
        %parallel_loop3A_243 = arith.constant 14 : i32
        %parallel_loop3A_244 = arith.shrsi %parallel_loop3A_242, %parallel_loop3A_243 : i32
        %parallel_loop3A_245 = arith.constant 127 : i32
        %parallel_loop3A_246 = arith.andi %parallel_loop3A_244, %parallel_loop3A_245 : i32
        %parallel_loop3A_247 = arith.sitofp %parallel_loop3A_246 : i32 to f32
        %parallel_loop3A_248 = vector.broadcast %parallel_loop3A_247 : f32 to vector<16xf32>
        %parallel_loop3A_249 = arith.addf %parallel_loop3A_248, %parallel_loop3A_233 : vector<16xf32>
        %parallel_loop3A_250 = arith.constant 0.000000e+00 : f32
        %parallel_loop3A_251 = vector.broadcast %parallel_loop3A_250 : f32 to vector<16xf32>
        %parallel_loop3A_252 = arith.maximumf %parallel_loop3A_249, %parallel_loop3A_251 : vector<16xf32>
        %parallel_loop3A_253 = arith.constant 1.270000e+02 : f32
        %parallel_loop3A_254 = vector.broadcast %parallel_loop3A_253 : f32 to vector<16xf32>
        %parallel_loop3A_255 = arith.minimumf %parallel_loop3A_252, %parallel_loop3A_254 : vector<16xf32>
        %parallel_loop3A_256 = arith.fptosi %parallel_loop3A_255 : vector<16xf32> to vector<16xi32>
        %parallel_loop3A_257 = arith.constant 126 : i32
        %parallel_loop3A_258 = vector.broadcast %parallel_loop3A_257 : i32 to vector<16xi32>
        %parallel_loop3A_259 = arith.minsi %parallel_loop3A_256, %parallel_loop3A_258 : vector<16xi32>
        %parallel_loop3A_260 = arith.sitofp %parallel_loop3A_259 : vector<16xi32> to vector<16xf32>
        %parallel_loop3A_261 = arith.subf %parallel_loop3A_255, %parallel_loop3A_260 : vector<16xf32>
        %parallel_loop3A_262 = arith.constant 7 : i32
        %parallel_loop3A_263 = arith.shrsi %parallel_loop3A_242, %parallel_loop3A_262 : i32
        %parallel_loop3A_264 = arith.constant 127 : i32
        %parallel_loop3A_265 = arith.andi %parallel_loop3A_263, %parallel_loop3A_264 : i32
        %parallel_loop3A_266 = arith.sitofp %parallel_loop3A_265 : i32 to f32
        %parallel_loop3A_267 = vector.broadcast %parallel_loop3A_266 : f32 to vector<16xf32>
        %parallel_loop3A_268 = arith.addf %parallel_loop3A_267, %parallel_loop3A_237 : vector<16xf32>
        %parallel_loop3A_269 = arith.constant 0.000000e+00 : f32
        %parallel_loop3A_270 = vector.broadcast %parallel_loop3A_269 : f32 to vector<16xf32>
        %parallel_loop3A_271 = arith.maximumf %parallel_loop3A_268, %parallel_loop3A_270 : vector<16xf32>
        %parallel_loop3A_272 = arith.constant 1.270000e+02 : f32
        %parallel_loop3A_273 = vector.broadcast %parallel_loop3A_272 : f32 to vector<16xf32>
        %parallel_loop3A_274 = arith.minimumf %parallel_loop3A_271, %parallel_loop3A_273 : vector<16xf32>
        %parallel_loop3A_275 = arith.fptosi %parallel_loop3A_274 : vector<16xf32> to vector<16xi32>
        %parallel_loop3A_276 = arith.constant 126 : i32
        %parallel_loop3A_277 = vector.broadcast %parallel_loop3A_276 : i32 to vector<16xi32>
        %parallel_loop3A_278 = arith.minsi %parallel_loop3A_275, %parallel_loop3A_277 : vector<16xi32>
        %parallel_loop3A_279 = arith.sitofp %parallel_loop3A_278 : vector<16xi32> to vector<16xf32>
        %parallel_loop3A_280 = arith.subf %parallel_loop3A_274, %parallel_loop3A_279 : vector<16xf32>
        %parallel_loop3A_281 = arith.constant 127 : i32
        %parallel_loop3A_282 = arith.andi %parallel_loop3A_224, %parallel_loop3A_281 : i32
        %parallel_loop3A_283 = vector.broadcast %parallel_loop3A_282 : i32 to vector<16xi32>
        %parallel_loop3A_284 = arith.addi %parallel_loop3A_283, %iota3A : vector<16xi32>
        %parallel_loop3A_285 = arith.sitofp %parallel_loop3A_284 : vector<16xi32> to vector<16xf32>
        %parallel_loop3A_286 = arith.addf %parallel_loop3A_285, %parallel_loop3A_241 : vector<16xf32>
        %parallel_loop3A_287 = arith.constant 0.000000e+00 : f32
        %parallel_loop3A_288 = vector.broadcast %parallel_loop3A_287 : f32 to vector<16xf32>
        %parallel_loop3A_289 = arith.maximumf %parallel_loop3A_286, %parallel_loop3A_288 : vector<16xf32>
        %parallel_loop3A_290 = arith.constant 1.270000e+02 : f32
        %parallel_loop3A_291 = vector.broadcast %parallel_loop3A_290 : f32 to vector<16xf32>
        %parallel_loop3A_292 = arith.minimumf %parallel_loop3A_289, %parallel_loop3A_291 : vector<16xf32>
        %parallel_loop3A_293 = arith.fptosi %parallel_loop3A_292 : vector<16xf32> to vector<16xi32>
        %parallel_loop3A_294 = arith.constant 126 : i32
        %parallel_loop3A_295 = vector.broadcast %parallel_loop3A_294 : i32 to vector<16xi32>
        %parallel_loop3A_296 = arith.minsi %parallel_loop3A_293, %parallel_loop3A_295 : vector<16xi32>
        %parallel_loop3A_297 = arith.sitofp %parallel_loop3A_296 : vector<16xi32> to vector<16xf32>
        %parallel_loop3A_298 = arith.subf %parallel_loop3A_292, %parallel_loop3A_297 : vector<16xf32>
        %parallel_loop3A_299 = arith.constant 14 : i32
        %parallel_loop3A_300 = vector.broadcast %parallel_loop3A_299 : i32 to vector<16xi32>
        %parallel_loop3A_301 = arith.shli %parallel_loop3A_259, %parallel_loop3A_300 : vector<16xi32>
        %parallel_loop3A_302 = vector.broadcast %shift_left3A_114 : i32 to vector<16xi32>
        %parallel_loop3A_303 = arith.addi %parallel_loop3A_302, %parallel_loop3A_301 : vector<16xi32>
        %parallel_loop3A_304 = arith.constant 7 : i32
        %parallel_loop3A_305 = vector.broadcast %parallel_loop3A_304 : i32 to vector<16xi32>
        %parallel_loop3A_306 = arith.shli %parallel_loop3A_278, %parallel_loop3A_305 : vector<16xi32>
        %parallel_loop3A_307 = arith.addi %parallel_loop3A_306, %parallel_loop3A_296 : vector<16xi32>
        %parallel_loop3A_308 = arith.addi %parallel_loop3A_303, %parallel_loop3A_307 : vector<16xi32>
        %parallel_loop3A_309 = arith.index_cast %parallel_loop3A_224 : i32 to index
        %parallel_loop3A_310 = tpu.vector_load %arg17[%parallel_loop3A_309] {strides = array<i32>} : memref<2048xi32, #tpu.memory_space<vmem>>, vector<16xi32>,
        tpu.vector_store %arg17[%parallel_loop3A_309], %parallel_loop3A_308 {strides = array<i32>} : memref<2048xi32, #tpu.memory_space<vmem>>, vector<16xi32>,
        %parallel_loop3A_311 = arith.constant 0 : i32
        %parallel_loop3A_312 = arith.index_cast %parallel_loop3A_311 : i32 to index
        %parallel_loop3A_313 = arith.index_cast %parallel_loop3A_224 : i32 to index
        %parallel_loop3A_314 = tpu.vector_load %arg19[%parallel_loop3A_312, %parallel_loop3A_313] {strides = array<i32>} : memref<3x2048xf32, #tpu.memory_space<vmem>>, vector<16xf32>,
        tpu.vector_store %arg19[%parallel_loop3A_312, %parallel_loop3A_313], %parallel_loop3A_261 {strides = array<i32>} : memref<3x2048xf32, #tpu.memory_space<vmem>>, vector<16xf32>,
        %parallel_loop3A_315 = arith.constant 1 : i32
        %parallel_loop3A_316 = arith.index_cast %parallel_loop3A_315 : i32 to index
        %parallel_loop3A_317 = arith.index_cast %parallel_loop3A_224 : i32 to index
        %parallel_loop3A_318 = tpu.vector_load %arg19[%parallel_loop3A_316, %parallel_loop3A_317] {strides = array<i32>} : memref<3x2048xf32, #tpu.memory_space<vmem>>, vector<16xf32>,
        tpu.vector_store %arg19[%parallel_loop3A_316, %parallel_loop3A_317], %parallel_loop3A_280 {strides = array<i32>} : memref<3x2048xf32, #tpu.memory_space<vmem>>, vector<16xf32>,
        %parallel_loop3A_319 = arith.constant 2 : i32
        %parallel_loop3A_320 = arith.index_cast %parallel_loop3A_319 : i32 to index
        %parallel_loop3A_321 = arith.index_cast %parallel_loop3A_224 : i32 to index
        %parallel_loop3A_322 = tpu.vector_load %arg19[%parallel_loop3A_320, %parallel_loop3A_321] {strides = array<i32>} : memref<3x2048xf32, #tpu.memory_space<vmem>>, vector<16xf32>,
        tpu.vector_store %arg19[%parallel_loop3A_320, %parallel_loop3A_321], %parallel_loop3A_298 {strides = array<i32>} : memref<3x2048xf32, #tpu.memory_space<vmem>>, vector<16xf32>,
      } {sc.loop_unroll_factor = 1 : i64, sc.parallel_access}
      %barrier3A_160 = arith.constant 0 : index
      tpu.barrier barrier_id(%barrier3A_160)
      %dma_start3A_161 = arith.constant 0 : i32
      %dma_start3A_162 = arith.constant 0 : i32
      %dma_start3A_163 = tpu.memref_slice %arg5[%dma_start3A_161, %dma_start3A_162] : memref<4194304x8xf32, #tpu.memory_space<hbm>> -> memref<4194304x8xf32, #tpu.memory_space<hbm>>
      tpu.enqueue_indirect_dma source(%dma_start3A_163 : memref<4194304x8xf32, #tpu.memory_space<hbm>>) target(%arg21 : memref<2048x8xf32, #tpu.memory_space<vmem>>) offsets(%arg17 : memref<2048xi32, #tpu.memory_space<vmem>>) semaphore(%arg26 : memref<!tpu.dma_semaphore, #tpu.memory_space<semaphore_mem>>)
      %add3A_164 = arith.constant 2 : i32
      %add3A_165 = arith.addi %mul3A_145, %add3A_164 : i32
      %min3A = arith.constant 63 : i32
      %min3A_166 = arith.minsi %add3A_165, %min3A : i32
      %mul3A_167 = arith.constant 2048 : i32
      %mul3A_168 = arith.muli %min3A_166, %mul3A_167 : i32
      %add3A_169 = arith.addi %add3A, %mul3A_168 : i32
      %mul3A_170 = arith.constant 3 : i32
      %mul3A_171 = arith.muli %add3A_169, %mul3A_170 : i32
      %dma_start3A_172 = tpu.memref_slice %arg2[%mul3A_171] : memref<12582912xf32, #tpu.memory_space<hbm>> -> memref<6144xf32, #tpu.memory_space<hbm>>
      %dma_start3A_173 = tpu.memref_slice %arg2[%mul3A_171] : memref<12582912xf32, #tpu.memory_space<hbm>> -> memref<6144xf32, #tpu.memory_space<hbm>>
      tpu.enqueue_dma source(%dma_start3A_173 : memref<6144xf32, #tpu.memory_space<hbm>>) target(%arg15 : memref<6144xf32, #tpu.memory_space<vmem>>) target_semaphore(%arg24 : memref<!tpu.dma_semaphore, #tpu.memory_space<semaphore_mem>>)
      %mul3A_174 = arith.constant 2048 : i32
      %mul3A_175 = arith.muli %add3A_147, %mul3A_174 : i32
      %add3A_176 = arith.addi %add3A, %mul3A_175 : i32
      %mul3A_177 = arith.constant 3 : i32
      %mul3A_178 = arith.muli %add3A_176, %mul3A_177 : i32
      %dma_wait3A_179 = tpu.memref_slice %arg2[%mul3A_178] : memref<12582912xf32, #tpu.memory_space<hbm>> -> memref<6144xf32, #tpu.memory_space<hbm>>
      %dma_wait3A_180 = tpu.memref_slice %arg2[%mul3A_178] : memref<12582912xf32, #tpu.memory_space<hbm>> -> memref<6144xf32, #tpu.memory_space<hbm>>
      tpu.wait_dma2 semaphore(%arg25 : memref<!tpu.dma_semaphore, #tpu.memory_space<semaphore_mem>>) src(%dma_wait3A_180 : memref<6144xf32, #tpu.memory_space<hbm>>) dst(%arg16 : memref<6144xf32, #tpu.memory_space<vmem>>)
      %mul3A_181 = arith.constant 2048 : i32
      %mul3A_182 = arith.muli %add3A_147, %mul3A_181 : i32
      %add3A_183 = arith.addi %add3A, %mul3A_182 : i32
      %parallel_loop3A_184 = arith.constant 0 : i32
      %parallel_loop3A_185 = arith.constant 128 : i32
      %parallel_loop3A_186 = arith.constant 1 : i32
      scf.for %parallel_loop3A_222 = %parallel_loop3A_184 to %parallel_loop3A_185 step %parallel_loop3A_186  : i32 {
        %parallel_loop3A_223 = arith.constant 16 : i32
        %parallel_loop3A_224 = arith.muli %parallel_loop3A_222, %parallel_loop3A_223 : i32
        %parallel_loop3A_225 = arith.constant 7 : i32
        %parallel_loop3A_226 = arith.shrsi %parallel_loop3A_224, %parallel_loop3A_225 : i32
        %parallel_loop3A_227 = arith.constant 384 : i32
        %parallel_loop3A_228 = arith.muli %parallel_loop3A_226, %parallel_loop3A_227 : i32
        %parallel_loop3A_229 = arith.constant 127 : i32
        %parallel_loop3A_230 = arith.andi %parallel_loop3A_224, %parallel_loop3A_229 : i32
        %parallel_loop3A_231 = arith.addi %parallel_loop3A_228, %parallel_loop3A_230 : i32
        %parallel_loop3A_232 = arith.index_cast %parallel_loop3A_231 : i32 to index
        %parallel_loop3A_233 = tpu.vector_load %arg16[%parallel_loop3A_232] {strides = array<i32>} : memref<6144xf32, #tpu.memory_space<vmem>>, vector<16xf32>,
        %parallel_loop3A_234 = arith.constant 128 : i32
        %parallel_loop3A_235 = arith.addi %parallel_loop3A_231, %parallel_loop3A_234 : i32
        %parallel_loop3A_236 = arith.index_cast %parallel_loop3A_235 : i32 to index
        %parallel_loop3A_237 = tpu.vector_load %arg16[%parallel_loop3A_236] {strides = array<i32>} : memref<6144xf32, #tpu.memory_space<vmem>>, vector<16xf32>,
        %parallel_loop3A_238 = arith.constant 256 : i32
        %parallel_loop3A_239 = arith.addi %parallel_loop3A_231, %parallel_loop3A_238 : i32
        %parallel_loop3A_240 = arith.index_cast %parallel_loop3A_239 : i32 to index
        %parallel_loop3A_241 = tpu.vector_load %arg16[%parallel_loop3A_240] {strides = array<i32>} : memref<6144xf32, #tpu.memory_space<vmem>>, vector<16xf32>,
        %parallel_loop3A_242 = arith.addi %add3A_183, %parallel_loop3A_224 : i32
        %parallel_loop3A_243 = arith.constant 14 : i32
        %parallel_loop3A_244 = arith.shrsi %parallel_loop3A_242, %parallel_loop3A_243 : i32
        %parallel_loop3A_245 = arith.constant 127 : i32
        %parallel_loop3A_246 = arith.andi %parallel_loop3A_244, %parallel_loop3A_245 : i32
        %parallel_loop3A_247 = arith.sitofp %parallel_loop3A_246 : i32 to f32
        %parallel_loop3A_248 = vector.broadcast %parallel_loop3A_247 : f32 to vector<16xf32>
        %parallel_loop3A_249 = arith.addf %parallel_loop3A_248, %parallel_loop3A_233 : vector<16xf32>
        %parallel_loop3A_250 = arith.constant 0.000000e+00 : f32
        %parallel_loop3A_251 = vector.broadcast %parallel_loop3A_250 : f32 to vector<16xf32>
        %parallel_loop3A_252 = arith.maximumf %parallel_loop3A_249, %parallel_loop3A_251 : vector<16xf32>
        %parallel_loop3A_253 = arith.constant 1.270000e+02 : f32
        %parallel_loop3A_254 = vector.broadcast %parallel_loop3A_253 : f32 to vector<16xf32>
        %parallel_loop3A_255 = arith.minimumf %parallel_loop3A_252, %parallel_loop3A_254 : vector<16xf32>
        %parallel_loop3A_256 = arith.fptosi %parallel_loop3A_255 : vector<16xf32> to vector<16xi32>
        %parallel_loop3A_257 = arith.constant 126 : i32
        %parallel_loop3A_258 = vector.broadcast %parallel_loop3A_257 : i32 to vector<16xi32>
        %parallel_loop3A_259 = arith.minsi %parallel_loop3A_256, %parallel_loop3A_258 : vector<16xi32>
        %parallel_loop3A_260 = arith.sitofp %parallel_loop3A_259 : vector<16xi32> to vector<16xf32>
        %parallel_loop3A_261 = arith.subf %parallel_loop3A_255, %parallel_loop3A_260 : vector<16xf32>
        %parallel_loop3A_262 = arith.constant 7 : i32
        %parallel_loop3A_263 = arith.shrsi %parallel_loop3A_242, %parallel_loop3A_262 : i32
        %parallel_loop3A_264 = arith.constant 127 : i32
        %parallel_loop3A_265 = arith.andi %parallel_loop3A_263, %parallel_loop3A_264 : i32
        %parallel_loop3A_266 = arith.sitofp %parallel_loop3A_265 : i32 to f32
        %parallel_loop3A_267 = vector.broadcast %parallel_loop3A_266 : f32 to vector<16xf32>
        %parallel_loop3A_268 = arith.addf %parallel_loop3A_267, %parallel_loop3A_237 : vector<16xf32>
        %parallel_loop3A_269 = arith.constant 0.000000e+00 : f32
        %parallel_loop3A_270 = vector.broadcast %parallel_loop3A_269 : f32 to vector<16xf32>
        %parallel_loop3A_271 = arith.maximumf %parallel_loop3A_268, %parallel_loop3A_270 : vector<16xf32>
        %parallel_loop3A_272 = arith.constant 1.270000e+02 : f32
        %parallel_loop3A_273 = vector.broadcast %parallel_loop3A_272 : f32 to vector<16xf32>
        %parallel_loop3A_274 = arith.minimumf %parallel_loop3A_271, %parallel_loop3A_273 : vector<16xf32>
        %parallel_loop3A_275 = arith.fptosi %parallel_loop3A_274 : vector<16xf32> to vector<16xi32>
        %parallel_loop3A_276 = arith.constant 126 : i32
        %parallel_loop3A_277 = vector.broadcast %parallel_loop3A_276 : i32 to vector<16xi32>
        %parallel_loop3A_278 = arith.minsi %parallel_loop3A_275, %parallel_loop3A_277 : vector<16xi32>
        %parallel_loop3A_279 = arith.sitofp %parallel_loop3A_278 : vector<16xi32> to vector<16xf32>
        %parallel_loop3A_280 = arith.subf %parallel_loop3A_274, %parallel_loop3A_279 : vector<16xf32>
        %parallel_loop3A_281 = arith.constant 127 : i32
        %parallel_loop3A_282 = arith.andi %parallel_loop3A_224, %parallel_loop3A_281 : i32
        %parallel_loop3A_283 = vector.broadcast %parallel_loop3A_282 : i32 to vector<16xi32>
        %parallel_loop3A_284 = arith.addi %parallel_loop3A_283, %iota3A : vector<16xi32>
        %parallel_loop3A_285 = arith.sitofp %parallel_loop3A_284 : vector<16xi32> to vector<16xf32>
        %parallel_loop3A_286 = arith.addf %parallel_loop3A_285, %parallel_loop3A_241 : vector<16xf32>
        %parallel_loop3A_287 = arith.constant 0.000000e+00 : f32
        %parallel_loop3A_288 = vector.broadcast %parallel_loop3A_287 : f32 to vector<16xf32>
        %parallel_loop3A_289 = arith.maximumf %parallel_loop3A_286, %parallel_loop3A_288 : vector<16xf32>
        %parallel_loop3A_290 = arith.constant 1.270000e+02 : f32
        %parallel_loop3A_291 = vector.broadcast %parallel_loop3A_290 : f32 to vector<16xf32>
        %parallel_loop3A_292 = arith.minimumf %parallel_loop3A_289, %parallel_loop3A_291 : vector<16xf32>
        %parallel_loop3A_293 = arith.fptosi %parallel_loop3A_292 : vector<16xf32> to vector<16xi32>
        %parallel_loop3A_294 = arith.constant 126 : i32
        %parallel_loop3A_295 = vector.broadcast %parallel_loop3A_294 : i32 to vector<16xi32>
        %parallel_loop3A_296 = arith.minsi %parallel_loop3A_293, %parallel_loop3A_295 : vector<16xi32>
        %parallel_loop3A_297 = arith.sitofp %parallel_loop3A_296 : vector<16xi32> to vector<16xf32>
        %parallel_loop3A_298 = arith.subf %parallel_loop3A_292, %parallel_loop3A_297 : vector<16xf32>
        %parallel_loop3A_299 = arith.constant 14 : i32
        %parallel_loop3A_300 = vector.broadcast %parallel_loop3A_299 : i32 to vector<16xi32>
        %parallel_loop3A_301 = arith.shli %parallel_loop3A_259, %parallel_loop3A_300 : vector<16xi32>
        %parallel_loop3A_302 = vector.broadcast %shift_left3A_114 : i32 to vector<16xi32>
        %parallel_loop3A_303 = arith.addi %parallel_loop3A_302, %parallel_loop3A_301 : vector<16xi32>
        %parallel_loop3A_304 = arith.constant 7 : i32
        %parallel_loop3A_305 = vector.broadcast %parallel_loop3A_304 : i32 to vector<16xi32>
        %parallel_loop3A_306 = arith.shli %parallel_loop3A_278, %parallel_loop3A_305 : vector<16xi32>
        %parallel_loop3A_307 = arith.addi %parallel_loop3A_306, %parallel_loop3A_296 : vector<16xi32>
        %parallel_loop3A_308 = arith.addi %parallel_loop3A_303, %parallel_loop3A_307 : vector<16xi32>
        %parallel_loop3A_309 = arith.index_cast %parallel_loop3A_224 : i32 to index
        %parallel_loop3A_310 = tpu.vector_load %arg18[%parallel_loop3A_309] {strides = array<i32>} : memref<2048xi32, #tpu.memory_space<vmem>>, vector<16xi32>,
        tpu.vector_store %arg18[%parallel_loop3A_309], %parallel_loop3A_308 {strides = array<i32>} : memref<2048xi32, #tpu.memory_space<vmem>>, vector<16xi32>,
        %parallel_loop3A_311 = arith.constant 0 : i32
        %parallel_loop3A_312 = arith.index_cast %parallel_loop3A_311 : i32 to index
        %parallel_loop3A_313 = arith.index_cast %parallel_loop3A_224 : i32 to index
        %parallel_loop3A_314 = tpu.vector_load %arg20[%parallel_loop3A_312, %parallel_loop3A_313] {strides = array<i32>} : memref<3x2048xf32, #tpu.memory_space<vmem>>, vector<16xf32>,
        tpu.vector_store %arg20[%parallel_loop3A_312, %parallel_loop3A_313], %parallel_loop3A_261 {strides = array<i32>} : memref<3x2048xf32, #tpu.memory_space<vmem>>, vector<16xf32>,
        %parallel_loop3A_315 = arith.constant 1 : i32
        %parallel_loop3A_316 = arith.index_cast %parallel_loop3A_315 : i32 to index
        %parallel_loop3A_317 = arith.index_cast %parallel_loop3A_224 : i32 to index
        %parallel_loop3A_318 = tpu.vector_load %arg20[%parallel_loop3A_316, %parallel_loop3A_317] {strides = array<i32>} : memref<3x2048xf32, #tpu.memory_space<vmem>>, vector<16xf32>,
        tpu.vector_store %arg20[%parallel_loop3A_316, %parallel_loop3A_317], %parallel_loop3A_280 {strides = array<i32>} : memref<3x2048xf32, #tpu.memory_space<vmem>>, vector<16xf32>,
        %parallel_loop3A_319 = arith.constant 2 : i32
        %parallel_loop3A_320 = arith.index_cast %parallel_loop3A_319 : i32 to index
        %parallel_loop3A_321 = arith.index_cast %parallel_loop3A_224 : i32 to index
        %parallel_loop3A_322 = tpu.vector_load %arg20[%parallel_loop3A_320, %parallel_loop3A_321] {strides = array<i32>} : memref<3x2048xf32, #tpu.memory_space<vmem>>, vector<16xf32>,
        tpu.vector_store %arg20[%parallel_loop3A_320, %parallel_loop3A_321], %parallel_loop3A_298 {strides = array<i32>} : memref<3x2048xf32, #tpu.memory_space<vmem>>, vector<16xf32>,
      } {sc.loop_unroll_factor = 1 : i64, sc.parallel_access}
      %barrier3A_187 = arith.constant 0 : index
      tpu.barrier barrier_id(%barrier3A_187)
      %dma_start3A_188 = arith.constant 0 : i32
      %dma_start3A_189 = arith.constant 0 : i32
      %dma_start3A_190 = tpu.memref_slice %arg5[%dma_start3A_188, %dma_start3A_189] : memref<4194304x8xf32, #tpu.memory_space<hbm>> -> memref<4194304x8xf32, #tpu.memory_space<hbm>>
      tpu.enqueue_indirect_dma source(%dma_start3A_190 : memref<4194304x8xf32, #tpu.memory_space<hbm>>) target(%arg22 : memref<2048x8xf32, #tpu.memory_space<vmem>>) offsets(%arg18 : memref<2048xi32, #tpu.memory_space<vmem>>) semaphore(%arg27 : memref<!tpu.dma_semaphore, #tpu.memory_space<semaphore_mem>>)
      %add3A_191 = arith.constant 2 : i32
      %add3A_192 = arith.addi %add3A_147, %add3A_191 : i32
      %min3A_193 = arith.constant 63 : i32
      %min3A_194 = arith.minsi %add3A_192, %min3A_193 : i32
      %mul3A_195 = arith.constant 2048 : i32
      %mul3A_196 = arith.muli %min3A_194, %mul3A_195 : i32
      %add3A_197 = arith.addi %add3A, %mul3A_196 : i32
      %mul3A_198 = arith.constant 3 : i32
      %mul3A_199 = arith.muli %add3A_197, %mul3A_198 : i32
      %dma_start3A_200 = tpu.memref_slice %arg2[%mul3A_199] : memref<12582912xf32, #tpu.memory_space<hbm>> -> memref<6144xf32, #tpu.memory_space<hbm>>
      %dma_start3A_201 = tpu.memref_slice %arg2[%mul3A_199] : memref<12582912xf32, #tpu.memory_space<hbm>> -> memref<6144xf32, #tpu.memory_space<hbm>>
      tpu.enqueue_dma source(%dma_start3A_201 : memref<6144xf32, #tpu.memory_space<hbm>>) target(%arg16 : memref<6144xf32, #tpu.memory_space<vmem>>) target_semaphore(%arg25 : memref<!tpu.dma_semaphore, #tpu.memory_space<semaphore_mem>>)
      %dma_wait3A_202 = arith.constant 0 : i32
      %dma_wait3A_203 = arith.constant 0 : i32
      %dma_wait3A_204 = tpu.memref_slice %arg5[%dma_wait3A_202, %dma_wait3A_203] : memref<4194304x8xf32, #tpu.memory_space<hbm>> -> memref<4194304x8xf32, #tpu.memory_space<hbm>>
      tpu.wait_indirect_dma semaphore(%arg26 : memref<!tpu.dma_semaphore, #tpu.memory_space<semaphore_mem>>) src(%dma_wait3A_204 : memref<4194304x8xf32, #tpu.memory_space<hbm>>) dst(%arg21 : memref<2048x8xf32, #tpu.memory_space<vmem>>)
      %mul3A_205 = arith.constant 2048 : i32
      %mul3A_206 = arith.muli %mul3A_145, %mul3A_205 : i32
      %add3A_207 = arith.addi %add3A, %mul3A_206 : i32
      %parallel_loop3A_208 = arith.constant 0 : i32
      %parallel_loop3A_209 = arith.constant 128 : i32
      %parallel_loop3A_210 = arith.constant 1 : i32
      scf.for %parallel_loop3A_222 = %parallel_loop3A_208 to %parallel_loop3A_209 step %parallel_loop3A_210  : i32 {
        %parallel_loop3A_223 = arith.constant 16 : i32
        %parallel_loop3A_224 = arith.muli %parallel_loop3A_222, %parallel_loop3A_223 : i32
        %parallel_loop3A_225 = arith.constant 0 : i32
        %parallel_loop3A_226 = arith.index_cast %parallel_loop3A_225 : i32 to index
        %parallel_loop3A_227 = arith.index_cast %parallel_loop3A_224 : i32 to index
        %parallel_loop3A_228 = tpu.vector_load %arg19[%parallel_loop3A_226, %parallel_loop3A_227] {strides = array<i32>} : memref<3x2048xf32, #tpu.memory_space<vmem>>, vector<16xf32>,
        %parallel_loop3A_229 = arith.constant 1 : i32
        %parallel_loop3A_230 = arith.index_cast %parallel_loop3A_229 : i32 to index
        %parallel_loop3A_231 = arith.index_cast %parallel_loop3A_224 : i32 to index
        %parallel_loop3A_232 = tpu.vector_load %arg19[%parallel_loop3A_230, %parallel_loop3A_231] {strides = array<i32>} : memref<3x2048xf32, #tpu.memory_space<vmem>>, vector<16xf32>,
        %parallel_loop3A_233 = arith.constant 2 : i32
        %parallel_loop3A_234 = arith.index_cast %parallel_loop3A_233 : i32 to index
        %parallel_loop3A_235 = arith.index_cast %parallel_loop3A_224 : i32 to index
        %parallel_loop3A_236 = tpu.vector_load %arg19[%parallel_loop3A_234, %parallel_loop3A_235] {strides = array<i32>} : memref<3x2048xf32, #tpu.memory_space<vmem>>, vector<16xf32>,
        %parallel_loop3A_237 = vector.broadcast %parallel_loop3A_224 : i32 to vector<16xi32>
        %parallel_loop3A_238 = arith.addi %parallel_loop3A_237, %iota3A : vector<16xi32>
        %parallel_loop3A_239 = arith.constant 0 : i32
        %parallel_loop3A_240 = vector.broadcast %parallel_loop3A_239 : i32 to vector<16xi32>
        %parallel_loop3A_241 = tpu.vector_load_idx %arg21[%parallel_loop3A_238, %parallel_loop3A_240] : memref<2048x8xf32, #tpu.memory_space<vmem>>[vector<16xi32>, vector<16xi32>], vector<16xf32>,
        %parallel_loop3A_242 = arith.constant 1 : i32
        %parallel_loop3A_243 = vector.broadcast %parallel_loop3A_242 : i32 to vector<16xi32>
        %parallel_loop3A_244 = tpu.vector_load_idx %arg21[%parallel_loop3A_238, %parallel_loop3A_243] : memref<2048x8xf32, #tpu.memory_space<vmem>>[vector<16xi32>, vector<16xi32>], vector<16xf32>,
        %parallel_loop3A_245 = arith.subf %parallel_loop3A_244, %parallel_loop3A_241 : vector<16xf32>
        %parallel_loop3A_246 = arith.mulf %parallel_loop3A_236, %parallel_loop3A_245 : vector<16xf32>
        %parallel_loop3A_247 = arith.addf %parallel_loop3A_241, %parallel_loop3A_246 : vector<16xf32>
        %parallel_loop3A_248 = arith.constant 2 : i32
        %parallel_loop3A_249 = vector.broadcast %parallel_loop3A_248 : i32 to vector<16xi32>
        %parallel_loop3A_250 = tpu.vector_load_idx %arg21[%parallel_loop3A_238, %parallel_loop3A_249] : memref<2048x8xf32, #tpu.memory_space<vmem>>[vector<16xi32>, vector<16xi32>], vector<16xf32>,
        %parallel_loop3A_251 = arith.constant 3 : i32
        %parallel_loop3A_252 = vector.broadcast %parallel_loop3A_251 : i32 to vector<16xi32>
        %parallel_loop3A_253 = tpu.vector_load_idx %arg21[%parallel_loop3A_238, %parallel_loop3A_252] : memref<2048x8xf32, #tpu.memory_space<vmem>>[vector<16xi32>, vector<16xi32>], vector<16xf32>,
        %parallel_loop3A_254 = arith.subf %parallel_loop3A_253, %parallel_loop3A_250 : vector<16xf32>
        %parallel_loop3A_255 = arith.mulf %parallel_loop3A_236, %parallel_loop3A_254 : vector<16xf32>
        %parallel_loop3A_256 = arith.addf %parallel_loop3A_250, %parallel_loop3A_255 : vector<16xf32>
        %parallel_loop3A_257 = arith.constant 4 : i32
        %parallel_loop3A_258 = vector.broadcast %parallel_loop3A_257 : i32 to vector<16xi32>
        %parallel_loop3A_259 = tpu.vector_load_idx %arg21[%parallel_loop3A_238, %parallel_loop3A_258] : memref<2048x8xf32, #tpu.memory_space<vmem>>[vector<16xi32>, vector<16xi32>], vector<16xf32>,
        %parallel_loop3A_260 = arith.constant 5 : i32
        %parallel_loop3A_261 = vector.broadcast %parallel_loop3A_260 : i32 to vector<16xi32>
        %parallel_loop3A_262 = tpu.vector_load_idx %arg21[%parallel_loop3A_238, %parallel_loop3A_261] : memref<2048x8xf32, #tpu.memory_space<vmem>>[vector<16xi32>, vector<16xi32>], vector<16xf32>,
        %parallel_loop3A_263 = arith.subf %parallel_loop3A_262, %parallel_loop3A_259 : vector<16xf32>
        %parallel_loop3A_264 = arith.mulf %parallel_loop3A_236, %parallel_loop3A_263 : vector<16xf32>
        %parallel_loop3A_265 = arith.addf %parallel_loop3A_259, %parallel_loop3A_264 : vector<16xf32>
        %parallel_loop3A_266 = arith.constant 6 : i32
        %parallel_loop3A_267 = vector.broadcast %parallel_loop3A_266 : i32 to vector<16xi32>
        %parallel_loop3A_268 = tpu.vector_load_idx %arg21[%parallel_loop3A_238, %parallel_loop3A_267] : memref<2048x8xf32, #tpu.memory_space<vmem>>[vector<16xi32>, vector<16xi32>], vector<16xf32>,
        %parallel_loop3A_269 = arith.constant 7 : i32
        %parallel_loop3A_270 = vector.broadcast %parallel_loop3A_269 : i32 to vector<16xi32>
        %parallel_loop3A_271 = tpu.vector_load_idx %arg21[%parallel_loop3A_238, %parallel_loop3A_270] : memref<2048x8xf32, #tpu.memory_space<vmem>>[vector<16xi32>, vector<16xi32>], vector<16xf32>,
        %parallel_loop3A_272 = arith.subf %parallel_loop3A_271, %parallel_loop3A_268 : vector<16xf32>
        %parallel_loop3A_273 = arith.mulf %parallel_loop3A_236, %parallel_loop3A_272 : vector<16xf32>
        %parallel_loop3A_274 = arith.addf %parallel_loop3A_268, %parallel_loop3A_273 : vector<16xf32>
        %parallel_loop3A_275 = arith.subf %parallel_loop3A_256, %parallel_loop3A_247 : vector<16xf32>
        %parallel_loop3A_276 = arith.mulf %parallel_loop3A_232, %parallel_loop3A_275 : vector<16xf32>
        %parallel_loop3A_277 = arith.addf %parallel_loop3A_247, %parallel_loop3A_276 : vector<16xf32>
        %parallel_loop3A_278 = arith.subf %parallel_loop3A_274, %parallel_loop3A_265 : vector<16xf32>
        %parallel_loop3A_279 = arith.mulf %parallel_loop3A_232, %parallel_loop3A_278 : vector<16xf32>
        %parallel_loop3A_280 = arith.addf %parallel_loop3A_265, %parallel_loop3A_279 : vector<16xf32>
        %parallel_loop3A_281 = arith.subf %parallel_loop3A_280, %parallel_loop3A_277 : vector<16xf32>
        %parallel_loop3A_282 = arith.mulf %parallel_loop3A_228, %parallel_loop3A_281 : vector<16xf32>
        %parallel_loop3A_283 = arith.addf %parallel_loop3A_277, %parallel_loop3A_282 : vector<16xf32>
        %parallel_loop3A_284 = arith.index_cast %parallel_loop3A_224 : i32 to index
        %parallel_loop3A_285 = tpu.vector_load %arg23[%parallel_loop3A_284] {strides = array<i32>} : memref<2048xf32, #tpu.memory_space<vmem>>, vector<16xf32>,
        tpu.vector_store %arg23[%parallel_loop3A_284], %parallel_loop3A_283 {strides = array<i32>} : memref<2048xf32, #tpu.memory_space<vmem>>, vector<16xf32>,
      } {sc.loop_unroll_factor = 1 : i64, sc.parallel_access}
      %barrier3A_211 = arith.constant 0 : index
      tpu.barrier barrier_id(%barrier3A_211)
      "tpu.region"() ({
        %run_scoped3A = tpu.sem_alloc : memref<!tpu.dma_semaphore, #tpu.memory_space<semaphore_mem>>
        %dma_start3A_222 = tpu.memref_slice %arg6[%add3A_207] : memref<4194304xf32, #tpu.memory_space<hbm>> -> memref<2048xf32, #tpu.memory_space<hbm>>
        %dma_start3A_223 = tpu.memref_slice %arg6[%add3A_207] : memref<4194304xf32, #tpu.memory_space<hbm>> -> memref<2048xf32, #tpu.memory_space<hbm>>
        tpu.enqueue_dma source(%arg23 : memref<2048xf32, #tpu.memory_space<vmem>>) target(%dma_start3A_223 : memref<2048xf32, #tpu.memory_space<hbm>>) target_semaphore(%run_scoped3A : memref<!tpu.dma_semaphore, #tpu.memory_space<semaphore_mem>>)
        %dma_wait3A_224 = tpu.memref_slice %arg6[%add3A_207] : memref<4194304xf32, #tpu.memory_space<hbm>> -> memref<2048xf32, #tpu.memory_space<hbm>>
        %dma_wait3A_225 = tpu.memref_slice %arg6[%add3A_207] : memref<4194304xf32, #tpu.memory_space<hbm>> -> memref<2048xf32, #tpu.memory_space<hbm>>
        tpu.wait_dma2 semaphore(%run_scoped3A : memref<!tpu.dma_semaphore, #tpu.memory_space<semaphore_mem>>) src(%arg23 : memref<2048xf32, #tpu.memory_space<vmem>>) dst(%dma_wait3A_225 : memref<2048xf32, #tpu.memory_space<hbm>>)
        tpu.yield
      }) : () -> ()
      %dma_wait3A_212 = arith.constant 0 : i32
      %dma_wait3A_213 = arith.constant 0 : i32
      %dma_wait3A_214 = tpu.memref_slice %arg5[%dma_wait3A_212, %dma_wait3A_213] : memref<4194304x8xf32, #tpu.memory_space<hbm>> -> memref<4194304x8xf32, #tpu.memory_space<hbm>>
      tpu.wait_indirect_dma semaphore(%arg27 : memref<!tpu.dma_semaphore, #tpu.memory_space<semaphore_mem>>) src(%dma_wait3A_214 : memref<4194304x8xf32, #tpu.memory_space<hbm>>) dst(%arg22 : memref<2048x8xf32, #tpu.memory_space<vmem>>)
      %mul3A_215 = arith.constant 2048 : i32
      %mul3A_216 = arith.muli %add3A_147, %mul3A_215 : i32
      %add3A_217 = arith.addi %add3A, %mul3A_216 : i32
      %parallel_loop3A_218 = arith.constant 0 : i32
      %parallel_loop3A_219 = arith.constant 128 : i32
      %parallel_loop3A_220 = arith.constant 1 : i32
      scf.for %parallel_loop3A_222 = %parallel_loop3A_218 to %parallel_loop3A_219 step %parallel_loop3A_220  : i32 {
        %parallel_loop3A_223 = arith.constant 16 : i32
        %parallel_loop3A_224 = arith.muli %parallel_loop3A_222, %parallel_loop3A_223 : i32
        %parallel_loop3A_225 = arith.constant 0 : i32
        %parallel_loop3A_226 = arith.index_cast %parallel_loop3A_225 : i32 to index
        %parallel_loop3A_227 = arith.index_cast %parallel_loop3A_224 : i32 to index
        %parallel_loop3A_228 = tpu.vector_load %arg20[%parallel_loop3A_226, %parallel_loop3A_227] {strides = array<i32>} : memref<3x2048xf32, #tpu.memory_space<vmem>>, vector<16xf32>,
        %parallel_loop3A_229 = arith.constant 1 : i32
        %parallel_loop3A_230 = arith.index_cast %parallel_loop3A_229 : i32 to index
        %parallel_loop3A_231 = arith.index_cast %parallel_loop3A_224 : i32 to index
        %parallel_loop3A_232 = tpu.vector_load %arg20[%parallel_loop3A_230, %parallel_loop3A_231] {strides = array<i32>} : memref<3x2048xf32, #tpu.memory_space<vmem>>, vector<16xf32>,
        %parallel_loop3A_233 = arith.constant 2 : i32
        %parallel_loop3A_234 = arith.index_cast %parallel_loop3A_233 : i32 to index
        %parallel_loop3A_235 = arith.index_cast %parallel_loop3A_224 : i32 to index
        %parallel_loop3A_236 = tpu.vector_load %arg20[%parallel_loop3A_234, %parallel_loop3A_235] {strides = array<i32>} : memref<3x2048xf32, #tpu.memory_space<vmem>>, vector<16xf32>,
        %parallel_loop3A_237 = vector.broadcast %parallel_loop3A_224 : i32 to vector<16xi32>
        %parallel_loop3A_238 = arith.addi %parallel_loop3A_237, %iota3A : vector<16xi32>
        %parallel_loop3A_239 = arith.constant 0 : i32
        %parallel_loop3A_240 = vector.broadcast %parallel_loop3A_239 : i32 to vector<16xi32>
        %parallel_loop3A_241 = tpu.vector_load_idx %arg22[%parallel_loop3A_238, %parallel_loop3A_240] : memref<2048x8xf32, #tpu.memory_space<vmem>>[vector<16xi32>, vector<16xi32>], vector<16xf32>,
        %parallel_loop3A_242 = arith.constant 1 : i32
        %parallel_loop3A_243 = vector.broadcast %parallel_loop3A_242 : i32 to vector<16xi32>
        %parallel_loop3A_244 = tpu.vector_load_idx %arg22[%parallel_loop3A_238, %parallel_loop3A_243] : memref<2048x8xf32, #tpu.memory_space<vmem>>[vector<16xi32>, vector<16xi32>], vector<16xf32>,
        %parallel_loop3A_245 = arith.subf %parallel_loop3A_244, %parallel_loop3A_241 : vector<16xf32>
        %parallel_loop3A_246 = arith.mulf %parallel_loop3A_236, %parallel_loop3A_245 : vector<16xf32>
        %parallel_loop3A_247 = arith.addf %parallel_loop3A_241, %parallel_loop3A_246 : vector<16xf32>
        %parallel_loop3A_248 = arith.constant 2 : i32
        %parallel_loop3A_249 = vector.broadcast %parallel_loop3A_248 : i32 to vector<16xi32>
        %parallel_loop3A_250 = tpu.vector_load_idx %arg22[%parallel_loop3A_238, %parallel_loop3A_249] : memref<2048x8xf32, #tpu.memory_space<vmem>>[vector<16xi32>, vector<16xi32>], vector<16xf32>,
        %parallel_loop3A_251 = arith.constant 3 : i32
        %parallel_loop3A_252 = vector.broadcast %parallel_loop3A_251 : i32 to vector<16xi32>
        %parallel_loop3A_253 = tpu.vector_load_idx %arg22[%parallel_loop3A_238, %parallel_loop3A_252] : memref<2048x8xf32, #tpu.memory_space<vmem>>[vector<16xi32>, vector<16xi32>], vector<16xf32>,
        %parallel_loop3A_254 = arith.subf %parallel_loop3A_253, %parallel_loop3A_250 : vector<16xf32>
        %parallel_loop3A_255 = arith.mulf %parallel_loop3A_236, %parallel_loop3A_254 : vector<16xf32>
        %parallel_loop3A_256 = arith.addf %parallel_loop3A_250, %parallel_loop3A_255 : vector<16xf32>
        %parallel_loop3A_257 = arith.constant 4 : i32
        %parallel_loop3A_258 = vector.broadcast %parallel_loop3A_257 : i32 to vector<16xi32>
        %parallel_loop3A_259 = tpu.vector_load_idx %arg22[%parallel_loop3A_238, %parallel_loop3A_258] : memref<2048x8xf32, #tpu.memory_space<vmem>>[vector<16xi32>, vector<16xi32>], vector<16xf32>,
        %parallel_loop3A_260 = arith.constant 5 : i32
        %parallel_loop3A_261 = vector.broadcast %parallel_loop3A_260 : i32 to vector<16xi32>
        %parallel_loop3A_262 = tpu.vector_load_idx %arg22[%parallel_loop3A_238, %parallel_loop3A_261] : memref<2048x8xf32, #tpu.memory_space<vmem>>[vector<16xi32>, vector<16xi32>], vector<16xf32>,
        %parallel_loop3A_263 = arith.subf %parallel_loop3A_262, %parallel_loop3A_259 : vector<16xf32>
        %parallel_loop3A_264 = arith.mulf %parallel_loop3A_236, %parallel_loop3A_263 : vector<16xf32>
        %parallel_loop3A_265 = arith.addf %parallel_loop3A_259, %parallel_loop3A_264 : vector<16xf32>
        %parallel_loop3A_266 = arith.constant 6 : i32
        %parallel_loop3A_267 = vector.broadcast %parallel_loop3A_266 : i32 to vector<16xi32>
        %parallel_loop3A_268 = tpu.vector_load_idx %arg22[%parallel_loop3A_238, %parallel_loop3A_267] : memref<2048x8xf32, #tpu.memory_space<vmem>>[vector<16xi32>, vector<16xi32>], vector<16xf32>,
        %parallel_loop3A_269 = arith.constant 7 : i32
        %parallel_loop3A_270 = vector.broadcast %parallel_loop3A_269 : i32 to vector<16xi32>
        %parallel_loop3A_271 = tpu.vector_load_idx %arg22[%parallel_loop3A_238, %parallel_loop3A_270] : memref<2048x8xf32, #tpu.memory_space<vmem>>[vector<16xi32>, vector<16xi32>], vector<16xf32>,
        %parallel_loop3A_272 = arith.subf %parallel_loop3A_271, %parallel_loop3A_268 : vector<16xf32>
        %parallel_loop3A_273 = arith.mulf %parallel_loop3A_236, %parallel_loop3A_272 : vector<16xf32>
        %parallel_loop3A_274 = arith.addf %parallel_loop3A_268, %parallel_loop3A_273 : vector<16xf32>
        %parallel_loop3A_275 = arith.subf %parallel_loop3A_256, %parallel_loop3A_247 : vector<16xf32>
        %parallel_loop3A_276 = arith.mulf %parallel_loop3A_232, %parallel_loop3A_275 : vector<16xf32>
        %parallel_loop3A_277 = arith.addf %parallel_loop3A_247, %parallel_loop3A_276 : vector<16xf32>
        %parallel_loop3A_278 = arith.subf %parallel_loop3A_274, %parallel_loop3A_265 : vector<16xf32>
        %parallel_loop3A_279 = arith.mulf %parallel_loop3A_232, %parallel_loop3A_278 : vector<16xf32>
        %parallel_loop3A_280 = arith.addf %parallel_loop3A_265, %parallel_loop3A_279 : vector<16xf32>
        %parallel_loop3A_281 = arith.subf %parallel_loop3A_280, %parallel_loop3A_277 : vector<16xf32>
        %parallel_loop3A_282 = arith.mulf %parallel_loop3A_228, %parallel_loop3A_281 : vector<16xf32>
        %parallel_loop3A_283 = arith.addf %parallel_loop3A_277, %parallel_loop3A_282 : vector<16xf32>
        %parallel_loop3A_284 = arith.index_cast %parallel_loop3A_224 : i32 to index
        %parallel_loop3A_285 = tpu.vector_load %arg23[%parallel_loop3A_284] {strides = array<i32>} : memref<2048xf32, #tpu.memory_space<vmem>>, vector<16xf32>,
        tpu.vector_store %arg23[%parallel_loop3A_284], %parallel_loop3A_283 {strides = array<i32>} : memref<2048xf32, #tpu.memory_space<vmem>>, vector<16xf32>,
      } {sc.loop_unroll_factor = 1 : i64, sc.parallel_access}
      %barrier3A_221 = arith.constant 0 : index
      tpu.barrier barrier_id(%barrier3A_221)
      "tpu.region"() ({
        %run_scoped3A = tpu.sem_alloc : memref<!tpu.dma_semaphore, #tpu.memory_space<semaphore_mem>>
        %dma_start3A_222 = tpu.memref_slice %arg6[%add3A_217] : memref<4194304xf32, #tpu.memory_space<hbm>> -> memref<2048xf32, #tpu.memory_space<hbm>>
        %dma_start3A_223 = tpu.memref_slice %arg6[%add3A_217] : memref<4194304xf32, #tpu.memory_space<hbm>> -> memref<2048xf32, #tpu.memory_space<hbm>>
        tpu.enqueue_dma source(%arg23 : memref<2048xf32, #tpu.memory_space<vmem>>) target(%dma_start3A_223 : memref<2048xf32, #tpu.memory_space<hbm>>) target_semaphore(%run_scoped3A : memref<!tpu.dma_semaphore, #tpu.memory_space<semaphore_mem>>)
        %dma_wait3A_224 = tpu.memref_slice %arg6[%add3A_217] : memref<4194304xf32, #tpu.memory_space<hbm>> -> memref<2048xf32, #tpu.memory_space<hbm>>
        %dma_wait3A_225 = tpu.memref_slice %arg6[%add3A_217] : memref<4194304xf32, #tpu.memory_space<hbm>> -> memref<2048xf32, #tpu.memory_space<hbm>>
        tpu.wait_dma2 semaphore(%run_scoped3A : memref<!tpu.dma_semaphore, #tpu.memory_space<semaphore_mem>>) src(%arg23 : memref<2048xf32, #tpu.memory_space<vmem>>) dst(%dma_wait3A_225 : memref<2048xf32, #tpu.memory_space<hbm>>)
        tpu.yield
      }) : () -> ()
    }
    %scan3A_130 = arith.constant 32 : i32
    %add3A_131 = arith.constant 129024 : i32
    %add3A_132 = arith.addi %add3A, %add3A_131 : i32
    %mul3A_133 = arith.constant 3 : i32
    %mul3A_134 = arith.muli %add3A_132, %mul3A_133 : i32
    %dma_wait3A_135 = tpu.memref_slice %arg2[%mul3A_134] : memref<12582912xf32, #tpu.memory_space<hbm>> -> memref<6144xf32, #tpu.memory_space<hbm>>
    %dma_wait3A_136 = tpu.memref_slice %arg2[%mul3A_134] : memref<12582912xf32, #tpu.memory_space<hbm>> -> memref<6144xf32, #tpu.memory_space<hbm>>
    tpu.wait_dma2 semaphore(%arg24 : memref<!tpu.dma_semaphore, #tpu.memory_space<semaphore_mem>>) src(%dma_wait3A_136 : memref<6144xf32, #tpu.memory_space<hbm>>) dst(%arg15 : memref<6144xf32, #tpu.memory_space<vmem>>)
    %add3A_137 = arith.constant 129024 : i32
    %add3A_138 = arith.addi %add3A, %add3A_137 : i32
    %mul3A_139 = arith.constant 3 : i32
    %mul3A_140 = arith.muli %add3A_138, %mul3A_139 : i32
    %dma_wait3A_141 = tpu.memref_slice %arg2[%mul3A_140] : memref<12582912xf32, #tpu.memory_space<hbm>> -> memref<6144xf32, #tpu.memory_space<hbm>>
    %dma_wait3A_142 = tpu.memref_slice %arg2[%mul3A_140] : memref<12582912xf32, #tpu.memory_space<hbm>> -> memref<6144xf32, #tpu.memory_space<hbm>>
    tpu.wait_dma2 semaphore(%arg25 : memref<!tpu.dma_semaphore, #tpu.memory_space<semaphore_mem>>) src(%dma_wait3A_142 : memref<6144xf32, #tpu.memory_space<hbm>>) dst(%arg16 : memref<6144xf32, #tpu.memory_space<vmem>>)
    return
  }
}

</mosaic_0001>

<sc_bundles>
// kernel: kernel.3.cloned.1.call-start
scs
__scs_entry_jumppad:
0x0: {  	(pc) =	sbr.rel $0x88, $3  }
0x1: {  	(tag) =	ssettag $0x0;
	lr =	simm.s32 $0x1  }
0x2: {  	[smem:$0x3F9F] =	sst lr;
	_ =	strace $0xD0000000  }
0x3: {  	_ = 	snop  }
0x4: {  	_ = 	snop  }
0x5: {  	_ = 	snop  }
0x6: {  	_ = 	snop  }
0x7: {  	_ = 	snop  }
__scs_overlays_trampoline_lowered:
0x8: {  	[smem:$0x3FAE] =	sst s0  }
0x9: {  	[smem:$0x3FAF] =	sst s1  }
0xa: {  	[smem:$0x3FB0] =	sst s2  }
0xb: {  	[smem:$0x3FB1] =	sst s3  }
0xc: {  	[smem:$0x3FB2] =	sst s4  }
0xd: {  	[smem:$0x3FB3] =	sst s5  }
0xe: {  	[smem:$0x3FB4] =	sst s6  }
0xf: {  	[smem:$0x3FB5] =	sst s7  }
0x10: {  	[smem:$0x3FB6] =	sst s8  }
0x11: {  	[smem:$0x3FB7] =	sst s9;
	s0 =	simm.s32 @!p0 $0x0  }
0x12: {  	s1 =	sld [smem:$0x3F9D];
	s0 =	simm.s32 @p0 $0x1  }
0x13: {  	[smem:$0x3FB8] =	sst s0;
	s0 =	simm.s32 @!p1 $0x0  }
0x14: {  	s2 =	sld [smem:$0x3F9C];
	s0 =	simm.s32 @p1 $0x1  }
0x15: {  	[smem:$0x3FB9] =	sst s0;
	s0 =	simm.s32 @!p2 $0x0  }
0x16: {  	s3 =	sld [smem:$0x3FDB];
	s0 =	simm.s32 @p2 $0x1  }
0x17: {  	s4 =	simm.s32 $0x1BF5;
	[smem:$0x3FBB] =	sst s0  }
0x18: {  	s0 =	sld [smem:$0x3F9E];
	_ =	swait.ge [sflag:s4], $0x0  }
0x19: {  	s7 =	sld [smem:$0x3F9F]  }
0x1a: {  	s8 =	sadd.s32 $0xFFFFE003, lr  }
0x1b: {  	s9 =	sadd.s32 $0xFFFFFEF7, lr;
	s5 =	simm.s32 $0xFFFFFFFF;
	p2 =	slt.u32 s8, $0xFFFFF086  }
0x1c: {  	p1 =	slt.u32 s9, $0xF7A;
	s5 =	simm.s32 @!p2 $0x0  }
0x1d: {  	s5 =	simm.s32 @p1 $0x1;
	p0 =	seq.s32 s7, s2  }
0x1e: {  	s7 =	smul.u32 @!p0 $0xF7A, s2;
	p2 =	seq.s32 @!p0 s5, $0x0  }
0x1f: {  	s9 =	smul.u32 $0xF7A, s1;
	s8 =	simm.s32 @!p0 $0x1BF5;
	p2 =	por !p2, p0  }
0x20: {  	[sflag:s8] =	ssyncset.s32 @!p0 $0xFFFFF086;
	s6 =	sadd.s32 @!p0 s3, s7;
	s7 =	simm.s32 @!p0 $0x108  }
0x21: {  	s3 =	sadd.s32 s3, s9;
	s6 =	sadd.s32 @!p0 $0x88, s6;
	s7 =	simm.s32 @p2 $0x1082  }
0x22: {  	[simem:s7], [sflag:s8] =	dma.local @!p0 [hbm:s6], $0xF7A  }
0x23: {  	s9 =	sor.u32 $0xD0000000, s2;
	s6 =	simm.s32 $0x108;
	_ =	swait.ge @!p0 [sflag:s8], $0x0  }
0x24: {  	s3 =	sadd.s32 $0x88, s3;
	s6 =	simm.s32 @!p1 $0x1082;
	[sflag:s4] =	ssyncset.s32 $0xFFFFF086  }
0x25: {  	[simem:s6], [sflag:s4] =	dma.local [hbm:s3], $0xF7A  }
0x26: {  	[smem:$0x3F9F] =	sst s1;
	(tag) =	ssettag s2;
	_ =	strace s9  }
0x27: {  	s1 =	sld [smem:$0x3FAF]  }
0x28: {  	s2 =	sld [smem:$0x3FB0]  }
0x29: {  	s4 =	sld [smem:$0x3FB2]  }
0x2a: {  	p0 =	seq.s32 s5, $0x0;
	s5 =	sld [smem:$0x3FB3]  }
0x2b: {  	s6 =	sld [smem:$0x3FB4]  }
0x2c: {  	s7 =	sld [smem:$0x3FB5]  }
0x2d: {  	s3 =	simm.s32 $0x108;
	s8 =	sld [smem:$0x3FB6]  }
0x2e: {  	s3 =	simm.s32 @!p0 $0x1082;
	s9 =	sld [smem:$0x3FB7]  }
0x2f: {  	lr =	sadd.s32 s0, s3;
	s0 =	sld [smem:$0x3FAE]  }
0x30: {  	s3 =	sld [smem:$0x3FB1]  }
0x31: {  	[smem:$0x3FBA] =	sst s10  }
0x32: {  	s10 =	sld [smem:$0x3FB8];
	_ =	sdelay $0x3  }
0x33: {  	p0 =	seq.s32 s10, $0x1;
	s10 =	sld [smem:$0x3FBA];
	_ =	sdelay $0x3  }
0x34: {  	[smem:$0x3FBA] =	sst s10  }
0x35: {  	s10 =	sld [smem:$0x3FB9];
	_ =	sdelay $0x3  }
0x36: {  	p1 =	seq.s32 s10, $0x1;
	s10 =	sld [smem:$0x3FBA];
	_ =	sdelay $0x3  }
0x37: {  	[smem:$0x3FBA] =	sst s10  }
0x38: {  	s10 =	sld [smem:$0x3FBB]  }
0x39: {  	_ = 	snop;
	(pc) =	sbr.ind lr, $3  }
0x3a: {  	_ = 	snop  }
0x3b: {  	_ = 	snop  }
0x3c: {  	p2 =	seq.s32 s10, $0x1;
	s10 =	sld [smem:$0x3FBA]  }
0x3d: {  	_ =	shalt  }
0x3e: {  	_ =	shalt  }
0x3f: {  	_ =	shalt  }
0x40: {  	_ =	shalt  }
0x41: {  	_ =	shalt  }
0x42: {  	_ =	shalt  }
0x43: {  	_ =	shalt  }
0x44: {  	_ =	shalt  }
0x45: {  	_ =	shalt  }
0x46: {  	_ =	shalt  }
0x47: {  	_ =	shalt  }
0x48: {  	_ =	shalt  }
0x49: {  	_ =	shalt  }
0x4a: {  	_ =	shalt  }
0x4b: {  	_ =	shalt  }
0x4c: {  	_ =	shalt  }
0x4d: {  	_ =	shalt  }
0x4e: {  	_ =	shalt  }
0x4f: {  	_ =	shalt  }
0x50: {  	_ =	shalt  }
0x51: {  	_ =	shalt  }
0x52: {  	_ =	shalt  }
0x53: {  	_ =	shalt  }
0x54: {  	_ =	shalt  }
0x55: {  	_ =	shalt  }
0x56: {  	_ =	shalt  }
0x57: {  	_ =	shalt  }
0x58: {  	_ =	shalt  }
0x59: {  	_ =	shalt  }
0x5a: {  	_ =	shalt  }
0x5b: {  	_ =	shalt  }
0x5c: {  	_ =	shalt  }
0x5d: {  	_ =	shalt  }
0x5e: {  	_ =	shalt  }
0x5f: {  	_ =	shalt  }
0x60: {  	_ =	shalt  }
0x61: {  	_ =	shalt  }
0x62: {  	_ =	shalt  }
0x63: {  	_ =	shalt  }
0x64: {  	_ =	shalt  }
0x65: {  	_ =	shalt  }
0x66: {  	_ =	shalt  }
0x67: {  	_ =	shalt  }
0x68: {  	_ =	shalt  }
0x69: {  	_ =	shalt  }
0x6a: {  	_ =	shalt  }
0x6b: {  	_ =	shalt  }
0x6c: {  	_ =	shalt  }
0x6d: {  	_ =	shalt  }
0x6e: {  	_ =	shalt  }
0x6f: {  	_ =	shalt  }
0x70: {  	_ =	shalt  }
0x71: {  	_ =	shalt  }
0x72: {  	_ =	shalt  }
0x73: {  	_ =	shalt  }
0x74: {  	_ =	shalt  }
0x75: {  	_ =	shalt  }
0x76: {  	_ =	shalt  }
0x77: {  	_ =	shalt  }
0x78: {  	_ =	shalt  }
0x79: {  	_ =	shalt  }
0x7a: {  	_ =	shalt  }
0x7b: {  	_ =	shalt  }
0x7c: {  	_ =	shalt  }
0x7d: {  	_ =	shalt  }
0x7e: {  	_ =	shalt  }
0x7f: {  	_ =	shalt  }
0x80: {  	_ =	shalt  }
0x81: {  	_ =	shalt  }
0x82: {  	_ =	shalt  }
0x83: {  	_ =	shalt  }
0x84: {  	_ =	shalt  }
0x85: {  	_ =	shalt  }
0x86: {  	_ =	shalt  }
0x87: {  	_ =	shalt  }
.Lfunc_end0:
.L_simem_size_0:
called_computation.1_lowered:
.L_overlay_start_0:
0x88: {  	s2 =	sld [smem:$0x3FD9]  }
0x89: {  	s3 =	sld [smem:$0x3FFE];
	_ =	sdelay $0x1  }
0x8a: {  	s1 =	srdreg.scid  }
0x8b: {  	s0 =	sand.u32 $0x1, s1  }
0x8c: {  	s17 =	sshll.u32 s0, $0xA;
	s2 =	sadd.s32 s3, s2  }
0x8d: {  	s2 =	sadd.s32 s2, s17  }
0x8e: {  	[smem:$0x3FC6] =	sst s2  }
0x8f: {  	_ = 	snop  }
0x90: {  	s2 =	sld [smem:$0x3FC8]  }
0x91: {  	s18 =	sld [smem:$0x3FD0];
	(tm) =	ssettm $0x1  }
0x92: {  	s4 =	sld [smem:$0x3FFB];
	_ =	sdelay $0x3  }
0x93: {  	_ =	strace s4  }
0x94: {  	s4 =	sld [smem:$0x3FFC];
	_ =	sdelay $0x3  }
0x95: {  	_ =	strace s4  }
0x96: {  	s4 =	sld [smem:$0x3FFD];
	_ =	sdelay $0x3  }
0x97: {  	_ =	strace s4  }
0x98: {  	_ =	strace $0x8FFFFFFF  }
0x99: {  	s19 =	sld [smem:$0x3FDB];
	_ =	sdelay $0x1  }
0x9a: {  	s5 =	simm.s32 $_scs_section_size  }
0x9b: {  	s6 =	simm.s32 $_size__tile_overlayer_lowered;
	s7 =	simm.s32 $_tile_overlayer_lowered  }
0x9c: {  	s22 =	simm.s32 $0x1BFF;
	s21 =	sshll.u32 s7, $0x1;
	s4 =	sadd.s32 s5, s19  }
0x9d: {  	s8 =	simm.s32 $0x0;
	s20 =	sshll.u32 s6, $0x1;
	s6 =	sadd.s32 s21, s4  }
0x9e: {  	[timem:s8], [sflag:s22] =	dma.local [hbm:s6], s20  }
0x9f: {  	_ =	swait.ge [sflag:s22], s20  }
0xa0: {  	s5 =	ssub.s32 $0x0, s20;
	[sflag:s22] =	ssyncset.done $0x0  }
0xa1: {  	[sflag:s22] =	ssyncadd.s32 s5;
	_ =	sdelay $0x1  }
0xa2: {  	s23 =	simm.s32 $0x1B8B  }
0xa3: {  	_ =	swait.ge [sflag:s23], $0x1  }
0xa4: {  	[sflag:s23] =	ssyncset.done $0x0  }
0xa5: {  	s25 =	simm.s32 $0x1B8E;
	s24 =	sld [smem:$0x3FFE];
	[sflag:s23] =	ssyncadd.s32 $0xFFFFFFFF  }
0xa6: {  	s26 =	simm.s32 $execute0_lowered;
	[smem:$0x3FD2] =	sst s25  }
0xa7: {  	s6 =	sshll.u32 s26, $0x1;
	_ =	strace $0x80000049;
	[dreg:$0x1] =	wrdreg $0xFFFFFFFF  }
0xa8: {  	s28 =	simm.s32 $_size_execute0_lowered;
	s4 =	sadd.s32 s4, s6;
	[dreg:$0x0] =	wrdreg $0x0  }
0xa9: {  	s6 =	sshll.u32 s28, $0x1;
	[dreg:$0x2] =	wrdreg s4  }
0xaa: {  	[dreg:$0x3] =	wrdreg s6  }
0xab: {  	[dreg:$0x4] =	wrdreg $0xC0  }
0xac: {  	_ =	task [dreg:s8], $0x5FFFF  }
0xad: {  	[dreg:$0x1] =	wrdreg $0xFFFFFFFF  }
0xae: {  	[dreg:$0x0] =	wrdreg $0x60  }
0xaf: {  	[dreg:$0x2] =	wrdreg s24  }
0xb0: {  	[dreg:$0x3] =	wrdreg s2  }
0xb1: {  	[dreg:$0x4] =	wrdreg s18  }
0xb2: {  	[dreg:$0x5] =	wrdreg $0x9  }
0xb3: {  	_ =	task.clear_ibuf [dreg:s8], $0x6FFFF;
	_ =	strace $0x90000049  }
0xb4: {  	s29 =	simm.s32 $0x9;
	_ =	strace $0x8000004B  }
0xb5: {  	_ =	swait.ge [sflag:s29], $0x1  }
0xb6: {  	[sflag:s29] =	ssyncadd.s32 $0xFFFFFFFF  }
0xb7: {  	_ =	strace $0x9000004B  }
0xb8: {  	_ =	sfence  }
0xb9: {  	s30 =	sld [smem:$0x0];
	_ =	sdelay $0x2  }
0xba: {  	s31 =	sshll.u32 s1, $0xD;
	s1 =	sshrl.u32 s1, $0x2  }
0xbb: {  	s3 =	sand.u32 $0x4000, s31;
	s1 =	sadd.s32 s1, s30  }
0xbc: {  	s0 =	sor.u32 s3, s0;
	s1 =	sshll.u32 s1, $0x11  }
0xbd: {  	s0 =	sor.u32 s1, s0  }
0xbe: {  	s0 =	sadd.s32 $0x8F2B, s0  }
0xbf: {  	[sflag:s0] =	ssyncadd.remote.s32 $0x1  }
0xc0: {  	_ =	sfence.sel $0xFFFF  }
0xc1: {  	[dreg:$0x0] =	wrdreg $0xFFFFFFFF;
	(pc) =	sbr.abs _section_cstart, $3  }
0xc2: {  	[dreg:$0x1] =	wrdreg $0xFFFFFFFF  }
0xc3: {  	_ =	task.clear_ibuf [dreg:s8], $0x2FFFF;
	_ =	strace $0x9FFFFFFF  }
0xc4: {  	(tm) =	ssettm $0x7FFFFFFF  }
0xc5: {  	_ =	shalt  }
tec
execute0_lowered:
.L_overlay_start_1:
0x0: {  	(tag) =	ssettag $0x1  }
0x1: {  	s0 =	rddreg [dreg:$0x0]  }
0x2: {  	s7 =	rddreg [dreg:$0x1]  }
0x3: {  	s3 =	simm.s32 $0x0;
	s1 =	srdreg.scid;
	s4 =	stileid.u32  }
0x4: {  	s22 =	simm.s32 $0x1;
	s31 =	simm.s32 $0x5;
	s13 =	simm.s32 $0x800  }
0x5: {  	s16 =	simm.s32 $0x15280;
	s17 =	simm.s32 $0x7;
	s18 =	simm.s32 $0x9  }
0x6: {  	[smem:$0x7FF] =	sst s3;
	s5 =	sadd.s32 $0x201E00, s0;
	s1 =	sand.u32 $0x1, s1  }
0x7: {  	s4 =	sshll.u32 s4, $0x11;
	s6 =	sadd.s32 $0x200C00, s0;
	s2 =	ssub.s32 $0x2, s1  }
0x8: {  	s8 =	sadd.s32 $0x381E00, s0;
	s1 =	sshll.u32 s1, $0x15;
	s9 =	sshrl.u32 s2, $0x1  }
0x9: {  	_ =	strace $0x8000004A;
	s10 =	sor.u32 s4, s1;
	s11 =	ssub.s32 s2, s9  }
0xa: {  	s23 =	sshrl.u32 s10, $0x3;
	s25 =	sor.u32 $0x800, s10;
	s4 =	smul.u32 $0x3, s10  }
0xb: {  	s29 =	sadd.s32 s8, s10;
	s14 =	sor.u32 $0x1000, s10;
	s15 =	sor.u32 $0x1800, s10  }
0xc: {  	s24 =	sadd.s32 s7, s23;
	s28 =	sshrl.u32 s25, $0x3;
	[dreg:$0x8] =	wrdreg s29  }
0xd: {  	s2 =	smul.u32 $0x3, s25;
	s30 =	smax.u32 s11, $0x1;
	[dreg:$0x4] =	wrdreg s24  }
0xe: {  	s23 =	simm.s32 $0x2280;
	s26 =	sadd.s32 $0x800, s24;
	[dreg:$0xb] =	wrdreg s30  }
0xf: {  	s25 =	simm.s32 $0x6280;
	s9 =	sadd.s32 s7, s28;
	[dreg:$0x5] =	wrdreg s26  }
0x10: {  	s11 =	simm.s32 $0x6;
	s0 =	sadd.s32 $0x900, s24;
	[dreg:$0x6] =	wrdreg s9  }
0x11: {  	s4 =	sshrl.u32 s4, $0x3;
	s24 =	simm.s32 $0x2;
	[dreg:$0x7] =	wrdreg s0  }
0x12: {  	v0 =	vlaneseq.u32;
	s2 =	sshrl.u32 s2, $0x3;
	s0 =	smov.u32 s10;
	s4 =	sadd.s32 s5, s4  }
0x13: {  	v2 =	vmul.u32 $0x8, v0;
	s10 =	simm.s32 $0x11280;
	[dreg:$0x9] =	wrdreg s4;
	s2 =	sadd.s32 s5, s2  }
0x14: {  	v1 =	vmov s1;
	s9 =	simm.s32 $0x8;
	[dreg:$0xa] =	wrdreg s2;
	s2 =	simm.s32 $0x0  }
.LBB2_1:
0x15: {  	s1 =	rddreg [dreg:$0x4]  }
0x16: {  	[tilespmem:s3], [sflag:$0x1] =	stream.linear.gather [hbm4b:s1+s3], $0x8A0, $0x38;
	[tilespmem:$0x19A80] =	vst v63  }
0x17: {  	s20 =	rddreg [dreg:$0x5];
	s21 =	simm.s32 $0x8A0  }
0x18: {  	[tilespmem:s21], [sflag:$0x1] =	stream.linear.gather [hbm4b:s20+s3], $0x8A0, $0x38;
	[tilespmem:$0x19A80] =	vst v63  }
.Ltmp0:
0x19: {  	[dreg:$0xc] =	wrdreg s2;
	(pc) =	sbr.rel .LBB2_2-.Ltmp0, $4  }
0x1a: {  	s26 =	rddreg [dreg:$0x6];
	s28 =	simm.s32 $0x1140  }
0x1b: {  	[tilespmem:s28], [sflag:$0x2] =	stream.linear.gather [hbm4b:s26+s3], $0x8A0, $0x38;
	[tilespmem:$0x19A80] =	vst v63  }
0x1c: {  	s29 =	rddreg [dreg:$0x7];
	s30 =	simm.s32 $0x19E0;
	s4 =	simm.s32 $0x0  }
0x1d: {  	[tilespmem:s30], [sflag:$0x2] =	stream.linear.gather [hbm4b:s29+s3], $0x8A0, $0x38;
	[tilespmem:$0x19A80] =	vst v63  }
.LBB2_11:
0x1e: {  	s2 =	sadd.s32 $0xFFC04800, s1  }
0x1f: {  	s2 =	sshrl.u32 s2, $0x3  }
0x20: {  	s12 =	simm.s32 $0x1140;
	s2 =	sadd.s32 s6, s2  }
0x21: {  	[tilespmem:s12], [sflag:$0x2] =	stream.linear.gather [hbm4b:s2+s3], $0x8A0, $0x38;
	[tilespmem:$0x19A80] =	vst v63  }
.LBB2_13:
0x22: {  	s2 =	simm.s32 $0xFFC08800;
	s12 =	smov.u32 s6  }
.LBB2_14:
0x23: {  	s4 =	sadd.s32 $0x1, s4  }
0x24: {  	p0 =	sne.s32 s4, $0x20  }
.Ltmp1:
0x25: {  	_ = 	snop;
	(pc) =	sbr.rel @!p0 .LBB2_15-.Ltmp1, $4  }
0x26: {  	s1 =	sadd.s32 s2, s1  }
0x27: {  	s1 =	sshrl.u32 s1, $0x3  }
0x28: {  	s30 =	simm.s32 $0x19E0;
	s1 =	sadd.s32 s12, s1  }
0x29: {  	[tilespmem:s30], [sflag:$0x2] =	stream.linear.gather [hbm4b:s1+s3], $0x8A0, $0x38;
	[tilespmem:$0x19A80] =	vst v63  }
.LBB2_2:
0x2a: {  	_ =	swait.ge [sflag:s22], $0x8A0  }
0x2b: {  	[sflag:s22] =	ssyncset.done $0x0  }
0x2c: {  	[sflag:s22] =	ssyncadd.s32 $0xFFFFF760  }
0x2d: {  	_ =	swait.ge [sflag:s22], $0x8A0  }
0x2e: {  	p0 =	seq.s32 s4, $0x0;
	[sflag:s22] =	ssyncset.done $0x0  }
0x2f: {  	s1 =	simm.s32 @!p0 $0x3;
	[sflag:s22] =	ssyncadd.s32 $0xFFFFF760  }
0x30: {  	s2 =	simm.s32 $0x0;
	_ =	swait.ge @!p0 [sflag:s1], $0x4000  }
0x31: {  	v3 =	vmov s2;
	[sflag:s1] =	ssyncset.done @!p0 $0x0  }
0x32: {  	s2 =	simm.s32 $0x921;
	v3 =	vshll.u32 v3, $0x3;
	[sflag:s1] =	ssyncadd.s32 @!p0 $0xFFFFC000  }
0x33: {  	v9 =	vor.u32 v2, v3;
	v4 =	vld [tilespmem:s2+$0xFFFFF6DF];
	_ =	sdelay $0x4  }
0x34: {  	s20 =	simm.s32 $0x10;
	[tilespmem:v9+s23+$0x0] =	vst.idx.msk $0xffff, v4  }
0x35: {  	v3 =	vmov s20;
	v5 =	vor.u32 $0x1, v9;
	v4 =	vld [tilespmem:s2+$0xFFFFF6E0]  }
0x36: {  	s19 =	simm.s32 $0x931;
	v3 =	vshll.u32 v3, $0x3  }
0x37: {  	v3 =	vor.u32 v2, v3;
	v6 =	vld [tilespmem:s19+$0xFFFFF6DF];
	_ =	sdelay $0x2  }
0x38: {  	[tilespmem:v5+s23+$0x0] =	vst.idx.msk $0xffff, v4  }
0x39: {  	v7 =	vor.u32 $0x2, v9;
	v5 =	vld [tilespmem:s2+$0xFFFFF75F]  }
0x3a: {  	s21 =	simm.s32 $0x20;
	[tilespmem:v3+s23+$0x0] =	vst.idx.msk $0xffff, v6  }
0x3b: {  	v8 =	vor.u32 $0x1, v3;
	v6 =	vld [tilespmem:s19+$0xFFFFF6E0];
	v4 =	vmov s21  }
0x3c: {  	s20 =	simm.s32 $0x941;
	v4 =	vshll.u32 v4, $0x3  }
0x3d: {  	v10 =	vld [tilespmem:s20+$0xFFFFF6DF];
	v4 =	vor.u32 v2, v4  }
0x3e: {  	[tilespmem:v7+s23+$0x0] =	vst.idx.msk $0xffff, v5  }
0x3f: {  	v7 =	vor.u32 $0x3, v9;
	v5 =	vld [tilespmem:s2+$0xFFFFF760]  }
0x40: {  	[tilespmem:v8+s23+$0x0] =	vst.idx.msk $0xffff, v6  }
0x41: {  	s26 =	simm.s32 $0x30;
	v8 =	vor.u32 $0x2, v3;
	v6 =	vld [tilespmem:s19+$0xFFFFF75F]  }
0x42: {  	[tilespmem:v4+s23+$0x0] =	vst.idx.msk $0xffff, v10;
	v10 =	vmov s26  }
0x43: {  	s21 =	simm.s32 $0x951;
	v12 =	vor.u32 $0x1, v4;
	v11 =	vld [tilespmem:s20+$0xFFFFF6E0];
	v10 =	vshll.u32 v10, $0x3  }
0x44: {  	[tilespmem:v7+s23+$0x0] =	vst.idx.msk $0xffff, v5;
	v7 =	vld [tilespmem:s21+$0xFFFFF6DF];
	v5 =	vor.u32 v2, v10  }
0x45: {  	v13 =	vor.u32 $0x4, v9;
	v10 =	vld [tilespmem:s2+$0xFFFFFF7F]  }
0x46: {  	[tilespmem:v8+s23+$0x0] =	vst.idx.msk $0xffff, v6  }
0x47: {  	v8 =	vor.u32 $0x3, v3;
	v6 =	vld [tilespmem:s19+$0xFFFFF760]  }
0x48: {  	[tilespmem:v12+s23+$0x0] =	vst.idx.msk $0xffff, v11  }
0x49: {  	s30 =	simm.s32 $0x40;
	v12 =	vor.u32 $0x2, v4;
	v11 =	vld [tilespmem:s20+$0xFFFFF75F];
	[tilespmem:v5+s23+$0x0] =	vst.idx.msk $0xffff, v7  }
0x4a: {  	v15 =	vor.u32 $0x1, v5;
	v7 =	vmov s30;
	v14 =	vld [tilespmem:s21+$0xFFFFF6E0];
	[tilespmem:v13+s23+$0x0] =	vst.idx.msk $0xffff, v10  }
0x4b: {  	s26 =	simm.s32 $0x961;
	v7 =	vshll.u32 v7, $0x3;
	v13 =	vor.u32 $0x5, v9;
	v10 =	vld [tilespmem:s2+$0xFFFFFF80]  }
0x4c: {  	[tilespmem:v8+s23+$0x0] =	vst.idx.msk $0xffff, v6;
	v8 =	vld [tilespmem:s26+$0xFFFFF6DF];
	v6 =	vor.u32 v2, v7  }
0x4d: {  	v16 =	vor.u32 $0x4, v3;
	v7 =	vld [tilespmem:s19+$0xFFFFFF7F]  }
0x4e: {  	[tilespmem:v12+s23+$0x0] =	vst.idx.msk $0xffff, v11  }
0x4f: {  	v12 =	vor.u32 $0x3, v4;
	v11 =	vld [tilespmem:s20+$0xFFFFF760];
	[tilespmem:v15+s23+$0x0] =	vst.idx.msk $0xffff, v14  }
0x50: {  	v15 =	vor.u32 $0x2, v5;
	v14 =	vld [tilespmem:s21+$0xFFFFF75F];
	[tilespmem:v13+s23+$0x0] =	vst.idx.msk $0xffff, v10  }
0x51: {  	s12 =	simm.s32 $0x50;
	[tilespmem:v6+s23+$0x0] =	vst.idx.msk $0xffff, v8;
	v10 =	vor.u32 $0x6, v9;
	v8 =	vld [tilespmem:s2+$0xFFFFFFFF]  }
0x52: {  	v18 =	vor.u32 $0x1, v6;
	v13 =	vmov s12;
	[tilespmem:v16+s23+$0x0] =	vst.idx.msk $0xffff, v7;
	v17 =	vld [tilespmem:s26+$0xFFFFF6E0]  }
0x53: {  	s28 =	simm.s32 $0x971;
	v16 =	vor.u32 $0x5, v3;
	v7 =	vshll.u32 v13, $0x3;
	v13 =	vld [tilespmem:s19+$0xFFFFFF80]  }
0x54: {  	[tilespmem:v12+s23+$0x0] =	vst.idx.msk $0xffff, v11;
	v12 =	vld [tilespmem:s28+$0xFFFFF6DF];
	v7 =	vor.u32 v2, v7  }
0x55: {  	v20 =	vor.u32 $0x4, v4;
	v19 =	vld [tilespmem:s20+$0xFFFFFF7F];
	[tilespmem:v15+s23+$0x0] =	vst.idx.msk $0xffff, v14  }
0x56: {  	v22 =	vor.u32 $0x3, v5;
	v21 =	vld [tilespmem:s21+$0xFFFFF760];
	[tilespmem:v10+s23+$0x0] =	vst.idx.msk $0xffff, v8  }
0x57: {  	v11 =	vor.u32 $0x7, v9;
	[tilespmem:v18+s23+$0x0] =	vst.idx.msk $0xffff, v17;
	v8 =	vld [tilespmem:s2+$0x0]  }
0x58: {  	v15 =	vor.u32 $0x2, v6;
	[tilespmem:v16+s23+$0x0] =	vst.idx.msk $0xffff, v13;
	v14 =	vld [tilespmem:s26+$0xFFFFF75F]  }
0x59: {  	s30 =	simm.s32 $0x60;
	v10 =	vor.u32 $0x6, v3;
	[tilespmem:v7+s23+$0x0] =	vst.idx.msk $0xffff, v12;
	v9 =	vld [tilespmem:s19+$0xFFFFFFFF]  }
0x5a: {  	v17 =	vor.u32 $0x1, v7;
	v12 =	vmov s30;
	[tilespmem:v20+s23+$0x0] =	vst.idx.msk $0xffff, v19;
	v16 =	vld [tilespmem:s28+$0xFFFFF6E0]  }
0x5b: {  	s29 =	simm.s32 $0x981;
	s12 =	sshll.u32 s4, $0x1;
	v13 =	vor.u32 $0x5, v4;
	s2 =	simm.s32 $0x70;
	v18 =	vshll.u32 v12, $0x3;
	v12 =	vld [tilespmem:s20+$0xFFFFFF80];
	[tilespmem:v22+s23+$0x0] =	vst.idx.msk $0xffff, v21  }
.LBB2_3:
0x5c: {  	p1 =	sne.s32 s2, $0x7F0;
	v19 =	vld [tilespmem:s29+$0xFFFFF6DF];
	v18 =	vor.u32 v2, v18;
	[tilespmem:v11+s23+$0x0] =	vst.idx.msk $0xffff, v8  }
0x5d: {  	v21 =	vor.u32 $0x4, v5;
	[tilespmem:v15+s23+$0x0] =	vst.idx.msk $0xffff, v14;
	v20 =	vld [tilespmem:s21+$0xFFFFFF7F]  }
0x5e: {  	v23 =	vor.u32 $0x3, v6;
	v22 =	vld [tilespmem:s26+$0xFFFFF760];
	[tilespmem:v10+s23+$0x0] =	vst.idx.msk $0xffff, v9  }
.Ltmp2:
0x5f: {  	v11 =	vor.u32 $0x7, v3;
	v3 =	vmovc v4;
	v4 =	vmovc v5;
	v5 =	vmov v6;
	v6 =	vmov v7;
	[tilespmem:v17+s23+$0x0] =	vst.idx.msk $0xffff, v16;
	v8 =	vld [tilespmem:s19+$0x0];
	s19 =	smov.u32 s20;
	s20 =	smov.u32 s21;
	(pc) =	sbr.rel @p1 .LBB2_3-.Ltmp2, $4  }
0x60: {  	v15 =	vor.u32 $0x2, v6;
	v7 =	vmov v18;
	s21 =	smov.u32 s26;
	s26 =	smov.u32 s28;
	v14 =	vld [tilespmem:s28+$0xFFFFF75F];
	[tilespmem:v13+s23+$0x0] =	vst.idx.msk $0xffff, v12;
	s28 =	smov.u32 s29  }
0x61: {  	v10 =	vor.u32 $0x6, v3;
	[tilespmem:v18+s23+$0x0] =	vst.idx.msk $0xffff, v19;
	v9 =	vld [tilespmem:s19+$0xFFFFFFFF]  }
0x62: {  	v17 =	vor.u32 $0x1, v7;
	v12 =	vmov s2;
	v16 =	vld [tilespmem:s29+$0xFFFFF6E0];
	[tilespmem:v21+s23+$0x0] =	vst.idx.msk $0xffff, v20  }
0x63: {  	s2 =	sadd.s32 $0x10, s2;
	v13 =	vor.u32 $0x5, v4;
	v18 =	vshll.u32 v12, $0x3;
	s29 =	sadd.s32 $0x10, s29;
	[tilespmem:v23+s23+$0x0] =	vst.idx.msk $0xffff, v22;
	v12 =	vld [tilespmem:s20+$0xFFFFFF80]  }
0x64: {  	v19 =	vld [tilespmem:s29+$0xFFFFF6DF];
	v18 =	vor.u32 v2, v18;
	_ =	sdelay $0x4  }
0x65: {  	[tilespmem:v18+s23+$0x0] =	vst.idx.msk $0xffff, v19  }
0x66: {  	v20 =	vor.u32 $0x1, v18;
	v19 =	vld [tilespmem:s29+$0xFFFFF6E0];
	_ =	sdelay $0x3  }
0x67: {  	[tilespmem:v17+s23+$0x0] =	vst.idx.msk $0xffff, v16  }
0x68: {  	v34 =	vor.u32 $0x2, v7;
	v16 =	vld [tilespmem:s28+$0xFFFFF75F];
	[tilespmem:v20+s23+$0x0] =	vst.idx.msk $0xffff, v19  }
0x69: {  	v35 =	vor.u32 $0x2, v18;
	v19 =	vld [tilespmem:s29+$0xFFFFF75F];
	_ =	sdelay $0x2  }
0x6a: {  	[tilespmem:v15+s23+$0x0] =	vst.idx.msk $0xffff, v14  }
0x6b: {  	v36 =	vor.u32 $0x3, v6;
	v14 =	vld [tilespmem:s26+$0xFFFFF760];
	[tilespmem:v34+s23+$0x0] =	vst.idx.msk $0xffff, v16  }
0x6c: {  	v37 =	vor.u32 $0x3, v7;
	v16 =	vld [tilespmem:s28+$0xFFFFF760];
	[tilespmem:v35+s23+$0x0] =	vst.idx.msk $0xffff, v19  }
0x6d: {  	v38 =	vor.u32 $0x3, v18;
	v19 =	vld [tilespmem:s29+$0xFFFFF760];
	_ =	sdelay $0x2  }
0x6e: {  	v21 =	vld [tilespmem:s21+$0xFFFFFF7F];
	v22 =	vor.u32 $0x4, v5;
	[tilespmem:v36+s23+$0x0] =	vst.idx.msk $0xffff, v14  }
0x6f: {  	v39 =	vor.u32 $0x4, v6;
	v14 =	vld [tilespmem:s26+$0xFFFFFF7F];
	[tilespmem:v37+s23+$0x0] =	vst.idx.msk $0xffff, v16  }
0x70: {  	v40 =	vor.u32 $0x4, v7;
	v16 =	vld [tilespmem:s28+$0xFFFFFF7F];
	[tilespmem:v38+s23+$0x0] =	vst.idx.msk $0xffff, v19  }
0x71: {  	v41 =	vor.u32 $0x4, v18;
	v19 =	vld [tilespmem:s29+$0xFFFFFF7F];
	_ =	sdelay $0x1  }
0x72: {  	[tilespmem:v22+s23+$0x0] =	vst.idx.msk $0xffff, v21  }
0x73: {  	v43 =	vor.u32 $0x5, v5;
	v42 =	vld [tilespmem:s21+$0xFFFFFF80];
	[tilespmem:v39+s23+$0x0] =	vst.idx.msk $0xffff, v14  }
0x74: {  	v45 =	vor.u32 $0x5, v6;
	v44 =	vld [tilespmem:s26+$0xFFFFFF80];
	[tilespmem:v40+s23+$0x0] =	vst.idx.msk $0xffff, v16  }
0x75: {  	v47 =	vor.u32 $0x5, v7;
	v46 =	vld [tilespmem:s28+$0xFFFFFF80];
	[tilespmem:v41+s23+$0x0] =	vst.idx.msk $0xffff, v19  }
0x76: {  	[tilespmem:v11+s23+$0x0] =	vst.idx.msk $0xffff, v8;
	v49 =	vor.u32 $0x5, v18;
	v48 =	vld [tilespmem:s29+$0xFFFFFF80]  }
0x77: {  	[tilespmem:v13+s23+$0x0] =	vst.idx.msk $0xffff, v12  }
0x78: {  	v50 =	vor.u32 $0x6, v4;
	v12 =	vld [tilespmem:s20+$0xFFFFFFFF];
	[tilespmem:v43+s23+$0x0] =	vst.idx.msk $0xffff, v42  }
0x79: {  	v51 =	vor.u32 $0x6, v5;
	v14 =	vld [tilespmem:s21+$0xFFFFFFFF];
	[tilespmem:v45+s23+$0x0] =	vst.idx.msk $0xffff, v44  }
0x7a: {  	v52 =	vor.u32 $0x6, v6;
	v16 =	vld [tilespmem:s26+$0xFFFFFFFF];
	[tilespmem:v47+s23+$0x0] =	vst.idx.msk $0xffff, v46  }
0x7b: {  	v53 =	vor.u32 $0x6, v7;
	v19 =	vld [tilespmem:s28+$0xFFFFFFFF];
	[tilespmem:v49+s23+$0x0] =	vst.idx.msk $0xffff, v48  }
0x7c: {  	v55 =	vor.u32 $0x6, v18;
	[tilespmem:v10+s23+$0x0] =	vst.idx.msk $0xffff, v9;
	v54 =	vld [tilespmem:s29+$0xFFFFFFFF]  }
0x7d: {  	v3 =	vor.u32 $0x7, v3;
	v56 =	vld [tilespmem:s19+$0x0];
	[tilespmem:v50+s23+$0x0] =	vst.idx.msk $0xffff, v12  }
0x7e: {  	v57 =	vor.u32 $0x7, v4;
	v12 =	vld [tilespmem:s20+$0x0];
	[tilespmem:v51+s23+$0x0] =	vst.idx.msk $0xffff, v14  }
0x7f: {  	v59 =	vor.u32 $0x7, v5;
	v58 =	vld [tilespmem:s21+$0x0];
	[tilespmem:v52+s23+$0x0] =	vst.idx.msk $0xffff, v16  }
0x80: {  	v61 =	vor.u32 $0x7, v6;
	v60 =	vld [tilespmem:s26+$0x0];
	[tilespmem:v53+s23+$0x0] =	vst.idx.msk $0xffff, v19  }
0x81: {  	v62 =	vor.u32 $0x7, v7;
	v8 =	vld [tilespmem:s28+$0x0];
	[tilespmem:v55+s23+$0x0] =	vst.idx.msk $0xffff, v54  }
0x82: {  	v63 =	vor.u32 $0x7, v18;
	[tilespmem:v3+s23+$0x0] =	vst.idx.msk $0xffff, v56;
	v3 =	vld [tilespmem:s29+$0x0]  }
0x83: {  	[tilespmem:v57+s23+$0x0] =	vst.idx.msk $0xffff, v12  }
0x84: {  	[tilespmem:v59+s23+$0x0] =	vst.idx.msk $0xffff, v58  }
0x85: {  	[tilespmem:v61+s23+$0x0] =	vst.idx.msk $0xffff, v60  }
0x86: {  	[tilespmem:v62+s23+$0x0] =	vst.idx.msk $0xffff, v8  }
0x87: {  	[tilespmem:v63+s23+$0x0] =	vst.idx.msk $0xffff, v3  }
0x88: {  	[bflag:$0x0] =	sbarrier.arrive $0xFFFF  }
0x89: {  	s1 =	sshll.u32 s4, $0xC;
	s30 =	smin.u32 s12, $0x3D;
	s2 =	rddreg [dreg:$0x8]  }
0x8a: {  	s19 =	sadd.s32 s1, s2;
	s1 =	sshll.u32 s30, $0xB  }
0x8b: {  	s1 =	sadd.s32 s1, s14  }
0x8c: {  	p1 =	slt.u32 s1, $0x3FF761  }
.Ltmp3:
0x8d: {  	_ = 	snop;
	(pc) =	sbr.rel @!p1 .LBB2_5-.Ltmp3, $2  }
0x8e: {  	_ =	sdelay $0x2  }
0x8f: {  	[hbm4b:s19+s3] =	stream.linear.scatter [tilespmem:s23], [sflag:$0x3], $0x4000, $0x38;
	[tilespmem:$0x19A80] =	vst v63  }
0x90: {  	p1 =	slt.u32 s1, $0x3FB761  }
.Ltmp4:
0x91: {  	_ = 	snop;
	(pc) =	sbr.rel @p1 .LBB2_8-.Ltmp4, $4  }
.Ltmp5:
0x92: {  	s2 =	sshrl.u32 s1, $0x3;
	(pc) =	sbr.rel @!p1 .LBB2_7-.Ltmp5, $4  }
0x93: {  	s2 =	sadd.s32 s7, s2  }
0x94: {  	[tilespmem:s3], [sflag:$0x1] =	stream.linear.gather [hbm4b:s2+s3], $0x8A0, $0x38;
	[tilespmem:$0x19A80] =	vst v63  }
0x95: {  	s20 =	smov.u32 s7;
	s2 =	simm.s32 $0x4000  }
0x96: {  	_ = 	snop  }
.LBB2_5:
0x97: {  	s2 =	sadd.s32 $0xFFC04800, s1  }
0x98: {  	s2 =	sshrl.u32 s2, $0x3  }
0x99: {  	s2 =	sadd.s32 s6, s2  }
0x9a: {  	[tilespmem:s3], [sflag:$0x1] =	stream.linear.gather [hbm4b:s2+s3], $0x8A0, $0x38;
	[tilespmem:$0x19A80] =	vst v63  }
.LBB2_7:
0x9b: {  	s2 =	simm.s32 $0xFFC08800;
	s20 =	smov.u32 s6  }
.LBB2_8:
0x9c: {  	s1 =	sadd.s32 s2, s1  }
0x9d: {  	s1 =	sshrl.u32 s1, $0x3  }
0x9e: {  	s21 =	simm.s32 $0x8A0;
	s1 =	sadd.s32 s20, s1  }
0x9f: {  	[tilespmem:s21], [sflag:$0x1] =	stream.linear.gather [hbm4b:s1+s3], $0x8A0, $0x38;
	[tilespmem:$0x19A80] =	vst v63  }
0xa0: {  	_ =	swait.ge [sflag:s24], $0x8A0  }
0xa1: {  	[sflag:s24] =	ssyncset.done $0x0  }
0xa2: {  	[sflag:s24] =	ssyncadd.s32 $0xFFFFF760  }
0xa3: {  	_ =	swait.ge [sflag:s24], $0x8A0  }
0xa4: {  	[sflag:s24] =	ssyncset.done $0x0  }
0xa5: {  	s1 =	simm.s32 @!p0 $0x4;
	[sflag:s24] =	ssyncadd.s32 $0xFFFFF760  }
0xa6: {  	s26 =	simm.s32 $0x0;
	_ =	swait.ge @!p0 [sflag:s1], $0x4000  }
0xa7: {  	v3 =	vmov s26;
	[sflag:s1] =	ssyncset.done @!p0 $0x0  }
0xa8: {  	s2 =	simm.s32 $0x1A61;
	v3 =	vshll.u32 v3, $0x3;
	[sflag:s1] =	ssyncadd.s32 @!p0 $0xFFFFC000  }
0xa9: {  	v9 =	vor.u32 v2, v3;
	v4 =	vld [tilespmem:s2+$0xFFFFF6DF];
	_ =	sdelay $0x4  }
0xaa: {  	s20 =	simm.s32 $0x10;
	[tilespmem:v9+s25+$0x0] =	vst.idx.msk $0xffff, v4  }
0xab: {  	v3 =	vmov s20;
	v5 =	vor.u32 $0x1, v9;
	v4 =	vld [tilespmem:s2+$0xFFFFF6E0]  }
0xac: {  	s20 =	simm.s32 $0x1A71;
	v3 =	vshll.u32 v3, $0x3  }
0xad: {  	v3 =	vor.u32 v2, v3;
	v6 =	vld [tilespmem:s20+$0xFFFFF6DF];
	_ =	sdelay $0x2  }
0xae: {  	[tilespmem:v5+s25+$0x0] =	vst.idx.msk $0xffff, v4  }
0xaf: {  	v7 =	vor.u32 $0x2, v9;
	v5 =	vld [tilespmem:s2+$0xFFFFF75F]  }
0xb0: {  	s21 =	simm.s32 $0x20;
	[tilespmem:v3+s25+$0x0] =	vst.idx.msk $0xffff, v6  }
0xb1: {  	v8 =	vor.u32 $0x1, v3;
	v6 =	vld [tilespmem:s20+$0xFFFFF6E0];
	v4 =	vmov s21  }
0xb2: {  	s21 =	simm.s32 $0x1A81;
	v4 =	vshll.u32 v4, $0x3  }
0xb3: {  	v10 =	vld [tilespmem:s21+$0xFFFFF6DF];
	v4 =	vor.u32 v2, v4  }
0xb4: {  	[tilespmem:v7+s25+$0x0] =	vst.idx.msk $0xffff, v5  }
0xb5: {  	v7 =	vor.u32 $0x3, v9;
	v5 =	vld [tilespmem:s2+$0xFFFFF760]  }
0xb6: {  	[tilespmem:v8+s25+$0x0] =	vst.idx.msk $0xffff, v6  }
0xb7: {  	s26 =	simm.s32 $0x30;
	v8 =	vor.u32 $0x2, v3;
	v6 =	vld [tilespmem:s20+$0xFFFFF75F]  }
0xb8: {  	[tilespmem:v4+s25+$0x0] =	vst.idx.msk $0xffff, v10;
	v10 =	vmov s26  }
0xb9: {  	v12 =	vor.u32 $0x1, v4;
	s26 =	simm.s32 $0x1A91;
	v11 =	vld [tilespmem:s21+$0xFFFFF6E0];
	v10 =	vshll.u32 v10, $0x3  }
0xba: {  	[tilespmem:v7+s25+$0x0] =	vst.idx.msk $0xffff, v5;
	v7 =	vld [tilespmem:s26+$0xFFFFF6DF];
	v5 =	vor.u32 v2, v10  }
0xbb: {  	v13 =	vor.u32 $0x4, v9;
	v10 =	vld [tilespmem:s2+$0xFFFFFF7F]  }
0xbc: {  	[tilespmem:v8+s25+$0x0] =	vst.idx.msk $0xffff, v6  }
0xbd: {  	v8 =	vor.u32 $0x3, v3;
	v6 =	vld [tilespmem:s20+$0xFFFFF760]  }
0xbe: {  	[tilespmem:v12+s25+$0x0] =	vst.idx.msk $0xffff, v11  }
0xbf: {  	s1 =	simm.s32 $0x40;
	v12 =	vor.u32 $0x2, v4;
	v11 =	vld [tilespmem:s21+$0xFFFFF75F];
	[tilespmem:v5+s25+$0x0] =	vst.idx.msk $0xffff, v7  }
0xc0: {  	v15 =	vor.u32 $0x1, v5;
	v7 =	vmov s1;
	v14 =	vld [tilespmem:s26+$0xFFFFF6E0];
	[tilespmem:v13+s25+$0x0] =	vst.idx.msk $0xffff, v10  }
0xc1: {  	s28 =	simm.s32 $0x1AA1;
	v7 =	vshll.u32 v7, $0x3;
	v13 =	vor.u32 $0x5, v9;
	v10 =	vld [tilespmem:s2+$0xFFFFFF80]  }
0xc2: {  	[tilespmem:v8+s25+$0x0] =	vst.idx.msk $0xffff, v6;
	v8 =	vld [tilespmem:s28+$0xFFFFF6DF];
	v6 =	vor.u32 v2, v7  }
0xc3: {  	v16 =	vor.u32 $0x4, v3;
	v7 =	vld [tilespmem:s20+$0xFFFFFF7F]  }
0xc4: {  	[tilespmem:v12+s25+$0x0] =	vst.idx.msk $0xffff, v11  }
0xc5: {  	v12 =	vor.u32 $0x3, v4;
	v11 =	vld [tilespmem:s21+$0xFFFFF760];
	[tilespmem:v15+s25+$0x0] =	vst.idx.msk $0xffff, v14  }
0xc6: {  	v15 =	vor.u32 $0x2, v5;
	v14 =	vld [tilespmem:s26+$0xFFFFF75F];
	[tilespmem:v13+s25+$0x0] =	vst.idx.msk $0xffff, v10  }
0xc7: {  	s1 =	simm.s32 $0x50;
	[tilespmem:v6+s25+$0x0] =	vst.idx.msk $0xffff, v8;
	v10 =	vor.u32 $0x6, v9;
	v8 =	vld [tilespmem:s2+$0xFFFFFFFF]  }
0xc8: {  	v18 =	vor.u32 $0x1, v6;
	v13 =	vmov s1;
	[tilespmem:v16+s25+$0x0] =	vst.idx.msk $0xffff, v7;
	v17 =	vld [tilespmem:s28+$0xFFFFF6E0]  }
0xc9: {  	s29 =	simm.s32 $0x1AB1;
	v16 =	vor.u32 $0x5, v3;
	v7 =	vshll.u32 v13, $0x3;
	v13 =	vld [tilespmem:s20+$0xFFFFFF80]  }
0xca: {  	[tilespmem:v12+s25+$0x0] =	vst.idx.msk $0xffff, v11;
	v12 =	vld [tilespmem:s29+$0xFFFFF6DF];
	v7 =	vor.u32 v2, v7  }
0xcb: {  	v20 =	vor.u32 $0x4, v4;
	v19 =	vld [tilespmem:s21+$0xFFFFFF7F];
	[tilespmem:v15+s25+$0x0] =	vst.idx.msk $0xffff, v14  }
0xcc: {  	v22 =	vor.u32 $0x3, v5;
	v21 =	vld [tilespmem:s26+$0xFFFFF760];
	[tilespmem:v10+s25+$0x0] =	vst.idx.msk $0xffff, v8  }
0xcd: {  	v11 =	vor.u32 $0x7, v9;
	[tilespmem:v18+s25+$0x0] =	vst.idx.msk $0xffff, v17;
	v8 =	vld [tilespmem:s2+$0x0]  }
0xce: {  	v15 =	vor.u32 $0x2, v6;
	[tilespmem:v16+s25+$0x0] =	vst.idx.msk $0xffff, v13;
	v14 =	vld [tilespmem:s28+$0xFFFFF75F]  }
0xcf: {  	v10 =	vor.u32 $0x6, v3;
	s2 =	simm.s32 $0x60;
	[tilespmem:v7+s25+$0x0] =	vst.idx.msk $0xffff, v12;
	v9 =	vld [tilespmem:s20+$0xFFFFFFFF]  }
0xd0: {  	v17 =	vor.u32 $0x1, v7;
	[tilespmem:v20+s25+$0x0] =	vst.idx.msk $0xffff, v19;
	v12 =	vmov s2;
	v16 =	vld [tilespmem:s29+$0xFFFFF6E0]  }
0xd1: {  	s30 =	simm.s32 $0x1AC1;
	v13 =	vor.u32 $0x5, v4;
	s2 =	simm.s32 $0x70;
	v18 =	vshll.u32 v12, $0x3;
	v12 =	vld [tilespmem:s21+$0xFFFFFF80];
	[tilespmem:v22+s25+$0x0] =	vst.idx.msk $0xffff, v21  }
.LBB2_9:
0xd2: {  	p0 =	sne.s32 s2, $0x7F0;
	v19 =	vld [tilespmem:s30+$0xFFFFF6DF];
	v18 =	vor.u32 v2, v18;
	[tilespmem:v11+s25+$0x0] =	vst.idx.msk $0xffff, v8  }
0xd3: {  	v21 =	vor.u32 $0x4, v5;
	[tilespmem:v15+s25+$0x0] =	vst.idx.msk $0xffff, v14;
	v20 =	vld [tilespmem:s26+$0xFFFFFF7F]  }
0xd4: {  	v23 =	vor.u32 $0x3, v6;
	v22 =	vld [tilespmem:s28+$0xFFFFF760];
	[tilespmem:v10+s25+$0x0] =	vst.idx.msk $0xffff, v9  }
.Ltmp6:
0xd5: {  	v11 =	vor.u32 $0x7, v3;
	v3 =	vmovc v4;
	v4 =	vmovc v5;
	v5 =	vmov v6;
	v6 =	vmov v7;
	[tilespmem:v17+s25+$0x0] =	vst.idx.msk $0xffff, v16;
	v8 =	vld [tilespmem:s20+$0x0];
	s20 =	smov.u32 s21;
	s21 =	smov.u32 s26;
	(pc) =	sbr.rel @p0 .LBB2_9-.Ltmp6, $4  }
0xd6: {  	v15 =	vor.u32 $0x2, v6;
	v7 =	vmov v18;
	s26 =	smov.u32 s28;
	s28 =	smov.u32 s29;
	v14 =	vld [tilespmem:s29+$0xFFFFF75F];
	[tilespmem:v13+s25+$0x0] =	vst.idx.msk $0xffff, v12;
	s29 =	smov.u32 s30  }
0xd7: {  	v10 =	vor.u32 $0x6, v3;
	[tilespmem:v18+s25+$0x0] =	vst.idx.msk $0xffff, v19;
	v9 =	vld [tilespmem:s20+$0xFFFFFFFF]  }
0xd8: {  	v17 =	vor.u32 $0x1, v7;
	v12 =	vmov s2;
	v16 =	vld [tilespmem:s30+$0xFFFFF6E0];
	[tilespmem:v21+s25+$0x0] =	vst.idx.msk $0xffff, v20  }
0xd9: {  	s2 =	sadd.s32 $0x10, s2;
	v13 =	vor.u32 $0x5, v4;
	v18 =	vshll.u32 v12, $0x3;
	s30 =	sadd.s32 $0x10, s30;
	[tilespmem:v23+s25+$0x0] =	vst.idx.msk $0xffff, v22;
	v12 =	vld [tilespmem:s21+$0xFFFFFF80]  }
0xda: {  	v19 =	vld [tilespmem:s30+$0xFFFFF6DF];
	v18 =	vor.u32 v2, v18;
	_ =	sdelay $0x4  }
0xdb: {  	[tilespmem:v18+s25+$0x0] =	vst.idx.msk $0xffff, v19  }
0xdc: {  	v20 =	vor.u32 $0x1, v18;
	v19 =	vld [tilespmem:s30+$0xFFFFF6E0];
	_ =	sdelay $0x3  }
0xdd: {  	[tilespmem:v17+s25+$0x0] =	vst.idx.msk $0xffff, v16  }
0xde: {  	v34 =	vor.u32 $0x2, v7;
	v16 =	vld [tilespmem:s29+$0xFFFFF75F];
	[tilespmem:v20+s25+$0x0] =	vst.idx.msk $0xffff, v19  }
0xdf: {  	v35 =	vor.u32 $0x2, v18;
	v19 =	vld [tilespmem:s30+$0xFFFFF75F];
	_ =	sdelay $0x2  }
0xe0: {  	[tilespmem:v15+s25+$0x0] =	vst.idx.msk $0xffff, v14  }
0xe1: {  	v36 =	vor.u32 $0x3, v6;
	v14 =	vld [tilespmem:s28+$0xFFFFF760];
	[tilespmem:v34+s25+$0x0] =	vst.idx.msk $0xffff, v16  }
0xe2: {  	v37 =	vor.u32 $0x3, v7;
	v16 =	vld [tilespmem:s29+$0xFFFFF760];
	[tilespmem:v35+s25+$0x0] =	vst.idx.msk $0xffff, v19  }
0xe3: {  	v38 =	vor.u32 $0x3, v18;
	v19 =	vld [tilespmem:s30+$0xFFFFF760];
	_ =	sdelay $0x2  }
0xe4: {  	v21 =	vld [tilespmem:s26+$0xFFFFFF7F];
	v22 =	vor.u32 $0x4, v5;
	[tilespmem:v36+s25+$0x0] =	vst.idx.msk $0xffff, v14  }
0xe5: {  	v39 =	vor.u32 $0x4, v6;
	v14 =	vld [tilespmem:s28+$0xFFFFFF7F];
	[tilespmem:v37+s25+$0x0] =	vst.idx.msk $0xffff, v16  }
0xe6: {  	v40 =	vor.u32 $0x4, v7;
	v16 =	vld [tilespmem:s29+$0xFFFFFF7F];
	[tilespmem:v38+s25+$0x0] =	vst.idx.msk $0xffff, v19  }
0xe7: {  	v41 =	vor.u32 $0x4, v18;
	v19 =	vld [tilespmem:s30+$0xFFFFFF7F];
	_ =	sdelay $0x1  }
0xe8: {  	[tilespmem:v22+s25+$0x0] =	vst.idx.msk $0xffff, v21  }
0xe9: {  	v43 =	vor.u32 $0x5, v5;
	v42 =	vld [tilespmem:s26+$0xFFFFFF80];
	[tilespmem:v39+s25+$0x0] =	vst.idx.msk $0xffff, v14  }
0xea: {  	v45 =	vor.u32 $0x5, v6;
	v44 =	vld [tilespmem:s28+$0xFFFFFF80];
	[tilespmem:v40+s25+$0x0] =	vst.idx.msk $0xffff, v16  }
0xeb: {  	v47 =	vor.u32 $0x5, v7;
	v46 =	vld [tilespmem:s29+$0xFFFFFF80];
	[tilespmem:v41+s25+$0x0] =	vst.idx.msk $0xffff, v19  }
0xec: {  	[tilespmem:v11+s25+$0x0] =	vst.idx.msk $0xffff, v8;
	v49 =	vor.u32 $0x5, v18;
	v48 =	vld [tilespmem:s30+$0xFFFFFF80]  }
0xed: {  	[tilespmem:v13+s25+$0x0] =	vst.idx.msk $0xffff, v12  }
0xee: {  	v50 =	vor.u32 $0x6, v4;
	v12 =	vld [tilespmem:s21+$0xFFFFFFFF];
	[tilespmem:v43+s25+$0x0] =	vst.idx.msk $0xffff, v42  }
0xef: {  	v51 =	vor.u32 $0x6, v5;
	v14 =	vld [tilespmem:s26+$0xFFFFFFFF];
	[tilespmem:v45+s25+$0x0] =	vst.idx.msk $0xffff, v44  }
0xf0: {  	v52 =	vor.u32 $0x6, v6;
	v16 =	vld [tilespmem:s28+$0xFFFFFFFF];
	[tilespmem:v47+s25+$0x0] =	vst.idx.msk $0xffff, v46  }
0xf1: {  	v53 =	vor.u32 $0x6, v7;
	v19 =	vld [tilespmem:s29+$0xFFFFFFFF];
	[tilespmem:v49+s25+$0x0] =	vst.idx.msk $0xffff, v48  }
0xf2: {  	v55 =	vor.u32 $0x6, v18;
	[tilespmem:v10+s25+$0x0] =	vst.idx.msk $0xffff, v9;
	v54 =	vld [tilespmem:s30+$0xFFFFFFFF]  }
0xf3: {  	v3 =	vor.u32 $0x7, v3;
	v56 =	vld [tilespmem:s20+$0x0];
	[tilespmem:v50+s25+$0x0] =	vst.idx.msk $0xffff, v12  }
0xf4: {  	v57 =	vor.u32 $0x7, v4;
	v12 =	vld [tilespmem:s21+$0x0];
	[tilespmem:v51+s25+$0x0] =	vst.idx.msk $0xffff, v14  }
0xf5: {  	v59 =	vor.u32 $0x7, v5;
	v58 =	vld [tilespmem:s26+$0x0];
	[tilespmem:v52+s25+$0x0] =	vst.idx.msk $0xffff, v16  }
0xf6: {  	v61 =	vor.u32 $0x7, v6;
	v60 =	vld [tilespmem:s28+$0x0];
	[tilespmem:v53+s25+$0x0] =	vst.idx.msk $0xffff, v19  }
0xf7: {  	v62 =	vor.u32 $0x7, v7;
	v8 =	vld [tilespmem:s29+$0x0];
	[tilespmem:v55+s25+$0x0] =	vst.idx.msk $0xffff, v54  }
0xf8: {  	v63 =	vor.u32 $0x7, v18;
	[tilespmem:v3+s25+$0x0] =	vst.idx.msk $0xffff, v56;
	v3 =	vld [tilespmem:s30+$0x0]  }
0xf9: {  	[tilespmem:v57+s25+$0x0] =	vst.idx.msk $0xffff, v12  }
0xfa: {  	[tilespmem:v59+s25+$0x0] =	vst.idx.msk $0xffff, v58  }
0xfb: {  	[tilespmem:v61+s25+$0x0] =	vst.idx.msk $0xffff, v60  }
0xfc: {  	[tilespmem:v62+s25+$0x0] =	vst.idx.msk $0xffff, v8  }
0xfd: {  	[tilespmem:v63+s25+$0x0] =	vst.idx.msk $0xffff, v3  }
0xfe: {  	s1 =	sadd.s32 $0x800, s19;
	s30 =	smin.u32 s12, $0x3C;
	[bflag:$0x0] =	sbarrier.arrive $0xFFFF  }
0xff: {  	[hbm4b:s1+s3] =	stream.linear.scatter [tilespmem:s25], [sflag:$0x4], $0x4000, $0x38;
	[tilespmem:$0x19A80] =	vst v63  }
0x100: {  	s1 =	sshll.u32 s30, $0xB  }
0x101: {  	s1 =	sadd.s32 s1, s15  }
0x102: {  	p0 =	slt.u32 s1, $0x3FF761  }
.Ltmp7:
0x103: {  	_ = 	snop;
	(pc) =	sbr.rel @!p0 .LBB2_11-.Ltmp7, $1  }
0x104: {  	_ =	sdelay $0x3  }
0x105: {  	p0 =	slt.u32 s1, $0x3FB761  }
.Ltmp8:
0x106: {  	_ = 	snop;
	(pc) =	sbr.rel @p0 .LBB2_14-.Ltmp8, $4  }
.Ltmp9:
0x107: {  	s2 =	sshrl.u32 s1, $0x3;
	(pc) =	sbr.rel @!p0 .LBB2_13-.Ltmp9, $4  }
0x108: {  	s12 =	simm.s32 $0x1140;
	s2 =	sadd.s32 s7, s2  }
0x109: {  	[tilespmem:s12], [sflag:$0x2] =	stream.linear.gather [hbm4b:s2+s3], $0x8A0, $0x38;
	[tilespmem:$0x19A80] =	vst v63  }
0x10a: {  	s2 =	simm.s32 $0x4000;
	s12 =	smov.u32 s7  }
0x10b: {  	_ = 	snop  }
.LBB2_15:
0x10c: {  	s1 =	simm.s32 $0x3  }
0x10d: {  	_ =	swait.ge [sflag:s1], $0x4000  }
0x10e: {  	[sflag:s1] =	ssyncset.done $0x0  }
0x10f: {  	s26 =	simm.s32 $0x4;
	[sflag:s1] =	ssyncadd.s32 $0xFFFFC000  }
0x110: {  	_ =	swait.ge [sflag:s26], $0x4000  }
0x111: {  	[sflag:s26] =	ssyncset.done $0x0  }
0x112: {  	[sflag:s26] =	ssyncadd.s32 $0xFFFFC000  }
0x113: {  	_ =	swait.ge [sflag:s22], $0x8A0  }
0x114: {  	[sflag:s22] =	ssyncset.done $0x0  }
0x115: {  	[sflag:s22] =	ssyncadd.s32 $0xFFFFF760  }
0x116: {  	_ =	swait.ge [sflag:s22], $0x8A0  }
0x117: {  	[sflag:s22] =	ssyncset.done $0x0  }
0x118: {  	[sflag:s22] =	ssyncadd.s32 $0xFFFFF760  }
0x119: {  	_ =	swait.ge [sflag:s24], $0x8A0  }
0x11a: {  	[sflag:s24] =	ssyncset.done $0x0  }
0x11b: {  	[sflag:s24] =	ssyncadd.s32 $0xFFFFF760  }
0x11c: {  	_ =	swait.ge [sflag:s24], $0x8A0  }
0x11d: {  	[sflag:s24] =	ssyncset.done $0x0  }
0x11e: {  	[sflag:s24] =	ssyncadd.s32 $0xFFFFF760  }
0x11f: {  	[bflag:$0x0] =	sbarrier.arrive $0xFFFF  }
0x120: {  	s4 =	simm.s32 $0x0;
	s2 =	simm.s32 $0xA280;
	s28 =	rddreg [dreg:$0x9]  }
0x121: {  	[tilespmem:s2], [sflag:$0x5] =	stream.linear.gather [hbm4b:s28+s4], $0x1800, $0x38;
	[tilespmem:$0x19A80] =	vst v63  }
0x122: {  	s30 =	simm.s32 $0xBA80;
	s29 =	rddreg [dreg:$0xa]  }
0x123: {  	[tilespmem:s30], [sflag:$0x6] =	stream.linear.gather [hbm4b:s29+s4], $0x1800, $0x38;
	[tilespmem:$0x19A80] =	vst v63  }
0x124: {  	s12 =	simm.s32 $0x0;
	s26 =	simm.s32 $0x0;
	s4 =	simm.s32 $0x800  }
.LBB2_16:
0x125: {  	s1 =	simm.s32 $0x0  }
0x126: {  	s1 =	smul.u32 $0x600, s1  }
0x127: {  	_ =	swait.ge [sflag:s31], $0x1800;
	s7 =	simm.s32 $0x0  }
0x128: {  	[sflag:s31] =	ssyncset.done $0x0;
	s20 =	sand.u32 $0x70, s7;
	s1 =	sshra.s32 s1, $0x2  }
0x129: {  	s2 =	sshll.u32 s26, $0xC;
	[sflag:s31] =	ssyncadd.s32 $0xFFFFE800;
	s1 =	sor.u32 s20, s1  }
0x12a: {  	s19 =	sor.u32 s0, s2;
	v4 =	vld [tilespmem:s1+$0xA280]  }
0x12b: {  	s2 =	sshrl.u32 s19, $0xE;
	v5 =	vld [tilespmem:s1+$0xA380]  }
0x12c: {  	s30 =	sadd.s32 $0x0, s12;
	s2 =	sand.u32 $0x7F, s2;
	v6 =	vld [tilespmem:s1+$0xA300]  }
0x12d: {  	s2 =	scvt.s32.f32 s2;
	s1 =	sshrl.u32 s30, $0x7  }
0x12e: {  	s7 =	simm.s32 $0x0;
	v7 =	vor.u32 s20, v0;
	s1 =	sand.u32 $0x6F, s1  }
0x12f: {  	v7 =	vcvt.s32.f32 v7;
	s20 =	smul.u32 $0x600, s7;
	v3 =	vmov s2;
	s1 =	scvt.s32.f32 s1  }
0x130: {  	s28 =	simm.s32 $0x10;
	v4 =	vadd.f32 v4, v3  }
0x131: {  	s21 =	sand.u32 $0x70, s28;
	v5 =	vadd.f32 v7, v5;
	v6 =	vadd.f32 s1, v6;
	s1 =	sshra.s32 s20, $0x2  }
0x132: {  	s1 =	sor.u32 s21, s1;
	v4 =	vmax.f32 v4, $0.0e+00  }
0x133: {  	v9 =	vld [tilespmem:s1+$0xA280];
	v10 =	vmin.f32 v4, $1.270000000e+02;
	v4 =	vmax.f32 v5, $0.0e+00  }
0x134: {  	v6 =	vmax.f32 v6, $0.0e+00;
	v5 =	vtrunc.f32 v10;
	v7 =	vmin.f32 v4, $1.270000000e+02  }
0x135: {  	v4 =	vmin.f32 v6, $1.270000000e+02;
	v5 =	vcvt.f32.s32 v5;
	v6 =	vtrunc.f32 v7  }
0x136: {  	v12 =	vor.u32 s21, v0;
	v11 =	vld [tilespmem:s1+$0xA380];
	v8 =	vtrunc.f32 v4;
	v6 =	vcvt.f32.s32 v6  }
0x137: {  	v12 =	vcvt.s32.f32 v12;
	v8 =	vcvt.f32.s32 v8;
	vm0 =	vlt.s32 v5, $0x7E  }
0x138: {  	s29 =	sadd.s32 $0x10, s12;
	v13 =	vld [tilespmem:s1+$0xA300];
	v9 =	vadd.f32 v9, v3;
	vm1 =	vlt.s32 v6, $0x7E;
	v5 =	vnsel vm0, $0x7E, v5  }
0x139: {  	s1 =	sshrl.u32 s29, $0x7;
	vm15 =	vlt.s32 v8, $0x7E;
	v6 =	vnsel vm1, $0x7E, v6;
	v14 =	vshll.u32 v5, $0xE  }
0x13a: {  	s1 =	sand.u32 $0x6F, s1;
	v8 =	vnsel vm15, $0x7E, v8;
	v15 =	vcvt.s32.f32 v6;
	v14 =	vadd.s32 v1, v14  }
0x13b: {  	s1 =	scvt.s32.f32 s1;
	v11 =	vadd.f32 v12, v11;
	v16 =	vshll.u32 v8, $0x7;
	v6 =	vadd.s32 v6, v14  }
0x13c: {  	s21 =	simm.s32 $0xD280;
	v63 =	vcvt.s32.f32 v5;
	v62 =	vsub.f32 v7, v15;
	v6 =	vadd.s32 v16, v6  }
0x13d: {  	s30 =	simm.s32 $0x0;
	s20 =	simm.s32 $0xF280;
	v5 =	vmax.f32 v9, $0.0e+00;
	v7 =	vcvt.s32.f32 v8;
	v8 =	vadd.f32 s1, v13;
	[tilespmem:s21+$0x0] =	vst v6  }
0x13e: {  	s2 =	simm.s32 $0x3;
	v9 =	vmax.f32 v11, $0.0e+00;
	v5 =	vmin.f32 v5, $1.270000000e+02;
	s1 =	smul.u32 $0x600, s30;
	v6 =	vsub.f32 v10, v63;
	[tilespmem:s20+$0x0] =	vst v62  }
.LBB2_17:
0x13f: {  	p0 =	sne.s32 s2, $0x7F;
	v10 =	vtrunc.f32 v5;
	v8 =	vmax.f32 v8, $0.0e+00;
	v9 =	vmin.f32 v9, $1.270000000e+02;
	s28 =	sadd.s32 $0x10, s28  }
0x140: {  	s29 =	sand.u32 $0x70, s28;
	s1 =	sshra.s32 s1, $0x2;
	v10 =	vcvt.f32.s32 v10;
	v8 =	vmin.f32 v8, $1.270000000e+02;
	v11 =	vtrunc.f32 v9;
	[tilespmem:s20+$0xFFFFF000] =	vst v6  }
0x141: {  	v7 =	vsub.f32 v4, v7;
	s1 =	sor.u32 s29, s1;
	v6 =	vtrunc.f32 v8;
	v11 =	vcvt.f32.s32 v11;
	v4 =	vmovc v8  }
0x142: {  	v8 =	vld [tilespmem:s1+$0xA280];
	vm0 =	vlt.s32 v10, $0x7E;
	v6 =	vcvt.f32.s32 v6  }
0x143: {  	v13 =	vor.u32 s29, v0;
	v12 =	vld [tilespmem:s1+$0xA380];
	v10 =	vnsel vm0, $0x7E, v10;
	vm0 =	vlt.s32 v11, $0x7E;
	[tilespmem:s20+$0xFFFFF800] =	vst v7  }
0x144: {  	v14 =	vld [tilespmem:s1+$0xA300];
	s1 =	sadd.s32 s28, s12;
	vm1 =	vlt.s32 v6, $0x7E;
	v7 =	vnsel vm0, $0x7E, v11;
	v11 =	vshll.u32 v10, $0xE  }
0x145: {  	s1 =	sshrl.u32 s1, $0x7;
	v6 =	vnsel vm1, $0x7E, v6;
	v15 =	vcvt.s32.f32 v7;
	v11 =	vadd.s32 v1, v11  }
.Ltmp10:
0x146: {  	v13 =	vcvt.s32.f32 v13;
	s1 =	sand.u32 $0x6F, s1;
	v16 =	vshll.u32 v6, $0x7;
	v7 =	vadd.s32 v7, v11;
	(pc) =	sbr.rel @p0 .LBB2_17-.Ltmp10, $4  }
0x147: {  	s21 =	sadd.s32 $0x10, s21;
	v8 =	vadd.f32 v8, v3;
	s1 =	scvt.s32.f32 s1;
	v9 =	vsub.f32 v9, v15;
	v11 =	vadd.s32 v16, v7  }
0x148: {  	s20 =	sadd.s32 $0x10, s20;
	v10 =	vcvt.s32.f32 v10;
	v7 =	vcvt.s32.f32 v6;
	v12 =	vadd.f32 v13, v12;
	[tilespmem:s21+$0x0] =	vst v11  }
0x149: {  	s29 =	sshrl.u32 s2, $0x3;
	v11 =	vmax.f32 v8, $0.0e+00;
	v8 =	vadd.f32 s1, v14;
	[tilespmem:s20+$0x0] =	vst v9  }
0x14a: {  	s2 =	sadd.s32 $0x1, s2;
	v6 =	vsub.f32 v5, v10;
	s1 =	smul.u32 $0x600, s29;
	v9 =	vmax.f32 v12, $0.0e+00;
	v5 =	vmin.f32 v11, $1.270000000e+02  }
0x14b: {  	s2 =	sadd.s32 $0x10, s28  }
0x14c: {  	v10 =	vtrunc.f32 v5;
	v8 =	vmax.f32 v8, $0.0e+00;
	v9 =	vmin.f32 v9, $1.270000000e+02;
	s28 =	sand.u32 $0x70, s2;
	s1 =	sshra.s32 s1, $0x2  }
0x14d: {  	v10 =	vcvt.f32.s32 v10;
	v8 =	vmin.f32 v8, $1.270000000e+02;
	v11 =	vtrunc.f32 v9;
	s1 =	sor.u32 s28, s1  }
0x14e: {  	v12 =	vtrunc.f32 v8;
	v11 =	vcvt.f32.s32 v11;
	v13 =	vld [tilespmem:s1+$0xA280]  }
0x14f: {  	v4 =	vsub.f32 v4, v7;
	v14 =	vor.u32 s28, v0;
	v7 =	vcvt.f32.s32 v12;
	v51 =	vld [tilespmem:s1+$0xA380]  }
0x150: {  	s2 =	sadd.s32 s2, s12;
	vm0 =	vlt.s32 v10, $0x7E;
	v15 =	vld [tilespmem:s1+$0xA300];
	v14 =	vcvt.s32.f32 v14;
	vm9 =	vlt.s32 v11, $0x7E  }
0x151: {  	s1 =	sshrl.u32 s2, $0x7;
	v10 =	vnsel vm0, $0x7E, v10;
	vm1 =	vlt.s32 v7, $0x7E;
	v11 =	vnsel vm9, $0x7E, v11  }
0x152: {  	s1 =	sand.u32 $0x6F, s1;
	v16 =	vshll.u32 v10, $0xE;
	v10 =	vcvt.s32.f32 v10;
	v17 =	vcvt.s32.f32 v11  }
0x153: {  	s1 =	scvt.s32.f32 s1;
	v16 =	vadd.s32 v1, v16;
	v7 =	vnsel vm1, $0x7E, v7;
	v13 =	vadd.f32 v13, v3  }
0x154: {  	v11 =	vadd.s32 v11, v16;
	v52 =	vshll.u32 v7, $0x7;
	v12 =	vadd.f32 v14, v51  }
0x155: {  	v7 =	vcvt.s32.f32 v7;
	v53 =	vadd.f32 s1, v15;
	v13 =	vmax.f32 v13, $0.0e+00  }
0x156: {  	v5 =	vsub.f32 v5, v10;
	v12 =	vmax.f32 v12, $0.0e+00;
	v13 =	vmin.f32 v13, $1.270000000e+02  }
0x157: {  	v14 =	vmax.f32 v53, $0.0e+00;
	v12 =	vmin.f32 v12, $1.270000000e+02;
	v54 =	vtrunc.f32 v13  }
0x158: {  	v14 =	vmin.f32 v14, $1.270000000e+02;
	v55 =	vtrunc.f32 v12;
	v15 =	vcvt.f32.s32 v54  }
0x159: {  	[tilespmem:s20+$0xFFFFF000] =	vst v6;
	v9 =	vsub.f32 v9, v17;
	v56 =	vtrunc.f32 v14;
	v17 =	vcvt.f32.s32 v55  }
0x15a: {  	s7 =	sadd.s32 $0x10, s21;
	[tilespmem:s20+$0xFFFFF800] =	vst v4;
	v11 =	vadd.s32 v52, v11;
	v6 =	vcvt.f32.s32 v56;
	vm10 =	vlt.s32 v15, $0x7E  }
0x15b: {  	s21 =	sadd.s32 $0x10, s20;
	v4 =	vsub.f32 v8, v7;
	[tilespmem:s7+$0x0] =	vst v11;
	vm11 =	vlt.s32 v17, $0x7E;
	v7 =	vnsel vm10, $0x7E, v15  }
0x15c: {  	[tilespmem:s21+$0x0] =	vst v9;
	vm12 =	vlt.s32 v6, $0x7E;
	v8 =	vnsel vm11, $0x7E, v17;
	v10 =	vshll.u32 v7, $0xE  }
0x15d: {  	[tilespmem:s21+$0xFFFFF000] =	vst v5;
	v6 =	vnsel vm12, $0x7E, v6;
	v9 =	vcvt.s32.f32 v8;
	v10 =	vadd.s32 v1, v10  }
0x15e: {  	s1 =	sadd.s32 $0x10, s7;
	s7 =	sadd.s32 $0x10, s21;
	[tilespmem:s21+$0xFFFFF800] =	vst v4;
	s21 =	sshll.u32 s26, $0x1;
	v5 =	vshll.u32 v6, $0x7;
	v7 =	vcvt.s32.f32 v7;
	v8 =	vadd.s32 v8, v10  }
0x15f: {  	s20 =	smin.u32 s21, $0x3D;
	v6 =	vcvt.s32.f32 v6;
	v4 =	vsub.f32 v12, v9;
	v5 =	vadd.s32 v5, v8  }
0x160: {  	s2 =	sshll.u32 s20, $0xB;
	[tilespmem:s1+$0x0] =	vst v5;
	v5 =	vsub.f32 v13, v7  }
0x161: {  	s2 =	sadd.s32 s2, s14;
	[tilespmem:s7+$0x0] =	vst v4;
	v4 =	vsub.f32 v14, v6  }
0x162: {  	s1 =	smul.u32 $0x3, s2;
	[tilespmem:s7+$0xFFFFF000] =	vst v5  }
0x163: {  	s20 =	simm.s32 $0x0;
	[tilespmem:s7+$0xFFFFF800] =	vst v4  }
0x164: {  	s1 =	sshrl.u32 s1, $0x3;
	s7 =	simm.s32 $0xD280;
	[bflag:$0x0] =	sbarrier.arrive $0xFFFF  }
0x165: {  	[tilespmem:s10], [sflag:$0x7] =	stream.indirect.gather [hbm4b:s8+s13], $0x8, s7, s13, $0xb8;
	[tilespmem:$0x19A80] =	vst v63  }
0x166: {  	s2 =	simm.s32 $0x0;
	s1 =	sadd.s32 s5, s1;
	s7 =	simm.s32 $0xA280  }
0x167: {  	[tilespmem:s7], [sflag:$0x5] =	stream.linear.gather [hbm4b:s1+s2], $0x1800, $0x38;
	[tilespmem:$0x19A80] =	vst v63  }
0x168: {  	s1 =	smul.u32 $0x600, s20  }
0x169: {  	_ =	swait.ge [sflag:s11], $0x1800  }
0x16a: {  	s2 =	sand.u32 $0x70, s2;
	[sflag:s11] =	ssyncset.done $0x0;
	s1 =	sshra.s32 s1, $0x2  }
0x16b: {  	[sflag:s11] =	ssyncadd.s32 $0xFFFFE800;
	s1 =	sor.u32 s2, s1  }
0x16c: {  	v4 =	vld [tilespmem:s1+$0xBA80]  }
0x16d: {  	v5 =	vld [tilespmem:s1+$0xBB80]  }
0x16e: {  	s7 =	sadd.s32 $0x0, s4;
	v6 =	vld [tilespmem:s1+$0xBB00]  }
0x16f: {  	s1 =	sshrl.u32 s7, $0x7  }
0x170: {  	s20 =	simm.s32 $0x0;
	v7 =	vor.u32 s2, v0;
	s1 =	sand.u32 $0x7F, s1  }
0x171: {  	v7 =	vcvt.s32.f32 v7;
	s7 =	smul.u32 $0x600, s20;
	s1 =	scvt.s32.f32 s1  }
0x172: {  	s28 =	simm.s32 $0x10;
	v4 =	vadd.f32 v4, v3  }
0x173: {  	s20 =	sand.u32 $0x70, s28;
	v5 =	vadd.f32 v7, v5;
	v6 =	vadd.f32 s1, v6;
	s1 =	sshra.s32 s7, $0x2  }
0x174: {  	s1 =	sor.u32 s20, s1;
	v4 =	vmax.f32 v4, $0.0e+00  }
0x175: {  	v9 =	vld [tilespmem:s1+$0xBA80];
	v10 =	vmin.f32 v4, $1.270000000e+02;
	v4 =	vmax.f32 v5, $0.0e+00  }
0x176: {  	v6 =	vmax.f32 v6, $0.0e+00;
	v5 =	vtrunc.f32 v10;
	v7 =	vmin.f32 v4, $1.270000000e+02  }
0x177: {  	v4 =	vmin.f32 v6, $1.270000000e+02;
	v5 =	vcvt.f32.s32 v5;
	v6 =	vtrunc.f32 v7  }
0x178: {  	v57 =	vor.u32 s20, v0;
	v11 =	vld [tilespmem:s1+$0xBB80];
	v8 =	vtrunc.f32 v4;
	v6 =	vcvt.f32.s32 v6  }
0x179: {  	v12 =	vcvt.s32.f32 v57;
	v8 =	vcvt.f32.s32 v8;
	vm13 =	vlt.s32 v5, $0x7E  }
0x17a: {  	s2 =	sadd.s32 $0x10, s4;
	v58 =	vld [tilespmem:s1+$0xBB00];
	v9 =	vadd.f32 v9, v3;
	vm14 =	vlt.s32 v6, $0x7E;
	v5 =	vnsel vm13, $0x7E, v5  }
0x17b: {  	s1 =	sshrl.u32 s2, $0x7;
	vm15 =	vlt.s32 v8, $0x7E;
	v6 =	vnsel vm14, $0x7E, v6;
	v59 =	vshll.u32 v5, $0xE  }
0x17c: {  	s1 =	sand.u32 $0x7F, s1;
	v8 =	vnsel vm15, $0x7E, v8;
	v60 =	vcvt.s32.f32 v6;
	v14 =	vadd.s32 v1, v59  }
0x17d: {  	s1 =	scvt.s32.f32 s1;
	v11 =	vadd.f32 v12, v11;
	v61 =	vshll.u32 v8, $0x7;
	v6 =	vadd.s32 v6, v14  }
0x17e: {  	s30 =	simm.s32 $0xDA80;
	v63 =	vcvt.s32.f32 v5;
	v62 =	vsub.f32 v7, v60;
	v6 =	vadd.s32 v61, v6  }
0x17f: {  	s29 =	simm.s32 $0x10A80;
	s7 =	simm.s32 $0x0;
	v5 =	vmax.f32 v9, $0.0e+00;
	v7 =	vcvt.s32.f32 v8;
	v8 =	vadd.f32 s1, v58;
	[tilespmem:s30+$0x0] =	vst v6  }
0x180: {  	s20 =	sor.u32 $0x800, s19;
	s2 =	simm.s32 $0x3;
	v9 =	vmax.f32 v11, $0.0e+00;
	v5 =	vmin.f32 v5, $1.270000000e+02;
	s1 =	smul.u32 $0x600, s7;
	v6 =	vsub.f32 v10, v63;
	[tilespmem:s29+$0x0] =	vst v62  }
.LBB2_19:
0x181: {  	p0 =	sne.s32 s2, $0x7F;
	v10 =	vtrunc.f32 v5;
	v8 =	vmax.f32 v8, $0.0e+00;
	v9 =	vmin.f32 v9, $1.270000000e+02;
	s28 =	sadd.s32 $0x10, s28  }
0x182: {  	s7 =	sand.u32 $0x70, s28;
	s1 =	sshra.s32 s1, $0x2;
	v10 =	vcvt.f32.s32 v10;
	v8 =	vmin.f32 v8, $1.270000000e+02;
	v11 =	vtrunc.f32 v9;
	[tilespmem:s29+$0xFFFFF000] =	vst v6  }
0x183: {  	v7 =	vsub.f32 v4, v7;
	s1 =	sor.u32 s7, s1;
	v6 =	vtrunc.f32 v8;
	v11 =	vcvt.f32.s32 v11;
	v4 =	vmovc v8  }
0x184: {  	v8 =	vld [tilespmem:s1+$0xBA80];
	vm0 =	vlt.s32 v10, $0x7E;
	v6 =	vcvt.f32.s32 v6  }
0x185: {  	v13 =	vor.u32 s7, v0;
	v12 =	vld [tilespmem:s1+$0xBB80];
	v10 =	vnsel vm0, $0x7E, v10;
	vm0 =	vlt.s32 v11, $0x7E;
	[tilespmem:s29+$0xFFFFF800] =	vst v7  }
0x186: {  	v14 =	vld [tilespmem:s1+$0xBB00];
	s1 =	sadd.s32 s28, s4;
	vm1 =	vlt.s32 v6, $0x7E;
	v7 =	vnsel vm0, $0x7E, v11;
	v11 =	vshll.u32 v10, $0xE  }
0x187: {  	s1 =	sshrl.u32 s1, $0x7;
	v6 =	vnsel vm1, $0x7E, v6;
	v15 =	vcvt.s32.f32 v7;
	v11 =	vadd.s32 v1, v11  }
.Ltmp11:
0x188: {  	v13 =	vcvt.s32.f32 v13;
	s1 =	sand.u32 $0x7F, s1;
	v16 =	vshll.u32 v6, $0x7;
	v7 =	vadd.s32 v7, v11;
	(pc) =	sbr.rel @p0 .LBB2_19-.Ltmp11, $4  }
0x189: {  	s30 =	sadd.s32 $0x10, s30;
	v8 =	vadd.f32 v8, v3;
	s1 =	scvt.s32.f32 s1;
	v9 =	vsub.f32 v9, v15;
	v11 =	vadd.s32 v16, v7  }
0x18a: {  	s29 =	sadd.s32 $0x10, s29;
	v10 =	vcvt.s32.f32 v10;
	v7 =	vcvt.s32.f32 v6;
	v12 =	vadd.f32 v13, v12;
	[tilespmem:s30+$0x0] =	vst v11  }
0x18b: {  	s7 =	sshrl.u32 s2, $0x3;
	v11 =	vmax.f32 v8, $0.0e+00;
	v8 =	vadd.f32 s1, v14;
	[tilespmem:s29+$0x0] =	vst v9  }
0x18c: {  	s2 =	sadd.s32 $0x1, s2;
	v6 =	vsub.f32 v5, v10;
	s1 =	smul.u32 $0x600, s7;
	v9 =	vmax.f32 v12, $0.0e+00;
	v5 =	vmin.f32 v11, $1.270000000e+02  }
0x18d: {  	s2 =	sadd.s32 $0x10, s28  }
0x18e: {  	v10 =	vtrunc.f32 v5;
	v8 =	vmax.f32 v8, $0.0e+00;
	v9 =	vmin.f32 v9, $1.270000000e+02;
	s7 =	sand.u32 $0x70, s2;
	s1 =	sshra.s32 s1, $0x2  }
0x18f: {  	v10 =	vcvt.f32.s32 v10;
	v8 =	vmin.f32 v8, $1.270000000e+02;
	v11 =	vtrunc.f32 v9;
	s1 =	sor.u32 s7, s1  }
0x190: {  	v12 =	vtrunc.f32 v8;
	v11 =	vcvt.f32.s32 v11;
	v13 =	vld [tilespmem:s1+$0xBA80]  }
0x191: {  	v4 =	vsub.f32 v4, v7;
	v14 =	vor.u32 s7, v0;
	v7 =	vcvt.f32.s32 v12;
	v12 =	vld [tilespmem:s1+$0xBB80]  }
0x192: {  	s7 =	sadd.s32 s2, s4;
	vm0 =	vlt.s32 v10, $0x7E;
	v15 =	vld [tilespmem:s1+$0xBB00];
	v14 =	vcvt.s32.f32 v14;
	vm12 =	vlt.s32 v11, $0x7E  }
0x193: {  	s1 =	sshrl.u32 s7, $0x7;
	v10 =	vnsel vm0, $0x7E, v10;
	vm1 =	vlt.s32 v7, $0x7E;
	v11 =	vnsel vm12, $0x7E, v11  }
0x194: {  	s1 =	sand.u32 $0x7F, s1;
	v16 =	vshll.u32 v10, $0xE;
	v10 =	vcvt.s32.f32 v10;
	v7 =	vnsel vm1, $0x7E, v7  }
0x195: {  	s1 =	scvt.s32.f32 s1;
	v17 =	vcvt.s32.f32 v11;
	v16 =	vadd.s32 v1, v16;
	v3 =	vadd.f32 v13, v3  }
0x196: {  	v18 =	vshll.u32 v7, $0x7;
	v11 =	vadd.s32 v11, v16;
	v12 =	vadd.f32 v14, v12  }
0x197: {  	v7 =	vcvt.s32.f32 v7;
	v13 =	vadd.f32 s1, v15;
	v3 =	vmax.f32 v3, $0.0e+00  }
0x198: {  	v5 =	vsub.f32 v5, v10;
	v12 =	vmax.f32 v12, $0.0e+00;
	v3 =	vmin.f32 v3, $1.270000000e+02  }
0x199: {  	v13 =	vmax.f32 v13, $0.0e+00;
	v12 =	vmin.f32 v12, $1.270000000e+02;
	v14 =	vtrunc.f32 v3  }
0x19a: {  	v13 =	vmin.f32 v13, $1.270000000e+02;
	v15 =	vtrunc.f32 v12;
	v14 =	vcvt.f32.s32 v14  }
0x19b: {  	v9 =	vsub.f32 v9, v17;
	v16 =	vtrunc.f32 v13;
	v15 =	vcvt.f32.s32 v15  }
0x19c: {  	[tilespmem:s29+$0xFFFFF000] =	vst v6;
	v11 =	vadd.s32 v18, v11;
	v6 =	vcvt.f32.s32 v16;
	vm13 =	vlt.s32 v14, $0x7E  }
0x19d: {  	[tilespmem:s29+$0xFFFFF800] =	vst v4;
	s2 =	sadd.s32 $0x10, s30;
	v4 =	vsub.f32 v8, v7;
	vm14 =	vlt.s32 v15, $0x7E;
	v7 =	vnsel vm13, $0x7E, v14  }
0x19e: {  	s7 =	sadd.s32 $0x10, s29;
	[tilespmem:s2+$0x0] =	vst v11;
	vm15 =	vlt.s32 v6, $0x7E;
	v8 =	vnsel vm14, $0x7E, v15;
	v10 =	vshll.u32 v7, $0xE  }
0x19f: {  	[tilespmem:s7+$0x0] =	vst v9;
	v6 =	vnsel vm15, $0x7E, v6;
	v9 =	vcvt.s32.f32 v8;
	v10 =	vadd.s32 v1, v10  }
0x1a0: {  	[tilespmem:s7+$0xFFFFF000] =	vst v5;
	v5 =	vshll.u32 v6, $0x7;
	v7 =	vcvt.s32.f32 v7;
	v8 =	vadd.s32 v8, v10  }
0x1a1: {  	s1 =	sadd.s32 $0x10, s2;
	[tilespmem:s7+$0xFFFFF800] =	vst v4;
	v6 =	vcvt.s32.f32 v6;
	v4 =	vsub.f32 v12, v9;
	v5 =	vadd.s32 v5, v8  }
0x1a2: {  	s7 =	sadd.s32 $0x10, s7;
	v3 =	vsub.f32 v3, v7;
	[tilespmem:s1+$0x0] =	vst v5  }
0x1a3: {  	s21 =	smin.u32 s21, $0x3C;
	[tilespmem:s7+$0x0] =	vst v4;
	v4 =	vsub.f32 v13, v6  }
0x1a4: {  	s2 =	sshll.u32 s21, $0xB;
	[tilespmem:s7+$0xFFFFF000] =	vst v3  }
0x1a5: {  	s21 =	simm.s32 $0xDA80;
	[tilespmem:s7+$0xFFFFF800] =	vst v4;
	s7 =	sadd.s32 s2, s15  }
0x1a6: {  	s2 =	simm.s32 $0x0;
	[bflag:$0x0] =	sbarrier.arrive $0xFFFF;
	s1 =	smul.u32 $0x3, s7  }
0x1a7: {  	v3 =	vmov s2;
	[tilespmem:s16], [sflag:$0x8] =	stream.indirect.gather [hbm4b:s8+s13], $0x8, s21, s13, $0xb8;
	[tilespmem:$0x19A80] =	vst v63  }
0x1a8: {  	v3 =	vshll.u32 v3, $0x3;
	s1 =	sshrl.u32 s1, $0x3  }
0x1a9: {  	s21 =	simm.s32 $0xBA80;
	v3 =	vor.u32 v2, v3;
	s1 =	sadd.s32 s5, s1  }
0x1aa: {  	v4 =	vor.u32 $0x1, v3;
	[tilespmem:s21], [sflag:$0x6] =	stream.linear.gather [hbm4b:s1+s2], $0x1800, $0x38;
	[tilespmem:$0x19A80] =	vst v63  }
0x1ab: {  	v5 =	vor.u32 $0x2, v3;
	_ =	swait.ge [sflag:s17], $0x4000  }
0x1ac: {  	v6 =	vor.u32 $0x7, v3;
	[sflag:s17] =	ssyncset.done $0x0  }
0x1ad: {  	v7 =	vor.u32 $0x5, v3;
	[sflag:s17] =	ssyncadd.s32 $0xFFFFC000  }
0x1ae: {  	v8 =	vor.u32 $0x3, v3;
	v9 =	vld.idx.msk [tilespmem:v3+s10+$0x0], $0xffff  }
0x1af: {  	v10 =	vor.u32 $0x6, v3;
	v4 =	vld.idx.msk [tilespmem:v4+s10+$0x0], $0xffff  }
0x1b0: {  	v5 =	vld.idx.msk [tilespmem:v5+s10+$0x0], $0xffff  }
0x1b1: {  	s13 =	simm.s32 $0x10;
	v6 =	vld.idx.msk [tilespmem:v6+s10+$0x0], $0xffff  }
0x1b2: {  	s7 =	simm.s32 $0x20;
	v11 =	vmov s13;
	v7 =	vld.idx.msk [tilespmem:v7+s10+$0x0], $0xffff  }
0x1b3: {  	v21 =	vmov s7;
	v11 =	vshll.u32 v11, $0x3;
	v8 =	vld.idx.msk [tilespmem:v8+s10+$0x0], $0xffff  }
0x1b4: {  	v21 =	vshll.u32 v21, $0x3;
	v11 =	vor.u32 v2, v11;
	s21 =	simm.s32 $0xF280;
	v10 =	vld.idx.msk [tilespmem:v10+s10+$0x0], $0xffff  }
0x1b5: {  	v21 =	vor.u32 v2, v21;
	v3 =	vor.u32 $0x4, v3;
	v14 =	vld [tilespmem:s21+$0x0]  }
0x1b6: {  	s13 =	simm.s32 $0xF290;
	v22 =	vor.u32 $0x1, v21;
	v17 =	vld [tilespmem:s21+$0xFFFFF800]  }
0x1b7: {  	v12 =	vor.u32 $0x1, v11;
	v24 =	vld [tilespmem:s13+$0x0]  }
0x1b8: {  	v13 =	vor.u32 $0x2, v11;
	v26 =	vld [tilespmem:s21+$0xFFFFF000]  }
0x1b9: {  	v15 =	vor.u32 $0x7, v11;
	v19 =	vld.idx.msk [tilespmem:v11+s10+$0x0], $0xffff  }
0x1ba: {  	v18 =	vor.u32 $0x3, v11;
	v3 =	vld.idx.msk [tilespmem:v3+s10+$0x0], $0xffff  }
0x1bb: {  	v16 =	vor.u32 $0x5, v11;
	v20 =	vor.u32 $0x6, v11;
	v11 =	vor.u32 $0x4, v11;
	v22 =	vld.idx.msk [tilespmem:v22+s10+$0x0], $0xffff  }
0x1bc: {  	v12 =	vld.idx.msk [tilespmem:v12+s10+$0x0], $0xffff  }
0x1bd: {  	v13 =	vld.idx.msk [tilespmem:v13+s10+$0x0], $0xffff;
	v6 =	vsub.f32 v6, v10  }
0x1be: {  	v15 =	vld.idx.msk [tilespmem:v15+s10+$0x0], $0xffff;
	v4 =	vsub.f32 v4, v9;
	v8 =	vsub.f32 v8, v5  }
0x1bf: {  	v18 =	vld.idx.msk [tilespmem:v18+s10+$0x0], $0xffff;
	v6 =	vmul.f32 v6, v14;
	v7 =	vsub.f32 v7, v3  }
0x1c0: {  	v23 =	vld.idx.msk [tilespmem:v11+s10+$0x0], $0xffff;
	v11 =	vor.u32 $0x2, v21;
	v4 =	vmul.f32 v4, v14;
	v8 =	vmul.f32 v8, v14  }
0x1c1: {  	v20 =	vld.idx.msk [tilespmem:v20+s10+$0x0], $0xffff;
	v6 =	vadd.f32 v6, v10;
	v10 =	vor.u32 $0x3, v21;
	v7 =	vmul.f32 v7, v14  }
0x1c2: {  	v16 =	vld.idx.msk [tilespmem:v16+s10+$0x0], $0xffff;
	v8 =	vadd.f32 v8, v5;
	v9 =	vadd.f32 v4, v9;
	v14 =	vor.u32 $0x7, v21  }
0x1c3: {  	v25 =	vor.u32 $0x5, v21;
	v4 =	vld [tilespmem:s13+$0xFFFFF800];
	v27 =	vadd.f32 v7, v3  }
0x1c4: {  	v5 =	vld.idx.msk [tilespmem:v21+s10+$0x0], $0xffff;
	v8 =	vsub.f32 v8, v9;
	v3 =	vsub.f32 v12, v19;
	v12 =	vor.u32 $0x4, v21  }
0x1c5: {  	v28 =	vor.u32 $0x6, v21;
	v7 =	vld.idx.msk [tilespmem:v11+s10+$0x0], $0xffff;
	v21 =	vsub.f32 v6, v27;
	v6 =	vsub.f32 v18, v13  }
0x1c6: {  	s21 =	simm.s32 $0x30;
	v30 =	vld.idx.msk [tilespmem:v10+s10+$0x0], $0xffff;
	v11 =	vmul.f32 v3, v24;
	v3 =	vsub.f32 v15, v20;
	v15 =	vmul.f32 v8, v17  }
0x1c7: {  	v29 =	vld.idx.msk [tilespmem:v14+s10+$0x0], $0xffff;
	v14 =	vsub.f32 v16, v23;
	v16 =	vmov s21;
	v6 =	vmul.f32 v6, v24  }
0x1c8: {  	v8 =	vld.idx.msk [tilespmem:v25+s10+$0x0], $0xffff;
	v18 =	vmul.f32 v3, v24;
	v3 =	vadd.f32 v15, v9;
	v9 =	vshll.u32 v16, $0x3  }
0x1c9: {  	v31 =	vor.u32 v2, v9;
	v9 =	vmul.f32 v21, v17;
	v10 =	vmul.f32 v14, v24;
	v12 =	vld.idx.msk [tilespmem:v12+s10+$0x0], $0xffff  }
0x1ca: {  	s28 =	simm.s32 $0xF2A0;
	v17 =	vadd.f32 v11, v19;
	v16 =	vadd.f32 v6, v13;
	v6 =	vld.idx.msk [tilespmem:v28+s10+$0x0], $0xffff;
	v21 =	vor.u32 $0x1, v31  }
0x1cb: {  	v18 =	vadd.f32 v18, v20;
	v32 =	vor.u32 $0x2, v31;
	v13 =	vld [tilespmem:s28+$0x0];
	v14 =	vadd.f32 v9, v27  }
0x1cc: {  	v11 =	vld [tilespmem:s13+$0xFFFFF000];
	v20 =	vor.u32 $0x3, v31;
	v15 =	vor.u32 $0x4, v31;
	v25 =	vor.u32 $0x7, v31  }
0x1cd: {  	v19 =	vor.u32 $0x6, v31;
	v10 =	vadd.f32 v10, v23;
	v9 =	vld [tilespmem:s28+$0xFFFFF800];
	v23 =	vsub.f32 v14, v3  }
0x1ce: {  	v24 =	vor.u32 $0x5, v31;
	v27 =	vsub.f32 v22, v5;
	v14 =	vld.idx.msk [tilespmem:v31+s10+$0x0], $0xffff;
	v31 =	vsub.f32 v16, v17  }
0x1cf: {  	s30 =	simm.s32 $0x19290;
	s29 =	simm.s32 $0x19290;
	v28 =	vsub.f32 v30, v7;
	v22 =	vsub.f32 v18, v10;
	v16 =	vld.idx.msk [tilespmem:v21+s10+$0x0], $0xffff;
	v21 =	vmul.f32 v23, v26  }
0x1d0: {  	s1 =	simm.s32 $0x40;
	s2 =	simm.s32 $0xF2A0;
	s21 =	simm.s32 $0x19280;
	v18 =	vld.idx.msk [tilespmem:v32+s10+$0x0], $0xffff;
	v23 =	vmul.f32 v27, v13;
	v27 =	vsub.f32 v29, v6;
	v26 =	vmul.f32 v31, v4  }
.LBB2_21:
0x1d1: {  	v29 =	vld.idx.msk [tilespmem:v25+s10+$0x0], $0xffff;
	v25 =	vmul.f32 v28, v13;
	s28 =	sadd.s32 $0x10, s28  }
0x1d2: {  	v28 =	vsub.f32 v8, v12;
	s29 =	sadd.s32 $0x10, s29;
	v21 =	vadd.f32 v21, v3;
	v30 =	vmovc v12;
	v31 =	vmov v11;
	s7 =	smov.u32 s1;
	s13 =	sadd.s32 $0x10, s1  }
0x1d3: {  	p0 =	sne.s32 s1, $0x7F0;
	v11 =	vmov s7;
	v8 =	vld.idx.msk [tilespmem:v24+s10+$0x0], $0xffff;
	v12 =	vmul.f32 v27, v13;
	v3 =	vadd.f32 v26, v17  }
0x1d4: {  	v11 =	vshll.u32 v11, $0x3;
	v26 =	vld.idx.msk [tilespmem:v20+s10+$0x0], $0xffff;
	v27 =	vadd.f32 v25, v7;
	v24 =	vmul.f32 v28, v13;
	[tilespmem:s21+$0x0] =	vst v21;
	s21 =	smov.u32 s30;
	s30 =	smov.u32 s29  }
0x1d5: {  	v21 =	vor.u32 v2, v11;
	v28 =	vadd.f32 v12, v6;
	v6 =	vld.idx.msk [tilespmem:v19+s10+$0x0], $0xffff;
	v11 =	vmul.f32 v22, v4  }
0x1d6: {  	v17 =	vadd.f32 v23, v5;
	v5 =	vmovc v14;
	v4 =	vmovc v9;
	v32 =	vor.u32 $0x1, v21;
	v33 =	vor.u32 $0x2, v21;
	v12 =	vld.idx.msk [tilespmem:v15+s10+$0x0], $0xffff  }
0x1d7: {  	v20 =	vor.u32 $0x3, v21;
	v15 =	vor.u32 $0x4, v21;
	v7 =	vmovc v18;
	v13 =	vld [tilespmem:s28+$0x0];
	v14 =	vadd.f32 v11, v10  }
.Ltmp12:
0x1d8: {  	v19 =	vor.u32 $0x6, v21;
	v25 =	vor.u32 $0x7, v21;
	v10 =	vadd.f32 v24, v30;
	v11 =	vld [tilespmem:s2+$0xFFFFF000];
	s2 =	smov.u32 s28;
	(pc) =	sbr.rel @p0 .LBB2_21-.Ltmp12, $4  }
0x1d9: {  	v23 =	vsub.f32 v16, v5;
	v24 =	vor.u32 $0x5, v21;
	v9 =	vld [tilespmem:s28+$0xFFFFF800];
	v18 =	vsub.f32 v14, v3  }
0x1da: {  	v30 =	vsub.f32 v27, v17;
	v22 =	vsub.f32 v28, v10;
	v14 =	vld.idx.msk [tilespmem:v21+s10+$0x0], $0xffff  }
0x1db: {  	v28 =	vsub.f32 v26, v7;
	v16 =	vld.idx.msk [tilespmem:v32+s10+$0x0], $0xffff;
	v21 =	vmul.f32 v18, v31  }
0x1dc: {  	s1 =	smov.u32 s13;
	v26 =	vmul.f32 v30, v4;
	v27 =	vsub.f32 v29, v6;
	v18 =	vld.idx.msk [tilespmem:v33+s10+$0x0], $0xffff;
	v23 =	vmul.f32 v23, v13  }
0x1dd: {  	_ =	sdelay $0x3  }
0x1de: {  	v25 =	vld.idx.msk [tilespmem:v25+s10+$0x0], $0xffff  }
0x1df: {  	v24 =	vld.idx.msk [tilespmem:v24+s10+$0x0], $0xffff  }
0x1e0: {  	v20 =	vld.idx.msk [tilespmem:v20+s10+$0x0], $0xffff  }
0x1e1: {  	v19 =	vld.idx.msk [tilespmem:v19+s10+$0x0], $0xffff  }
0x1e2: {  	s1 =	sadd.s32 $0x10, s28;
	v15 =	vld.idx.msk [tilespmem:v15+s10+$0x0], $0xffff  }
0x1e3: {  	v28 =	vmul.f32 v28, v13;
	v8 =	vsub.f32 v8, v12;
	v4 =	vmul.f32 v22, v4;
	v29 =	vld [tilespmem:s1+$0x0]  }
0x1e4: {  	v17 =	vadd.f32 v26, v17;
	v5 =	vadd.f32 v23, v5  }
0x1e5: {  	v27 =	vmul.f32 v27, v13;
	v7 =	vadd.f32 v28, v7;
	v4 =	vadd.f32 v4, v10  }
0x1e6: {  	v8 =	vmul.f32 v8, v13;
	v13 =	vsub.f32 v16, v14;
	v20 =	vsub.f32 v20, v18  }
0x1e7: {  	v22 =	vsub.f32 v25, v19;
	v16 =	vsub.f32 v24, v15  }
0x1e8: {  	v8 =	vadd.f32 v8, v12;
	v12 =	vmul.f32 v13, v29;
	v10 =	vmul.f32 v20, v29  }
0x1e9: {  	v6 =	vadd.f32 v27, v6;
	v20 =	vmul.f32 v22, v29;
	v13 =	vmul.f32 v16, v29  }
0x1ea: {  	v16 =	vld [tilespmem:s1+$0xFFFFF800];
	v12 =	vadd.f32 v12, v14;
	v10 =	vadd.f32 v10, v18  }
0x1eb: {  	v18 =	vadd.f32 v20, v19;
	v13 =	vadd.f32 v13, v15  }
0x1ec: {  	v7 =	vsub.f32 v7, v5;
	v6 =	vsub.f32 v6, v8  }
0x1ed: {  	v10 =	vsub.f32 v10, v12;
	v14 =	vsub.f32 v18, v13  }
0x1ee: {  	v7 =	vmul.f32 v7, v9;
	v6 =	vmul.f32 v6, v9  }
0x1ef: {  	v4 =	vsub.f32 v4, v17;
	v9 =	vld [tilespmem:s2+$0xFFFFF000];
	v10 =	vmul.f32 v10, v16;
	v14 =	vmul.f32 v14, v16  }
0x1f0: {  	v5 =	vadd.f32 v7, v5;
	v7 =	vld [tilespmem:s1+$0xFFFFF000];
	v6 =	vadd.f32 v6, v8  }
0x1f1: {  	v8 =	vadd.f32 v10, v12;
	v10 =	vadd.f32 v14, v13  }
0x1f2: {  	v6 =	vsub.f32 v6, v5  }
0x1f3: {  	v4 =	vmul.f32 v4, v11;
	v10 =	vsub.f32 v10, v8  }
0x1f4: {  	v3 =	vadd.f32 v21, v3;
	v6 =	vmul.f32 v6, v9  }
0x1f5: {  	v4 =	vadd.f32 v4, v17;
	v7 =	vmul.f32 v10, v7  }
0x1f6: {  	[tilespmem:s21+$0x0] =	vst v3;
	v3 =	vadd.f32 v6, v5  }
0x1f7: {  	s7 =	sadd.s32 $0x10, s29;
	[tilespmem:s30+$0x0] =	vst v4;
	v4 =	vadd.f32 v7, v8  }
0x1f8: {  	s13 =	sadd.s32 $0x10, s7;
	[tilespmem:s7+$0x0] =	vst v3  }
0x1f9: {  	[tilespmem:s13+$0x0] =	vst v4  }
0x1fa: {  	[bflag:$0x0] =	sbarrier.arrive $0xFFFF  }
0x1fb: {  	s19 =	sshrl.u32 s19, $0x3;
	s21 =	rddreg [dreg:$0x2]  }
0x1fc: {  	s30 =	simm.s32 $0x0;
	s1 =	sadd.s32 s21, s19;
	s19 =	simm.s32 $0x19280  }
0x1fd: {  	v3 =	vmov s30;
	[hbm4b:s1+s30] =	stream.linear.scatter [tilespmem:s19], [sflag:$0x9], $0x800, $0x38;
	[tilespmem:$0x19A80] =	vst v63  }
0x1fe: {  	v3 =	vshll.u32 v3, $0x3;
	_ =	swait.ge [sflag:s18], $0x800  }
0x1ff: {  	v3 =	vor.u32 v2, v3;
	[sflag:s18] =	ssyncset.done $0x0  }
0x200: {  	v4 =	vor.u32 $0x1, v3;
	[sflag:s18] =	ssyncadd.s32 $0xFFFFF800  }
0x201: {  	v5 =	vor.u32 $0x2, v3;
	_ =	swait.ge [sflag:s9], $0x4000  }
0x202: {  	v6 =	vor.u32 $0x7, v3;
	[sflag:s9] =	ssyncset.done $0x0  }
0x203: {  	v7 =	vor.u32 $0x5, v3;
	[sflag:s9] =	ssyncadd.s32 $0xFFFFC000  }
0x204: {  	v8 =	vor.u32 $0x3, v3;
	v9 =	vld.idx.msk [tilespmem:v3+s16+$0x0], $0xffff  }
0x205: {  	s2 =	simm.s32 $0x10;
	v10 =	vor.u32 $0x6, v3;
	v4 =	vld.idx.msk [tilespmem:v4+s16+$0x0], $0xffff  }
0x206: {  	v11 =	vmov s2;
	v5 =	vld.idx.msk [tilespmem:v5+s16+$0x0], $0xffff  }
0x207: {  	v11 =	vshll.u32 v11, $0x3;
	v6 =	vld.idx.msk [tilespmem:v6+s16+$0x0], $0xffff  }
0x208: {  	v11 =	vor.u32 v2, v11;
	v7 =	vld.idx.msk [tilespmem:v7+s16+$0x0], $0xffff  }
0x209: {  	v12 =	vor.u32 $0x1, v11;
	v8 =	vld.idx.msk [tilespmem:v8+s16+$0x0], $0xffff  }
0x20a: {  	v13 =	vor.u32 $0x2, v11;
	s7 =	simm.s32 $0x10A80;
	v10 =	vld.idx.msk [tilespmem:v10+s16+$0x0], $0xffff  }
0x20b: {  	v3 =	vor.u32 $0x4, v3;
	v14 =	vld [tilespmem:s7+$0x0]  }
0x20c: {  	v15 =	vor.u32 $0x7, v11;
	v17 =	vld [tilespmem:s7+$0xFFFFF800]  }
0x20d: {  	v16 =	vor.u32 $0x5, v11;
	v19 =	vld.idx.msk [tilespmem:v11+s16+$0x0], $0xffff  }
0x20e: {  	v18 =	vor.u32 $0x3, v11;
	v12 =	vld.idx.msk [tilespmem:v12+s16+$0x0], $0xffff  }
0x20f: {  	v20 =	vor.u32 $0x6, v11;
	s13 =	simm.s32 $0x20;
	v13 =	vld.idx.msk [tilespmem:v13+s16+$0x0], $0xffff  }
0x210: {  	v21 =	vmov s13;
	v3 =	vld.idx.msk [tilespmem:v3+s16+$0x0], $0xffff  }
0x211: {  	v21 =	vshll.u32 v21, $0x3;
	v11 =	vor.u32 $0x4, v11;
	v15 =	vld.idx.msk [tilespmem:v15+s16+$0x0], $0xffff  }
0x212: {  	v21 =	vor.u32 v2, v21;
	v16 =	vld.idx.msk [tilespmem:v16+s16+$0x0], $0xffff  }
0x213: {  	v22 =	vor.u32 $0x1, v21;
	v18 =	vld.idx.msk [tilespmem:v18+s16+$0x0], $0xffff;
	v6 =	vsub.f32 v6, v10  }
0x214: {  	s21 =	simm.s32 $0x10A90;
	v20 =	vld.idx.msk [tilespmem:v20+s16+$0x0], $0xffff;
	v4 =	vsub.f32 v4, v9;
	v8 =	vsub.f32 v8, v5  }
0x215: {  	v24 =	vld [tilespmem:s21+$0x0];
	v6 =	vmul.f32 v6, v14;
	v7 =	vsub.f32 v7, v3  }
0x216: {  	v23 =	vld.idx.msk [tilespmem:v11+s16+$0x0], $0xffff;
	v11 =	vor.u32 $0x2, v21;
	v4 =	vmul.f32 v4, v14;
	v8 =	vmul.f32 v8, v14  }
0x217: {  	v26 =	vld [tilespmem:s7+$0xFFFFF000];
	v6 =	vadd.f32 v6, v10;
	v10 =	vor.u32 $0x3, v21;
	v7 =	vmul.f32 v7, v14  }
0x218: {  	v22 =	vld.idx.msk [tilespmem:v22+s16+$0x0], $0xffff;
	v8 =	vadd.f32 v8, v5;
	v9 =	vadd.f32 v4, v9;
	v14 =	vor.u32 $0x7, v21  }
0x219: {  	v25 =	vor.u32 $0x5, v21;
	v4 =	vld [tilespmem:s21+$0xFFFFF800];
	v27 =	vadd.f32 v7, v3  }
0x21a: {  	v5 =	vld.idx.msk [tilespmem:v21+s16+$0x0], $0xffff;
	v3 =	vsub.f32 v12, v19;
	v7 =	vsub.f32 v8, v9;
	v12 =	vor.u32 $0x4, v21  }
0x21b: {  	v28 =	vor.u32 $0x6, v21;
	v8 =	vld.idx.msk [tilespmem:v11+s16+$0x0], $0xffff;
	v21 =	vsub.f32 v6, v27;
	v6 =	vsub.f32 v18, v13  }
0x21c: {  	s30 =	simm.s32 $0x30;
	v30 =	vld.idx.msk [tilespmem:v10+s16+$0x0], $0xffff;
	v11 =	vmul.f32 v3, v24;
	v3 =	vsub.f32 v15, v20;
	v15 =	vmul.f32 v7, v17  }
0x21d: {  	v29 =	vld.idx.msk [tilespmem:v14+s16+$0x0], $0xffff;
	v14 =	vsub.f32 v16, v23;
	v16 =	vmov s30;
	v6 =	vmul.f32 v6, v24  }
0x21e: {  	v7 =	vld.idx.msk [tilespmem:v25+s16+$0x0], $0xffff;
	v18 =	vmul.f32 v3, v24;
	v3 =	vadd.f32 v15, v9;
	v9 =	vshll.u32 v16, $0x3  }
0x21f: {  	v31 =	vor.u32 v2, v9;
	v9 =	vmul.f32 v21, v17;
	v10 =	vmul.f32 v14, v24;
	v12 =	vld.idx.msk [tilespmem:v12+s16+$0x0], $0xffff  }
0x220: {  	s28 =	simm.s32 $0x10AA0;
	v17 =	vadd.f32 v11, v19;
	v16 =	vadd.f32 v6, v13;
	v6 =	vld.idx.msk [tilespmem:v28+s16+$0x0], $0xffff;
	v21 =	vor.u32 $0x1, v31  }
0x221: {  	v18 =	vadd.f32 v18, v20;
	v32 =	vor.u32 $0x2, v31;
	v13 =	vld [tilespmem:s28+$0x0];
	v14 =	vadd.f32 v9, v27  }
0x222: {  	v11 =	vld [tilespmem:s21+$0xFFFFF000];
	v20 =	vor.u32 $0x3, v31;
	v15 =	vor.u32 $0x4, v31;
	v25 =	vor.u32 $0x7, v31  }
0x223: {  	v19 =	vor.u32 $0x6, v31;
	v10 =	vadd.f32 v10, v23;
	v9 =	vld [tilespmem:s28+$0xFFFFF800];
	v23 =	vsub.f32 v14, v3  }
0x224: {  	v24 =	vor.u32 $0x5, v31;
	v27 =	vsub.f32 v22, v5;
	v14 =	vld.idx.msk [tilespmem:v31+s16+$0x0], $0xffff;
	v31 =	vsub.f32 v16, v17  }
0x225: {  	s29 =	simm.s32 $0x19290;
	v28 =	vsub.f32 v30, v8;
	v22 =	vsub.f32 v18, v10;
	v16 =	vld.idx.msk [tilespmem:v21+s16+$0x0], $0xffff;
	v21 =	vmul.f32 v23, v26  }
0x226: {  	s2 =	simm.s32 $0x10AA0;
	s1 =	simm.s32 $0x40;
	s21 =	simm.s32 $0x19290;
	v18 =	vld.idx.msk [tilespmem:v32+s16+$0x0], $0xffff;
	v23 =	vmul.f32 v27, v13;
	v26 =	vsub.f32 v29, v6;
	v27 =	vmul.f32 v31, v4  }
.LBB2_23:
0x227: {  	v29 =	vld.idx.msk [tilespmem:v25+s16+$0x0], $0xffff;
	v25 =	vmul.f32 v28, v13;
	s28 =	sadd.s32 $0x10, s28  }
0x228: {  	v28 =	vsub.f32 v7, v12;
	s21 =	sadd.s32 $0x10, s21;
	v21 =	vadd.f32 v21, v3;
	v30 =	vmovc v12;
	v31 =	vmov v11;
	s7 =	smov.u32 s1;
	s13 =	sadd.s32 $0x10, s1  }
0x229: {  	p0 =	sne.s32 s1, $0x7F0;
	v11 =	vmov s7;
	v7 =	vld.idx.msk [tilespmem:v24+s16+$0x0], $0xffff;
	v12 =	vmul.f32 v26, v13;
	v3 =	vadd.f32 v27, v17  }
0x22a: {  	v11 =	vshll.u32 v11, $0x3;
	v26 =	vld.idx.msk [tilespmem:v20+s16+$0x0], $0xffff;
	v27 =	vadd.f32 v25, v8;
	v24 =	vmul.f32 v28, v13;
	[tilespmem:s19+$0x0] =	vst v21;
	s19 =	smov.u32 s29;
	s29 =	smov.u32 s21  }
0x22b: {  	v21 =	vor.u32 v2, v11;
	v28 =	vadd.f32 v12, v6;
	v6 =	vld.idx.msk [tilespmem:v19+s16+$0x0], $0xffff;
	v11 =	vmul.f32 v22, v4  }
0x22c: {  	v17 =	vadd.f32 v23, v5;
	v5 =	vmovc v14;
	v4 =	vmovc v9;
	v32 =	vor.u32 $0x1, v21;
	v33 =	vor.u32 $0x2, v21;
	v12 =	vld.idx.msk [tilespmem:v15+s16+$0x0], $0xffff  }
0x22d: {  	v20 =	vor.u32 $0x3, v21;
	v15 =	vor.u32 $0x4, v21;
	v8 =	vmovc v18;
	v13 =	vld [tilespmem:s28+$0x0];
	v14 =	vadd.f32 v11, v10  }
.Ltmp13:
0x22e: {  	v19 =	vor.u32 $0x6, v21;
	v25 =	vor.u32 $0x7, v21;
	v10 =	vadd.f32 v24, v30;
	v11 =	vld [tilespmem:s2+$0xFFFFF000];
	s2 =	smov.u32 s28;
	(pc) =	sbr.rel @p0 .LBB2_23-.Ltmp13, $4  }
0x22f: {  	v23 =	vsub.f32 v16, v5;
	v24 =	vor.u32 $0x5, v21;
	v9 =	vld [tilespmem:s28+$0xFFFFF800];
	v18 =	vsub.f32 v14, v3  }
0x230: {  	v27 =	vsub.f32 v27, v17;
	v22 =	vsub.f32 v28, v10;
	v14 =	vld.idx.msk [tilespmem:v21+s16+$0x0], $0xffff  }
0x231: {  	v28 =	vsub.f32 v26, v8;
	v16 =	vld.idx.msk [tilespmem:v32+s16+$0x0], $0xffff;
	v21 =	vmul.f32 v18, v31  }
0x232: {  	s1 =	smov.u32 s13;
	v27 =	vmul.f32 v27, v4;
	v26 =	vsub.f32 v29, v6;
	v18 =	vld.idx.msk [tilespmem:v33+s16+$0x0], $0xffff;
	v23 =	vmul.f32 v23, v13  }
0x233: {  	_ =	sdelay $0x3  }
0x234: {  	v25 =	vld.idx.msk [tilespmem:v25+s16+$0x0], $0xffff  }
0x235: {  	v24 =	vld.idx.msk [tilespmem:v24+s16+$0x0], $0xffff  }
0x236: {  	v20 =	vld.idx.msk [tilespmem:v20+s16+$0x0], $0xffff  }
0x237: {  	v19 =	vld.idx.msk [tilespmem:v19+s16+$0x0], $0xffff  }
0x238: {  	s1 =	sadd.s32 $0x10, s28;
	v15 =	vld.idx.msk [tilespmem:v15+s16+$0x0], $0xffff  }
0x239: {  	v28 =	vmul.f32 v28, v13;
	v7 =	vsub.f32 v7, v12;
	v4 =	vmul.f32 v22, v4;
	v48 =	vld [tilespmem:s1+$0x0]  }
0x23a: {  	v17 =	vadd.f32 v27, v17;
	v5 =	vadd.f32 v23, v5  }
0x23b: {  	v8 =	vadd.f32 v28, v8;
	v4 =	vadd.f32 v4, v10  }
0x23c: {  	v26 =	vmul.f32 v26, v13;
	v50 =	vsub.f32 v16, v14;
	v20 =	vsub.f32 v20, v18  }
0x23d: {  	v7 =	vmul.f32 v7, v13;
	v49 =	vsub.f32 v25, v19;
	v51 =	vsub.f32 v24, v15  }
0x23e: {  	v6 =	vadd.f32 v26, v6;
	v54 =	vmul.f32 v50, v48;
	v52 =	vmul.f32 v20, v48  }
0x23f: {  	v7 =	vadd.f32 v7, v12;
	v53 =	vmul.f32 v49, v48;
	v55 =	vmul.f32 v51, v48  }
0x240: {  	v56 =	vld [tilespmem:s1+$0xFFFFF800];
	v12 =	vadd.f32 v54, v14;
	v10 =	vadd.f32 v52, v18  }
0x241: {  	v57 =	vadd.f32 v53, v19;
	v13 =	vadd.f32 v55, v15  }
0x242: {  	v8 =	vsub.f32 v8, v5;
	v6 =	vsub.f32 v6, v7  }
0x243: {  	v10 =	vsub.f32 v10, v12;
	v58 =	vsub.f32 v57, v13  }
0x244: {  	v8 =	vmul.f32 v8, v9;
	v6 =	vmul.f32 v6, v9  }
0x245: {  	v59 =	vld [tilespmem:s2+$0xFFFFF000];
	v4 =	vsub.f32 v4, v17;
	v10 =	vmul.f32 v10, v56;
	v14 =	vmul.f32 v58, v56  }
0x246: {  	v60 =	vld [tilespmem:s1+$0xFFFFF000];
	v5 =	vadd.f32 v8, v5;
	v6 =	vadd.f32 v6, v7  }
0x247: {  	v61 =	vadd.f32 v10, v12;
	v62 =	vadd.f32 v14, v13  }
0x248: {  	v6 =	vsub.f32 v6, v5  }
0x249: {  	v4 =	vmul.f32 v4, v11;
	v10 =	vsub.f32 v62, v61  }
0x24a: {  	v3 =	vadd.f32 v21, v3;
	v6 =	vmul.f32 v6, v59  }
0x24b: {  	v4 =	vadd.f32 v4, v17;
	v7 =	vmul.f32 v10, v60  }
0x24c: {  	[tilespmem:s19+$0x0] =	vst v3;
	v3 =	vadd.f32 v6, v5  }
0x24d: {  	s19 =	sadd.s32 $0x10, s21;
	[tilespmem:s29+$0x0] =	vst v4;
	v63 =	vadd.f32 v7, v61  }
0x24e: {  	s21 =	sadd.s32 $0x10, s19;
	[tilespmem:s19+$0x0] =	vst v3  }
0x24f: {  	[tilespmem:s21+$0x0] =	vst v63  }
0x250: {  	s26 =	sadd.s32 $0x1, s26;
	[bflag:$0x0] =	sbarrier.arrive $0xFFFF  }
0x251: {  	s28 =	sshrl.u32 s20, $0x3;
	p0 =	sne.s32 s26, $0x20;
	s29 =	rddreg [dreg:$0x2]  }
.Ltmp14:
0x252: {  	s30 =	simm.s32 $0x19280;
	s1 =	sadd.s32 s29, s28;
	(pc) =	sbr.rel @p0 .LBB2_16-.Ltmp14, $4  }
0x253: {  	[hbm4b:s1+s3] =	stream.linear.scatter [tilespmem:s30], [sflag:$0x9], $0x800, $0x38;
	[tilespmem:$0x19A80] =	vst v63  }
0x254: {  	_ =	swait.ge [sflag:s18], $0x800  }
0x255: {  	s12 =	sadd.s32 $0x1000, s12;
	[sflag:s18] =	ssyncset.done $0x0  }
0x256: {  	s4 =	sadd.s32 $0x1000, s4;
	s13 =	simm.s32 $0x800;
	[sflag:s18] =	ssyncadd.s32 $0xFFFFF800  }
0x257: {  	_ =	swait.ge [sflag:s31], $0x1800  }
0x258: {  	[sflag:s31] =	ssyncset.done $0x0  }
0x259: {  	[sflag:s31] =	ssyncadd.s32 $0xFFFFE800  }
0x25a: {  	_ =	swait.ge [sflag:s11], $0x1800  }
0x25b: {  	s2 =	rddreg [dreg:$0xc]  }
0x25c: {  	s1 =	rddreg [dreg:$0xb];
	s2 =	sadd.s32 $0x1, s2  }
0x25d: {  	p0 =	sne.s32 s2, s1  }
.Ltmp15:
0x25e: {  	_ = 	snop;
	(pc) =	sbr.rel @p0 .LBB2_1-.Ltmp15, $4  }
0x25f: {  	_ = 	snop  }
0x260: {  	[sflag:s11] =	ssyncset.done $0x0  }
0x261: {  	[sflag:s11] =	ssyncadd.s32 $0xFFFFE800  }
0x262: {  	s7 =	rddreg [dreg:$0x1]  }
0x263: {  	_ =	sfence.sel $0x180000  }
0x264: {  	[bflag:$0x0] =	sbarrier.arrive $0xFFFF  }
0x265: {  	_ =	strace $0x9000004A  }
0x266: {  	s0 =	stileid.u32;
	[bflag:$0x2] =	sbarrier.arrive $0xFFFF  }
0x267: {  	p0 =	sne.s32 s0, $0x0;
	s0 =	rddreg [dreg:$0x3]  }
0x268: {  	s0 =	sadd.s32 @!p0 $0x100000, s0  }
0x269: {  	[sflag:s0] =	ssyncadd.tile.s32 @!p0 $0x1;
	_ =	shalt  }
.Lfunc_end2:
_tile_overlayer_lowered:
.L_overlay_start_2:
0x26a: {  	(tag) =	ssettag $0x2  }
0x26b: {  	s0 =	rddreg [dreg:$0x0];
	s2 =	stileid.u32  }
0x26c: {  	s1 =	rddreg [dreg:$0x1];
	p0 =	sne.s32 s2, $0x0  }
0x26d: {  	s3 =	rddreg [dreg:$0x2];
	[bflag:$0x3] =	sbarrier.arrive $0xFFFF;
	s2 =	simm.s32 @!p0 $0x1C09  }
0x26e: {  	[timem:s3], [sflag:s2] =	dma.local @!p0 [hbm:s0], s1  }
0x26f: {  	s0 =	simm.s32 @!p0 $0x9  }
0x270: {  	_ =	swait.ge @!p0 [sflag:s0], s1  }
0x271: {  	s1 =	ssub.s32 @!p0 $0x0, s1;
	[sflag:s0] =	ssyncset.done @!p0 $0x0  }
0x272: {  	[sflag:s0] =	ssyncadd.s32 @!p0 s1  }
0x273: {  	[bflag:$0x3] =	sbarrier.arrive $0xFFFF  }
0x274: {  	_ =	shalt  }

// kernel: sparse-core-data-format-call.cloned.1.call-start
scs
called_computation_lowered:
.L_overlay_start_0:
0x0: {  	s2 =	sld [smem:$0x3FD9]  }
0x1: {  	s3 =	sld [smem:$0x3FFE];
	_ =	sdelay $0x1  }
0x2: {  	s1 =	srdreg.scid  }
0x3: {  	s0 =	sand.u32 $0x1, s1  }
0x4: {  	s18 =	sshll.u32 s0, $0xA;
	s2 =	sadd.s32 s3, s2  }
0x5: {  	s2 =	sadd.s32 s2, s18  }
0x6: {  	[smem:$0x3FC6] =	sst s2  }
0x7: {  	_ = 	snop  }
0x8: {  	s2 =	sld [smem:$0x3FC9];
	(tm) =	ssettm $0x1  }
0x9: {  	s19 =	sld [smem:$0x3FFB];
	_ =	sdelay $0x3  }
0xa: {  	_ =	strace s19  }
0xb: {  	s3 =	sld [smem:$0x3FFC];
	_ =	sdelay $0x3  }
0xc: {  	_ =	strace s3  }
0xd: {  	s3 =	sld [smem:$0x3FFD];
	_ =	sdelay $0x3  }
0xe: {  	_ =	strace s3  }
0xf: {  	_ =	strace $0x8FFFFFFF  }
0x10: {  	s20 =	sld [smem:$0x3FDB];
	_ =	sdelay $0x1  }
0x11: {  	s4 =	simm.s32 $_scs_section_size  }
0x12: {  	s5 =	simm.s32 $_size__tile_overlayer_lowered;
	s6 =	simm.s32 $_tile_overlayer_lowered  }
0x13: {  	s23 =	simm.s32 $0x1BFF;
	s22 =	sshll.u32 s6, $0x1;
	s3 =	sadd.s32 s4, s20  }
0x14: {  	s7 =	simm.s32 $0x0;
	s21 =	sshll.u32 s5, $0x1;
	s5 =	sadd.s32 s22, s3  }
0x15: {  	[timem:s7], [sflag:s23] =	dma.local [hbm:s5], s21  }
0x16: {  	_ =	swait.ge [sflag:s23], s21  }
0x17: {  	s4 =	ssub.s32 $0x0, s21;
	[sflag:s23] =	ssyncset.done $0x0  }
0x18: {  	[sflag:s23] =	ssyncadd.s32 s4;
	_ =	sdelay $0x1  }
0x19: {  	s24 =	simm.s32 $0x1B8B  }
0x1a: {  	_ =	swait.ge [sflag:s24], $0x1  }
0x1b: {  	[sflag:s24] =	ssyncset.done $0x0  }
0x1c: {  	s26 =	simm.s32 $0x1B8E;
	s25 =	sld [smem:$0x3FFE];
	[sflag:s24] =	ssyncadd.s32 $0xFFFFFFFF  }
0x1d: {  	s27 =	simm.s32 $execute0_lowered;
	[smem:$0x3FD2] =	sst s26  }
0x1e: {  	s5 =	sshll.u32 s27, $0x1;
	_ =	strace $0x80000046;
	[dreg:$0x1] =	wrdreg $0xFFFFFFFF  }
0x1f: {  	s28 =	simm.s32 $_size_execute0_lowered;
	s3 =	sadd.s32 s3, s5;
	[dreg:$0x0] =	wrdreg $0x0  }
0x20: {  	s5 =	sshll.u32 s28, $0x1;
	[dreg:$0x2] =	wrdreg s3  }
0x21: {  	[dreg:$0x3] =	wrdreg s5  }
0x22: {  	[dreg:$0x4] =	wrdreg $0xC0  }
0x23: {  	_ =	task [dreg:s7], $0x5FFFF  }
0x24: {  	[dreg:$0x1] =	wrdreg $0xFFFFFFFF  }
0x25: {  	[dreg:$0x0] =	wrdreg $0x60  }
0x26: {  	[dreg:$0x2] =	wrdreg s2  }
0x27: {  	[dreg:$0x3] =	wrdreg s25  }
0x28: {  	[dreg:$0x4] =	wrdreg $0x9  }
0x29: {  	_ =	task.clear_ibuf [dreg:s7], $0x5FFFF;
	_ =	strace $0x90000046  }
0x2a: {  	s29 =	simm.s32 $0x9;
	_ =	strace $0x80000048  }
0x2b: {  	_ =	swait.ge [sflag:s29], $0x1  }
0x2c: {  	[sflag:s29] =	ssyncadd.s32 $0xFFFFFFFF  }
0x2d: {  	_ =	strace $0x90000048  }
0x2e: {  	_ =	sfence  }
0x2f: {  	s30 =	sld [smem:$0x0];
	_ =	sdelay $0x2  }
0x30: {  	s31 =	sshll.u32 s1, $0xD;
	s1 =	sshrl.u32 s1, $0x2  }
0x31: {  	s3 =	sand.u32 $0x4000, s31;
	s1 =	sadd.s32 s1, s30  }
0x32: {  	s0 =	sor.u32 s3, s0;
	s1 =	sshll.u32 s1, $0x11  }
0x33: {  	s0 =	sor.u32 s1, s0  }
0x34: {  	s0 =	sadd.s32 $0x8F2B, s0  }
0x35: {  	[sflag:s0] =	ssyncadd.remote.s32 $0x1  }
0x36: {  	_ =	sfence.sel $0xFFFF  }
0x37: {  	[dreg:$0x0] =	wrdreg $0xFFFFFFFF;
	(pc) =	sbr.abs _section_cstart, $3  }
0x38: {  	[dreg:$0x1] =	wrdreg $0xFFFFFFFF  }
0x39: {  	_ =	task.clear_ibuf [dreg:s7], $0x2FFFF;
	_ =	strace $0x9FFFFFFF  }
0x3a: {  	(tm) =	ssettm $0x7FFFFFFF  }
0x3b: {  	_ =	shalt  }
tec
execute0_lowered:
.L_overlay_start_1:
0x0: {  	(tag) =	ssettag $0x1  }
0x1: {  	s2 =	rddreg [dreg:$0x0]  }
0x2: {  	s6 =	rddreg [dreg:$0x1];
	s1 =	stileid.u32  }
0x3: {  	s0 =	rddreg [dreg:$0x2];
	s4 =	srdreg.scid;
	_ =	strace $0x80000047  }
0x4: {  	s9 =	simm.s32 $0x2;
	s15 =	simm.s32 $0x0;
	p0 =	por $0x0, $0x0  }
0x5: {  	s10 =	simm.s32 $0x200;
	s16 =	simm.s32 $0x0;
	s17 =	simm.s32 $0x0  }
0x6: {  	s11 =	simm.s32 $0x0;
	s3 =	sand.u32 $0x1, s1;
	s4 =	sshll.u32 s4, $0x4  }
0x7: {  	s14 =	simm.s32 $0x0;
	s5 =	ssub.s32 $0x2, s3;
	s4 =	sand.u32 $0x10, s4  }
.Ltmp0:
0x8: {  	s7 =	sshrl.u32 s5, $0x1;
	s5 =	sand.u32 $0x1, s5;
	(pc) =	sbr.rel .LBB1_1-.Ltmp0, $4  }
0x9: {  	s8 =	sor.u32 s1, s4;
	s4 =	simm.s32 $0x1;
	s5 =	sadd.s32 s5, s7  }
0xa: {  	s6 =	sadd.s32 $0xC00, s6;
	[sflag:s4] =	ssyncpa.u1 $0x0;
	s5 =	smul.u32 $0x18, s5  }
0xb: {  	s13 =	smov.u32 s3;
	s7 =	sshrl.u32 s8, $0x1;
	[sflag:s9] =	ssyncpa.u1 $0x0  }
0xc: {  	s9 =	simm.s32 $0x80;
	s12 =	smov.u32 s7;
	s8 =	sor.u32 $0x1, s5  }
.LBB1_4:
0xd: {  	_ =	sdelay $0x3  }
0xe: {  	[tilespmem:v0+s19+$0xFFFFFFA0 ss:$0x1] =	vst.idx.msk $0xffff, v6  }
0xf: {  	v56 =	vld.idx.msk [tilespmem:v1+s20+$0x30 ss:$0x1], $0xffff;
	[tilespmem:v0+s19+$0xFFFFFFB0 ss:$0x1] =	vst.idx.msk $0xffff, v4  }
0x10: {  	v57 =	vld.idx.msk [tilespmem:v1+s20+$0xFFFFFFC0 ss:$0x1], $0xffff;
	[tilespmem:v0+s19+$0xFFFFFFC0 ss:$0x1] =	vst.idx.msk $0xffff, v2  }
0x11: {  	v58 =	vld.idx.msk [tilespmem:v1+s20+$0xFFFFFFD0 ss:$0x1], $0xffff;
	[tilespmem:v0+s19+$0xFFFFFFD0 ss:$0x1] =	vst.idx.msk $0xffff, v3  }
0x12: {  	v59 =	vld.idx.msk [tilespmem:v1+s20+$0xFFFFFFE0 ss:$0x1], $0xffff;
	[tilespmem:v0+s19+$0xFFFFFFE0 ss:$0x1] =	vst.idx.msk $0xffff, v5  }
0x13: {  	v60 =	vld.idx.msk [tilespmem:v1+s20+$0xFFFFFFF0 ss:$0x1], $0xffff;
	[tilespmem:v0+s19+$0xFFFFFFF0 ss:$0x1] =	vst.idx.msk $0xffff, v7  }
0x14: {  	v61 =	vld.idx.msk [tilespmem:v1+s20+$0x0 ss:$0x1], $0xffff;
	[tilespmem:v0+s20+$0x0 ss:$0x1] =	vst.idx.msk $0xffff, v56  }
0x15: {  	v62 =	vld.idx.msk [tilespmem:v1+s20+$0x10 ss:$0x1], $0xffff;
	[tilespmem:v0+s20+$0xFFFFFF90 ss:$0x1] =	vst.idx.msk $0xffff, v57  }
0x16: {  	v63 =	vld.idx.msk [tilespmem:v1+s20+$0x20 ss:$0x1], $0xffff;
	[tilespmem:v0+s20+$0xFFFFFFA0 ss:$0x1] =	vst.idx.msk $0xffff, v58  }
0x17: {  	[tilespmem:v0+s20+$0xFFFFFFB0 ss:$0x1] =	vst.idx.msk $0xffff, v59  }
0x18: {  	s17 =	sshll.u32 s17, $0x14;
	[tilespmem:v0+s20+$0xFFFFFFC0 ss:$0x1] =	vst.idx.msk $0xffff, v60  }
0x19: {  	s16 =	sshll.u32 s16, $0xD;
	s15 =	sshll.u32 s15, $0x4;
	s17 =	sadd.s32 s6, s17;
	[tilespmem:v0+s20+$0xFFFFFFD0 ss:$0x1] =	vst.idx.msk $0xffff, v61  }
0x1a: {  	s15 =	sand.u32 $0x30, s15;
	s16 =	sadd.s32 s16, s17;
	[tilespmem:v0+s20+$0xFFFFFFE0 ss:$0x1] =	vst.idx.msk $0xffff, v62  }
0x1b: {  	s15 =	sadd.s32 s15, s16;
	[tilespmem:v0+s20+$0xFFFFFFF0 ss:$0x1] =	vst.idx.msk $0xffff, v63  }
0x1c: {  	[hbm4b:s15+s9] =	stream.strided.scatter [tilespmem:s18], [sflag:$0x2], $0x4000, s10, s9, $0x38;
	[tilespmem:$0x10000] =	vst v63  }
.LBB1_5:
0x1d: {  	s18 =	sadd.s32 $0x1, s11  }
0x1e: {  	s15 =	sadd.s32 $0x10, s12;
	s19 =	smov.u32 s12;
	p2 =	sgt.s32 s18, $0x2  }
0x1f: {  	s19 =	smov.u32 @p2 s15  }
0x20: {  	s21 =	smov.u32 s13;
	s15 =	sadd.s32 $0x2, s13;
	p3 =	sgt.s32 s19, $0x7F  }
0x21: {  	s21 =	smov.u32 @p3 s15  }
0x22: {  	s18 =	simm.s32 @p2 $0x0;
	p2 =	sgt.s32 s21, $0x1  }
0x23: {  	p1 =	slt.u32 s14, $0x2;
	s21 =	smov.u32 @p2 s3;
	p2 =	sne.s32 s14, s8  }
.Ltmp1:
0x24: {  	s20 =	simm.s32 @!p1 $0x2;
	(pc) =	sbr.rel @!p2 .LBB1_6-.Ltmp1, $4  }
0x25: {  	s16 =	smov.u32 s12;
	s17 =	smov.u32 s13;
	_ =	swait.ge @!p1 [sflag:s20], $0x4000  }
0x26: {  	p0 =	por !p0, !p0;
	[sflag:s20] =	ssyncset.done @!p1 $0x0;
	s19 =	smov.u32 @p3 s7  }
0x27: {  	s15 =	smov.u32 s11;
	[sflag:s20] =	ssyncadd.s32 @!p1 $0xFFFFC000;
	s11 =	smov.u32 s18  }
0x28: {  	s12 =	smov.u32 s19;
	s14 =	sadd.s32 $0x1, s14;
	s13 =	smov.u32 s21  }
.LBB1_1:
0x29: {  	p1 =	sge.u32 s14, s5  }
0x2a: {  	s18 =	smul.u32 @!p1 $0xC0000, s13  }
0x2b: {  	s19 =	smul.u32 @!p1 $0x1800, s12  }
0x2c: {  	s31 =	sadd.s32 $0xFFFFFFFF, s14;
	s20 =	sxor.u32 @!p1 $0xFFFFFFFF, s14;
	s18 =	sadd.s32 @!p1 s2, s18  }
0x2d: {  	s21 =	sshll.u32 @!p1 s11, $0xB;
	s20 =	sshll.u32 @!p1 s20, $0xE;
	s18 =	sadd.s32 @!p1 s19, s18  }
0x2e: {  	s19 =	sand.u32 @!p1 $0x4000, s20;
	s20 =	simm.s32 @!p1 $0x0;
	s18 =	sadd.s32 @!p1 s21, s18  }
0x2f: {  	[tilespmem:s19], [sflag:$0x1] =	stream.linear.gather @!p1 [hbm4b:s18+s20], $0x4000, $0x38;
	[tilespmem:$0x10000] =	vst v63  }
0x30: {  	p1 =	sge.u32 s31, s5  }
.Ltmp2:
0x31: {  	_ = 	snop;
	(pc) =	sbr.rel @p1 .LBB1_5-.Ltmp2, $1  }
0x32: {  	_ =	sdelay $0x3  }
0x33: {  	s18 =	simm.s32 $0x1  }
0x34: {  	s18 =	simm.s32 @!p0 $0x0  }
0x35: {  	s18 =	sshll.u32 s18, $0xE  }
0x36: {  	s19 =	sor.u32 $0x40, s18  }
0x37: {  	v1 =	vmov s19;
	_ =	sdelay $0x1  }
0x38: {  	_ =	swait.ge [sflag:s4], $0x4000  }
0x39: {  	[sflag:s4] =	ssyncset.done $0x0  }
0x3a: {  	[sflag:s4] =	ssyncadd.s32 $0xFFFFC000;
	s19 =	simm.s32 $0x0  }
0x3b: {  	s18 =	sor.u32 $0x8070, s18;
	v7 =	vld.idx.msk [tilespmem:v1+s19+$0x30 ss:$0x1], $0xffff  }
0x3c: {  	v0 =	vmov s18;
	v8 =	vld.idx.msk [tilespmem:v1+s19+$0xFFFFFFC0 ss:$0x1], $0xffff  }
0x3d: {  	v6 =	vld.idx.msk [tilespmem:v1+s19+$0xFFFFFFD0 ss:$0x1], $0xffff  }
0x3e: {  	v4 =	vld.idx.msk [tilespmem:v1+s19+$0xFFFFFFE0 ss:$0x1], $0xffff  }
0x3f: {  	v2 =	vld.idx.msk [tilespmem:v1+s19+$0xFFFFFFF0 ss:$0x1], $0xffff  }
0x40: {  	s31 =	sshll.u32 s14, $0xE;
	v3 =	vld.idx.msk [tilespmem:v1+s19+$0x0 ss:$0x1], $0xffff  }
0x41: {  	s18 =	sand.u32 $0x4000, s31;
	v5 =	vld.idx.msk [tilespmem:v1+s19+$0x10 ss:$0x1], $0xffff;
	[tilespmem:v0+s19+$0x0 ss:$0x1] =	vst.idx.msk $0xffff, v7  }
0x42: {  	s20 =	simm.s32 $0x80;
	s21 =	simm.s32 $0x400;
	s18 =	sor.u32 $0x8000, s18;
	[tilespmem:v0+s19+$0xFFFFFF90 ss:$0x1] =	vst.idx.msk $0xffff, v8;
	v7 =	vld.idx.msk [tilespmem:v1+s19+$0x20 ss:$0x1], $0xffff  }
.LBB1_3:
0x43: {  	p1 =	sne.s32 s21, $0xFE00;
	v8 =	vld.idx.msk [tilespmem:v1+s20+$0x30 ss:$0x1], $0xffff;
	[tilespmem:v0+s19+$0xFFFFFFA0 ss:$0x1] =	vst.idx.msk $0xffff, v6  }
0x44: {  	v9 =	vld.idx.msk [tilespmem:v1+s20+$0xFFFFFFC0 ss:$0x1], $0xffff;
	[tilespmem:v0+s19+$0xFFFFFFB0 ss:$0x1] =	vst.idx.msk $0xffff, v4  }
0x45: {  	v6 =	vld.idx.msk [tilespmem:v1+s20+$0xFFFFFFD0 ss:$0x1], $0xffff;
	[tilespmem:v0+s19+$0xFFFFFFC0 ss:$0x1] =	vst.idx.msk $0xffff, v2  }
.Ltmp3:
0x46: {  	v4 =	vld.idx.msk [tilespmem:v1+s20+$0xFFFFFFE0 ss:$0x1], $0xffff;
	[tilespmem:v0+s19+$0xFFFFFFD0 ss:$0x1] =	vst.idx.msk $0xffff, v3;
	(pc) =	sbr.rel @p1 .LBB1_3-.Ltmp3, $4  }
0x47: {  	v2 =	vld.idx.msk [tilespmem:v1+s20+$0xFFFFFFF0 ss:$0x1], $0xffff;
	[tilespmem:v0+s19+$0xFFFFFFE0 ss:$0x1] =	vst.idx.msk $0xffff, v5  }
0x48: {  	v3 =	vld.idx.msk [tilespmem:v1+s20+$0x0 ss:$0x1], $0xffff;
	[tilespmem:v0+s19+$0xFFFFFFF0 ss:$0x1] =	vst.idx.msk $0xffff, v7;
	s19 =	smov.u32 s20  }
0x49: {  	v5 =	vld.idx.msk [tilespmem:v1+s19+$0x10 ss:$0x1], $0xffff;
	[tilespmem:v0+s19+$0x0 ss:$0x1] =	vst.idx.msk $0xffff, v8  }
0x4a: {  	s20 =	sshra.s32 s21, $0x2;
	s21 =	sadd.s32 $0x200, s21;
	[tilespmem:v0+s19+$0xFFFFFF90 ss:$0x1] =	vst.idx.msk $0xffff, v9;
	v7 =	vld.idx.msk [tilespmem:v1+s19+$0x20 ss:$0x1], $0xffff  }
.Ltmp4:
0x4b: {  	_ = 	snop;
	(pc) =	sbr.rel .LBB1_4-.Ltmp4, $1  }
0x4c: {  	_ =	sdelay $0x3  }
.LBB1_6:
0x4d: {  	_ =	sfence.sel $0x180000  }
0x4e: {  	s2 =	simm.s32 $0x1;
	[bflag:$0x0] =	sbarrier.arrive $0xFFFF  }
0x4f: {  	s31 =	simm.s32 $0x2;
	[sflag:s2] =	ssyncpa.u1 $0x1  }
0x50: {  	[sflag:s31] =	ssyncpa.u1 $0x1  }
0x51: {  	p0 =	sne.s32 s1, $0x0;
	_ =	strace $0x90000047  }
0x52: {  	s0 =	sadd.s32 @!p0 $0x100000, s0;
	[bflag:$0x2] =	sbarrier.arrive $0xFFFF  }
0x53: {  	[sflag:s0] =	ssyncadd.tile.s32 @!p0 $0x1;
	_ =	shalt  }
.Lfunc_end1:
_tile_overlayer_lowered:
.L_overlay_start_2:
0x54: {  	(tag) =	ssettag $0x2  }
0x55: {  	s0 =	rddreg [dreg:$0x0];
	s2 =	stileid.u32  }
0x56: {  	s1 =	rddreg [dreg:$0x1];
	p0 =	sne.s32 s2, $0x0  }
0x57: {  	s3 =	rddreg [dreg:$0x2];
	[bflag:$0x3] =	sbarrier.arrive $0xFFFF;
	s2 =	simm.s32 @!p0 $0x1C01  }
0x58: {  	[timem:s3], [sflag:s2] =	dma.local @!p0 [hbm:s0], s1  }
0x59: {  	s0 =	simm.s32 @!p0 $0x1  }
0x5a: {  	_ =	swait.ge @!p0 [sflag:s0], s1  }
0x5b: {  	s1 =	ssub.s32 @!p0 $0x0, s1;
	[sflag:s0] =	ssyncset.done @!p0 $0x0  }
0x5c: {  	[sflag:s0] =	ssyncadd.s32 @!p0 s1  }
0x5d: {  	[bflag:$0x3] =	sbarrier.arrive $0xFFFF  }
0x5e: {  	_ =	shalt  }

</sc_bundles>
